<compile_context>
chip_gen: v7x
topology: tpu7x:2x2x1
jax: 0.10.2.dev20260603
libtpu: 0.0.44.dev20260713+nightly
codegen_flags: <defaults>
</compile_context>

<pallas_src>
import functools

import numpy as np
import jax
import jax.numpy as jnp
from jax.experimental import pallas as pl
from jax.experimental.pallas import tpu as pltpu

B = 8
IN_FEATS = 256
HID = 512
NUM_CLASSES = 1000
NUM_NODES = 16
NODE_DIM = IN_FEATS // NUM_NODES
H = W = 224
KPAD = 32


def _conv_mean_body(x_ref, w_ref, o_ref):
    zrows = jnp.zeros((2, 256), jnp.bfloat16)

    def block_step(i, acc):
        y0 = pl.multiple_of(i * 56, 8)
        win = [x_ref[0, j, pl.ds(y0, 64), :] for j in range(10)]
        for r in range(56):
            pt = jnp.concatenate([wj[r:r + 3] for wj in win] + [zrows],
                                 axis=0)
            z = jax.lax.dot_general(
                pt, w_ref[...],
                dimension_numbers=(((0,), (0,)), ((), ())),
                preferred_element_type=jnp.float32)
            acc = acc + jnp.sum(
                jnp.maximum(z, 0.0).reshape(32, 8, IN_FEATS), axis=0)
        return acc

    acc = jax.lax.fori_loop(0, H // 56, block_step,
                            jnp.zeros((8, IN_FEATS), jnp.float32))
    o_ref[0, 0, :] = jnp.sum(acc, axis=0) * jnp.float32(1.0 / (H * W))


def _gcn_layer1_body(agg_ref, d_ref, w1t_ref, b1_ref, o_ref):
    f32 = jnp.float32
    agg = agg_ref[...] * d_ref[...]
    o_ref[...] = jnp.maximum(
        jax.lax.dot_general(agg, w1t_ref[...], (((1,), (0,)), ((), ())),
                            preferred_element_type=f32) + b1_ref[...], 0.0)


def _gcn_layer2_body(agg_ref, d_ref, p_ref, w2t_ref, b2_ref,
                     wfct_ref, bfc_ref, o_ref):
    f32 = jnp.float32
    agg = agg_ref[...] * d_ref[...]
    h2 = jnp.maximum(
        jax.lax.dot_general(agg, w2t_ref[...], (((1,), (0,)), ((), ())),
                            preferred_element_type=f32) + b2_ref[...], 0.0)
    pooled = jax.lax.dot_general(
        p_ref[...], h2, (((1,), (0,)), ((), ())), preferred_element_type=f32)
    o_ref[...] = jax.lax.dot_general(
        pooled, wfct_ref[...], (((1,), (0,)), ((), ())),
        preferred_element_type=f32) + bfc_ref[...]


def _deg_vector():
    d = np.array([1.0 / max(NUM_NODES - 1 - i, 1) for i in range(NUM_NODES)],
                 np.float32)
    return jnp.asarray(np.tile(d, B)[:, None])


def _pool_matrix():
    p = np.kron(np.eye(B, dtype=np.float32),
                np.full((1, NUM_NODES), 1.0 / NUM_NODES, np.float32))
    return jnp.asarray(p)


def _sc_segment_suffix_sum(data, chunk_w):
    from jax.experimental.pallas import tpu_sc as plsc
    nrows, d_feat = data.shape
    d_chunks = d_feat // chunk_w
    ntasks = B * d_chunks
    mesh = plsc.VectorSubcoreMesh(core_axis_name="c", subcore_axis_name="s")

    @functools.partial(
        pl.kernel,
        out_type=jax.ShapeDtypeStruct((nrows, d_feat), jnp.float32),
        mesh=mesh,
        scratch_types=[pltpu.VMEM((16, NUM_NODES, chunk_w), jnp.float32),
                       pltpu.VMEM((16, NUM_NODES, chunk_w), jnp.float32),
                       pltpu.SemaphoreType.DMA((16,))],
    )
    def agg_kernel(x_hbm, o_hbm, in_vs, out_vs, sems):
        sidx = jax.lax.axis_index("s")
        t = jax.lax.axis_index("c") * 16 + sidx
        in_v = in_vs.at[sidx]
        out_v = out_vs.at[sidx]
        sem = sems.at[sidx]

        @pl.when(t < ntasks)
        def _():
            bq = t // d_chunks
            cq = jax.lax.rem(t, d_chunks)
            r0 = bq * NUM_NODES
            c0 = cq * chunk_w
            pltpu.async_copy(
                x_hbm.at[pl.ds(r0, NUM_NODES), pl.ds(c0, chunk_w)],
                in_v, sem).wait()

            @pl.loop(0, chunk_w, step=16)
            def _(l):
                sl = pl.ds(l, 16)
                out_v.at[NUM_NODES - 1, sl][...] = jnp.zeros((16,), jnp.float32)

                @pl.loop(0, NUM_NODES - 1)
                def _(ii):
                    i = NUM_NODES - 2 - ii
                    up = in_v.at[i + 1, sl][...]
                    out_v.at[i, sl][...] = up
                    in_v.at[i, sl][...] = in_v.at[i, sl][...] + up

            pltpu.async_copy(
                out_v, o_hbm.at[pl.ds(r0, NUM_NODES), pl.ds(c0, chunk_w)],
                sem).wait()

    return agg_kernel(data)


def kernel(x, conv_w, conv_b, w1, b1, w2, b2, wfc, bfc):
    xp = jnp.pad(x, ((0, 0), (0, 0), (1, 15), (1, 1)))
    planes = [xp[:, ci, :, dx:dx + W] for ci in range(3) for dx in range(3)]
    planes.append(jnp.ones_like(planes[0]))
    xs = jnp.stack(planes, axis=1)
    xs = jnp.pad(xs, ((0, 0), (0, 0), (0, 0), (0, 32))).astype(jnp.bfloat16)

    wmat = conv_w.transpose(1, 3, 2, 0).reshape(27, IN_FEATS)
    wmat = jnp.concatenate(
        [wmat, conv_b[None, :], jnp.zeros((4, IN_FEATS), conv_b.dtype)], axis=0)
    wmat = wmat.astype(jnp.bfloat16)

    h = pl.pallas_call(
        _conv_mean_body,
        grid=(B,),
        in_specs=[
            pl.BlockSpec((1, 10, 240, 256), lambda i: (i, 0, 0, 0)),
            pl.BlockSpec((KPAD, IN_FEATS), lambda i: (0, 0)),
        ],
        out_specs=pl.BlockSpec((1, 1, IN_FEATS), lambda i: (i, 0, 0)),
        out_shape=jax.ShapeDtypeStruct((B, 1, IN_FEATS), jnp.float32),
        compiler_params=pltpu.CompilerParams(
            dimension_semantics=("parallel",)),
    )(xs, wmat)

    nodes = h.reshape(B * NUM_NODES, NODE_DIM)
    dvec = _deg_vector()

    aggs1 = _sc_segment_suffix_sum(nodes, NODE_DIM)
    h1 = pl.pallas_call(
        _gcn_layer1_body,
        out_shape=jax.ShapeDtypeStruct((B * NUM_NODES, HID), jnp.float32),
    )(aggs1, dvec, w1.T, b1[None, :])

    aggs2 = _sc_segment_suffix_sum(h1, 128)
    out = pl.pallas_call(
        _gcn_layer2_body,
        out_shape=jax.ShapeDtypeStruct((B, NUM_CLASSES), jnp.float32),
    )(aggs2, dvec, _pool_matrix(), w2.T, b2[None, :], wfc.T, bfc[None, :])
    return out

# --- scband reference (transcript-rebuilt; emitter-appended) ---
"""Pipeline reference for scband-gcnmodel-59785944760971 (READ-ONLY COPY).

The authoritative reference and input builder live on the scoring server;
editing this copy changes nothing except your own understanding.
"""

import jax, jax.numpy as jnp
import numpy as np
import itertools

B = 8
IN_FEATS = 256
HID = 512
NUM_CLASSES = 1000
NUM_NODES = 16
NODE_DIM = IN_FEATS // NUM_NODES


def setup_inputs(seed: int = 0) -> dict:
    key = jax.random.key(seed)
    ks = jax.random.split(key, 9)
    x = jax.random.normal(ks[0], (B, 3, 224, 224), dtype=jnp.float32)
    conv_w = jax.random.normal(ks[1], (IN_FEATS, 3, 3, 3), dtype=jnp.float32) * 0.05
    conv_b = jnp.zeros((IN_FEATS,), dtype=jnp.float32)
    w1 = jax.random.normal(ks[2], (HID, NODE_DIM), dtype=jnp.float32) * 0.05
    b1 = jnp.zeros((HID,), dtype=jnp.float32)
    w2 = jax.random.normal(ks[3], (HID, HID), dtype=jnp.float32) * 0.02
    b2 = jnp.zeros((HID,), dtype=jnp.float32)
    wfc = jax.random.normal(ks[4], (NUM_CLASSES, HID), dtype=jnp.float32) * 0.02
    bfc = jnp.zeros((NUM_CLASSES,), dtype=jnp.float32)
    return {"x": x, "conv_w": conv_w, "conv_b": conv_b, "w1": w1, "b1": b1, "w2": w2, "b2": b2, "wfc": wfc, "bfc": bfc}


def _edge_index(batch_size):
    pairs = np.array(list(itertools.combinations(range(NUM_NODES), 2)), dtype=np.int64).T  # [2, 120]
    e = pairs.shape[1]
    ei = np.tile(pairs, (1, batch_size))
    offset = np.repeat(np.arange(batch_size, dtype=np.int64) * NUM_NODES, e)
    ei = ei + offset[None, :]
    return ei


def reference(x, conv_w, conv_b, w1, b1, w2, b2, wfc, bfc):
    batch_size = x.shape[0]
    h = jax.lax.conv_general_dilated(x, conv_w, window_strides=(1, 1), padding="SAME",
                                     dimension_numbers=("NCHW", "OIHW", "NCHW"))
    h = jax.nn.relu(h + conv_b[None, :, None, None])
    h = jnp.mean(h, axis=(2, 3))  # AdaptiveAvgPool2d((1,1)) + Flatten
    nodes = h.reshape(batch_size * NUM_NODES, -1)
    ei = _edge_index(batch_size)
    row = jnp.asarray(ei[0])
    col = jnp.asarray(ei[1])
    n_seg = batch_size * NUM_NODES

    def scatter_mean(vals, idx, num_segments):
        s = jax.ops.segment_sum(vals, idx, num_segments=num_segments)
        cnt = jax.ops.segment_sum(jnp.ones((vals.shape[0],), dtype=vals.dtype), idx, num_segments=num_segments)
        return s / jnp.maximum(cnt, 1.0)[:, None]

    def gcn(xn, w, b):
        agg = scatter_mean(xn[col], row, n_seg)
        return agg @ w.T + b

    g = jax.nn.relu(gcn(nodes, w1, b1))
    g = jax.nn.relu(gcn(g, w2, b2))
    batch_ids = jnp.repeat(jnp.arange(batch_size), NUM_NODES)
    pooled = jax.ops.segment_sum(g, batch_ids, num_segments=batch_size) / float(NUM_NODES)
    return pooled @ wfc.T + bfc

if __name__ == "__main__":
    import jax
    _d = setup_inputs()
    print(jax.jit(kernel)(*tuple(_d.values())))

</pallas_src>

<mosaic_0001>
#map = affine_map<(d0, d1) -> (0, 0)>
module attributes {stable_mosaic.version = 14 : i64} {
  func.func @agg_kernel(%arg0: i32, %arg1: i32, %arg2: memref<128x512xf32, #tpu.memory_space<hbm>>, %arg3: memref<128x512xf32, #tpu.memory_space<hbm>>, %arg4: memref<16x16x128xf32, #tpu.memory_space<vmem>>, %arg5: memref<16x16x128xf32, #tpu.memory_space<vmem>>, %arg6: memref<16x!tpu.dma_semaphore, #tpu.memory_space<semaphore_mem>>) attributes {dimension_semantics = [#tpu.dimension_semantics<core_parallel>, #tpu.dimension_semantics<subcore_parallel>], iteration_bounds = array<i64: 2, 16>, scalar_prefetch = 0 : i64, scratch_operands = 3 : i64, tpu.core_type = #tpu.core_type<sc_vector_subcore>, window_params = [{transform_indices = #map}, {transform_indices = #map}]} {
    %mul3A = arith.constant 16 : i32
    %mul3A_0 = arith.muli %arg0, %mul3A : i32
    %add3A = arith.addi %mul3A_0, %arg1 : i32
    %lt3A = arith.constant 32 : i32
    %lt3A_1 = arith.cmpi slt, %add3A, %lt3A : i32
    %convert_element_type3A = arith.extui %lt3A_1 : i1 to i32
    %cond3A = arith.constant 0 : i32
    %cond3A_2 = arith.cmpi ne, %convert_element_type3A, %cond3A : i32
    scf.if %cond3A_2 {
      %jit3A = arith.constant 4 : i32
      %div3A = arith.divsi %add3A, %jit3A : i32
      %sign3A = arith.constant 0 : i32
      %sign3A_3 = arith.cmpi sgt, %add3A, %sign3A : i32
      %sign3A_4 = arith.extui %sign3A_3 : i1 to i32
      %sign3A_5 = arith.constant 0 : i32
      %sign3A_6 = arith.cmpi slt, %add3A, %sign3A_5 : i32
      %sign3A_7 = arith.extui %sign3A_6 : i1 to i32
      %sign3A_8 = arith.subi %sign3A_4, %sign3A_7 : i32
      %sign3A_9 = arith.constant 0 : i32
      %sign3A_10 = arith.cmpi sgt, %jit3A, %sign3A_9 : i32
      %sign3A_11 = arith.extui %sign3A_10 : i1 to i32
      %sign3A_12 = arith.constant 0 : i32
      %sign3A_13 = arith.cmpi slt, %jit3A, %sign3A_12 : i32
      %sign3A_14 = arith.extui %sign3A_13 : i1 to i32
      %sign3A_15 = arith.subi %sign3A_11, %sign3A_14 : i32
      %ne3A = arith.cmpi ne, %sign3A_8, %sign3A_15 : i32
      %rem3A = arith.remsi %add3A, %jit3A : i32
      %ne3A_16 = arith.constant 0 : i32
      %ne3A_17 = arith.cmpi ne, %rem3A, %ne3A_16 : i32
      %and3A = arith.andi %ne3A, %ne3A_17 : i1
      %sub3A = arith.constant 1 : i32
      %sub3A_18 = arith.subi %div3A, %sub3A : i32
      %select_n3A = arith.select %and3A, %sub3A_18, %div3A : i32
      %rem3A_19 = arith.constant 4 : i32
      %rem3A_20 = arith.remsi %add3A, %rem3A_19 : i32
      %mul3A_21 = arith.constant 16 : i32
      %mul3A_22 = arith.muli %select_n3A, %mul3A_21 : i32
      %mul3A_23 = arith.constant 128 : i32
      %mul3A_24 = arith.muli %rem3A_20, %mul3A_23 : i32
      %dma_start3A = arith.constant 0 : i32
      %dma_start3A_25 = arith.constant 0 : i32
      %dma_start3A_26 = tpu.memref_slice %arg4[%arg1, %dma_start3A, %dma_start3A_25] : memref<16x16x128xf32, #tpu.memory_space<vmem>> -> memref<1x16x128xf32, #tpu.memory_space<vmem>>
      %dma_start3A_27 = tpu.memref_squeeze %dma_start3A_26 : memref<1x16x128xf32, #tpu.memory_space<vmem>> -> memref<16x128xf32, #tpu.memory_space<vmem>>
      %dma_start3A_28 = tpu.memref_slice %arg2[%mul3A_22, %mul3A_24] : memref<128x512xf32, #tpu.memory_space<hbm>> -> memref<16x128xf32, #tpu.memory_space<hbm>>
      %dma_start3A_29 = tpu.memref_slice %arg6[%arg1] : memref<16x!tpu.dma_semaphore, #tpu.memory_space<semaphore_mem>> -> memref<1x!tpu.dma_semaphore, #tpu.memory_space<semaphore_mem>>
      %dma_start3A_30 = tpu.memref_squeeze %dma_start3A_29 : memref<1x!tpu.dma_semaphore, #tpu.memory_space<semaphore_mem>> -> memref<!tpu.dma_semaphore, #tpu.memory_space<semaphore_mem>>
      %dma_start3A_31 = arith.constant 0 : i32
      %dma_start3A_32 = arith.constant 0 : i32
      %dma_start3A_33 = tpu.memref_slice %arg4[%arg1, %dma_start3A_31, %dma_start3A_32] : memref<16x16x128xf32, #tpu.memory_space<vmem>> -> memref<1x16x128xf32, #tpu.memory_space<vmem>>
      %dma_start3A_34 = tpu.memref_squeeze %dma_start3A_33 : memref<1x16x128xf32, #tpu.memory_space<vmem>> -> memref<16x128xf32, #tpu.memory_space<vmem>>
      %dma_start3A_35 = tpu.memref_slice %arg2[%mul3A_22, %mul3A_24] : memref<128x512xf32, #tpu.memory_space<hbm>> -> memref<16x128xf32, #tpu.memory_space<hbm>>
      tpu.enqueue_dma source(%dma_start3A_35 : memref<16x128xf32, #tpu.memory_space<hbm>>) target(%dma_start3A_34 : memref<16x128xf32, #tpu.memory_space<vmem>>) target_semaphore(%dma_start3A_30 : memref<!tpu.dma_semaphore, #tpu.memory_space<semaphore_mem>>)
      %dma_wait3A = arith.constant 0 : i32
      %dma_wait3A_36 = arith.constant 0 : i32
      %dma_wait3A_37 = tpu.memref_slice %arg4[%arg1, %dma_wait3A, %dma_wait3A_36] : memref<16x16x128xf32, #tpu.memory_space<vmem>> -> memref<1x16x128xf32, #tpu.memory_space<vmem>>
      %dma_wait3A_38 = tpu.memref_squeeze %dma_wait3A_37 : memref<1x16x128xf32, #tpu.memory_space<vmem>> -> memref<16x128xf32, #tpu.memory_space<vmem>>
      %dma_wait3A_39 = tpu.memref_slice %arg2[%mul3A_22, %mul3A_24] : memref<128x512xf32, #tpu.memory_space<hbm>> -> memref<16x128xf32, #tpu.memory_space<hbm>>
      %dma_wait3A_40 = tpu.memref_slice %arg6[%arg1] : memref<16x!tpu.dma_semaphore, #tpu.memory_space<semaphore_mem>> -> memref<1x!tpu.dma_semaphore, #tpu.memory_space<semaphore_mem>>
      %dma_wait3A_41 = tpu.memref_squeeze %dma_wait3A_40 : memref<1x!tpu.dma_semaphore, #tpu.memory_space<semaphore_mem>> -> memref<!tpu.dma_semaphore, #tpu.memory_space<semaphore_mem>>
      %dma_wait3A_42 = arith.constant 0 : i32
      %dma_wait3A_43 = arith.constant 0 : i32
      %dma_wait3A_44 = tpu.memref_slice %arg4[%arg1, %dma_wait3A_42, %dma_wait3A_43] : memref<16x16x128xf32, #tpu.memory_space<vmem>> -> memref<1x16x128xf32, #tpu.memory_space<vmem>>
      %dma_wait3A_45 = tpu.memref_squeeze %dma_wait3A_44 : memref<1x16x128xf32, #tpu.memory_space<vmem>> -> memref<16x128xf32, #tpu.memory_space<vmem>>
      %dma_wait3A_46 = tpu.memref_slice %arg2[%mul3A_22, %mul3A_24] : memref<128x512xf32, #tpu.memory_space<hbm>> -> memref<16x128xf32, #tpu.memory_space<hbm>>
      tpu.wait_dma2 semaphore(%dma_wait3A_41 : memref<!tpu.dma_semaphore, #tpu.memory_space<semaphore_mem>>) src(%dma_wait3A_46 : memref<16x128xf32, #tpu.memory_space<hbm>>) dst(%dma_wait3A_45 : memref<16x128xf32, #tpu.memory_space<vmem>>)
      %scan3A = arith.constant 0 : i32
      %scan3A_47 = arith.constant 8 : i32
      %scan3A_48 = arith.addi %scan3A, %scan3A_47 : i32
      %scan3A_49 = arith.constant 1 : i32
      scf.for %scan3A_75 = %scan3A to %scan3A_48 step %scan3A_49  : i32 {
        %mul3A_76 = arith.constant 16 : i32
        %mul3A_77 = arith.muli %scan3A_75, %mul3A_76 : i32
        %add3A_78 = arith.constant 0 : i32
        %add3A_79 = arith.addi %add3A_78, %mul3A_77 : i32
        %broadcast_in_dim3A = arith.constant 0.000000e+00 : f32
        %broadcast_in_dim3A_80 = vector.broadcast %broadcast_in_dim3A : f32 to vector<16xf32>
        %swap3A = arith.constant 15 : i32
        %swap3A_81 = arith.constant 0 : i32
        %swap3A_82 = arith.constant 0 : i32
        %swap3A_83 = tpu.memref_slice %arg5[%arg1, %swap3A_81, %swap3A_82] : memref<16x16x128xf32, #tpu.memory_space<vmem>> -> memref<1x16x128xf32, #tpu.memory_space<vmem>>
        %swap3A_84 = tpu.memref_squeeze %swap3A_83 : memref<1x16x128xf32, #tpu.memory_space<vmem>> -> memref<16x128xf32, #tpu.memory_space<vmem>>
        %swap3A_85 = arith.index_cast %swap3A : i32 to index
        %swap3A_86 = arith.index_cast %add3A_79 : i32 to index
        %swap3A_87 = tpu.vector_load %swap3A_84[%swap3A_85, %swap3A_86] {strides = array<i32>} : memref<16x128xf32, #tpu.memory_space<vmem>>, vector<1x16xf32>,
        %swap3A_88 = vector.shape_cast %swap3A_87 : vector<1x16xf32> to vector<16xf32>
        %swap3A_89 = vector.shape_cast %broadcast_in_dim3A_80 : vector<16xf32> to vector<1x16xf32>
        tpu.vector_store %swap3A_84[%swap3A_85, %swap3A_86], %swap3A_89 {strides = array<i32>} : memref<16x128xf32, #tpu.memory_space<vmem>>, vector<1x16xf32>,
        %scan3A_90 = arith.constant 0 : i32
        %scan3A_91 = arith.constant 15 : i32
        %scan3A_92 = arith.addi %scan3A_90, %scan3A_91 : i32
        %scan3A_93 = arith.constant 1 : i32
        scf.for %scan3A_95 = %scan3A_90 to %scan3A_92 step %scan3A_93  : i32 {
          %mul3A_96 = arith.constant 1 : i32
          %mul3A_97 = arith.muli %scan3A_95, %mul3A_96 : i32
          %add3A_98 = arith.constant 0 : i32
          %add3A_99 = arith.addi %add3A_98, %mul3A_97 : i32
          %sub3A_100 = arith.constant 14 : i32
          %sub3A_101 = arith.subi %sub3A_100, %add3A_99 : i32
          %add3A_102 = arith.constant 1 : i32
          %add3A_103 = arith.addi %sub3A_101, %add3A_102 : i32
          %get3A = arith.constant 0 : i32
          %get3A_104 = arith.constant 0 : i32
          %get3A_105 = tpu.memref_slice %arg4[%arg1, %get3A, %get3A_104] : memref<16x16x128xf32, #tpu.memory_space<vmem>> -> memref<1x16x128xf32, #tpu.memory_space<vmem>>
          %get3A_106 = tpu.memref_squeeze %get3A_105 : memref<1x16x128xf32, #tpu.memory_space<vmem>> -> memref<16x128xf32, #tpu.memory_space<vmem>>
          %get3A_107 = arith.index_cast %add3A_103 : i32 to index
          %get3A_108 = arith.index_cast %add3A_79 : i32 to index
          %get3A_109 = tpu.vector_load %get3A_106[%get3A_107, %get3A_108] {strides = array<i32>} : memref<16x128xf32, #tpu.memory_space<vmem>>, vector<1x16xf32>,
          %get3A_110 = vector.shape_cast %get3A_109 : vector<1x16xf32> to vector<16xf32>
          %swap3A_111 = arith.constant 0 : i32
          %swap3A_112 = arith.constant 0 : i32
          %swap3A_113 = tpu.memref_slice %arg5[%arg1, %swap3A_111, %swap3A_112] : memref<16x16x128xf32, #tpu.memory_space<vmem>> -> memref<1x16x128xf32, #tpu.memory_space<vmem>>
          %swap3A_114 = tpu.memref_squeeze %swap3A_113 : memref<1x16x128xf32, #tpu.memory_space<vmem>> -> memref<16x128xf32, #tpu.memory_space<vmem>>
          %swap3A_115 = arith.index_cast %sub3A_101 : i32 to index
          %swap3A_116 = arith.index_cast %add3A_79 : i32 to index
          %swap3A_117 = tpu.vector_load %swap3A_114[%swap3A_115, %swap3A_116] {strides = array<i32>} : memref<16x128xf32, #tpu.memory_space<vmem>>, vector<1x16xf32>,
          %swap3A_118 = vector.shape_cast %swap3A_117 : vector<1x16xf32> to vector<16xf32>
          %swap3A_119 = vector.shape_cast %get3A_110 : vector<16xf32> to vector<1x16xf32>
          tpu.vector_store %swap3A_114[%swap3A_115, %swap3A_116], %swap3A_119 {strides = array<i32>} : memref<16x128xf32, #tpu.memory_space<vmem>>, vector<1x16xf32>,
          %get3A_120 = arith.constant 0 : i32
          %get3A_121 = arith.constant 0 : i32
          %get3A_122 = tpu.memref_slice %arg4[%arg1, %get3A_120, %get3A_121] : memref<16x16x128xf32, #tpu.memory_space<vmem>> -> memref<1x16x128xf32, #tpu.memory_space<vmem>>
          %get3A_123 = tpu.memref_squeeze %get3A_122 : memref<1x16x128xf32, #tpu.memory_space<vmem>> -> memref<16x128xf32, #tpu.memory_space<vmem>>
          %get3A_124 = arith.index_cast %sub3A_101 : i32 to index
          %get3A_125 = arith.index_cast %add3A_79 : i32 to index
          %get3A_126 = tpu.vector_load %get3A_123[%get3A_124, %get3A_125] {strides = array<i32>} : memref<16x128xf32, #tpu.memory_space<vmem>>, vector<1x16xf32>,
          %get3A_127 = vector.shape_cast %get3A_126 : vector<1x16xf32> to vector<16xf32>
          %add3A_128 = arith.addf %get3A_127, %get3A_110 : vector<16xf32>
          %swap3A_129 = arith.constant 0 : i32
          %swap3A_130 = arith.constant 0 : i32
          %swap3A_131 = tpu.memref_slice %arg4[%arg1, %swap3A_129, %swap3A_130] : memref<16x16x128xf32, #tpu.memory_space<vmem>> -> memref<1x16x128xf32, #tpu.memory_space<vmem>>
          %swap3A_132 = tpu.memref_squeeze %swap3A_131 : memref<1x16x128xf32, #tpu.memory_space<vmem>> -> memref<16x128xf32, #tpu.memory_space<vmem>>
          %swap3A_133 = arith.index_cast %sub3A_101 : i32 to index
          %swap3A_134 = arith.index_cast %add3A_79 : i32 to index
          %swap3A_135 = tpu.vector_load %swap3A_132[%swap3A_133, %swap3A_134] {strides = array<i32>} : memref<16x128xf32, #tpu.memory_space<vmem>>, vector<1x16xf32>,
          %swap3A_136 = vector.shape_cast %swap3A_135 : vector<1x16xf32> to vector<16xf32>
          %swap3A_137 = vector.shape_cast %add3A_128 : vector<16xf32> to vector<1x16xf32>
          tpu.vector_store %swap3A_132[%swap3A_133, %swap3A_134], %swap3A_137 {strides = array<i32>} : memref<16x128xf32, #tpu.memory_space<vmem>>, vector<1x16xf32>,
        }
        %scan3A_94 = arith.constant 15 : i32
      }
      %scan3A_50 = arith.constant 8 : i32
      %dma_start3A_51 = arith.constant 0 : i32
      %dma_start3A_52 = arith.constant 0 : i32
      %dma_start3A_53 = tpu.memref_slice %arg5[%arg1, %dma_start3A_51, %dma_start3A_52] : memref<16x16x128xf32, #tpu.memory_space<vmem>> -> memref<1x16x128xf32, #tpu.memory_space<vmem>>
      %dma_start3A_54 = tpu.memref_squeeze %dma_start3A_53 : memref<1x16x128xf32, #tpu.memory_space<vmem>> -> memref<16x128xf32, #tpu.memory_space<vmem>>
      %dma_start3A_55 = tpu.memref_slice %arg3[%mul3A_22, %mul3A_24] : memref<128x512xf32, #tpu.memory_space<hbm>> -> memref<16x128xf32, #tpu.memory_space<hbm>>
      %dma_start3A_56 = tpu.memref_slice %arg6[%arg1] : memref<16x!tpu.dma_semaphore, #tpu.memory_space<semaphore_mem>> -> memref<1x!tpu.dma_semaphore, #tpu.memory_space<semaphore_mem>>
      %dma_start3A_57 = tpu.memref_squeeze %dma_start3A_56 : memref<1x!tpu.dma_semaphore, #tpu.memory_space<semaphore_mem>> -> memref<!tpu.dma_semaphore, #tpu.memory_space<semaphore_mem>>
      %dma_start3A_58 = tpu.memref_slice %arg3[%mul3A_22, %mul3A_24] : memref<128x512xf32, #tpu.memory_space<hbm>> -> memref<16x128xf32, #tpu.memory_space<hbm>>
      %dma_start3A_59 = arith.constant 0 : i32
      %dma_start3A_60 = arith.constant 0 : i32
      %dma_start3A_61 = tpu.memref_slice %arg5[%arg1, %dma_start3A_59, %dma_start3A_60] : memref<16x16x128xf32, #tpu.memory_space<vmem>> -> memref<1x16x128xf32, #tpu.memory_space<vmem>>
      %dma_start3A_62 = tpu.memref_squeeze %dma_start3A_61 : memref<1x16x128xf32, #tpu.memory_space<vmem>> -> memref<16x128xf32, #tpu.memory_space<vmem>>
      tpu.enqueue_dma source(%dma_start3A_62 : memref<16x128xf32, #tpu.memory_space<vmem>>) target(%dma_start3A_58 : memref<16x128xf32, #tpu.memory_space<hbm>>) target_semaphore(%dma_start3A_57 : memref<!tpu.dma_semaphore, #tpu.memory_space<semaphore_mem>>)
      %dma_wait3A_63 = arith.constant 0 : i32
      %dma_wait3A_64 = arith.constant 0 : i32
      %dma_wait3A_65 = tpu.memref_slice %arg5[%arg1, %dma_wait3A_63, %dma_wait3A_64] : memref<16x16x128xf32, #tpu.memory_space<vmem>> -> memref<1x16x128xf32, #tpu.memory_space<vmem>>
      %dma_wait3A_66 = tpu.memref_squeeze %dma_wait3A_65 : memref<1x16x128xf32, #tpu.memory_space<vmem>> -> memref<16x128xf32, #tpu.memory_space<vmem>>
      %dma_wait3A_67 = tpu.memref_slice %arg3[%mul3A_22, %mul3A_24] : memref<128x512xf32, #tpu.memory_space<hbm>> -> memref<16x128xf32, #tpu.memory_space<hbm>>
      %dma_wait3A_68 = tpu.memref_slice %arg6[%arg1] : memref<16x!tpu.dma_semaphore, #tpu.memory_space<semaphore_mem>> -> memref<1x!tpu.dma_semaphore, #tpu.memory_space<semaphore_mem>>
      %dma_wait3A_69 = tpu.memref_squeeze %dma_wait3A_68 : memref<1x!tpu.dma_semaphore, #tpu.memory_space<semaphore_mem>> -> memref<!tpu.dma_semaphore, #tpu.memory_space<semaphore_mem>>
      %dma_wait3A_70 = tpu.memref_slice %arg3[%mul3A_22, %mul3A_24] : memref<128x512xf32, #tpu.memory_space<hbm>> -> memref<16x128xf32, #tpu.memory_space<hbm>>
      %dma_wait3A_71 = arith.constant 0 : i32
      %dma_wait3A_72 = arith.constant 0 : i32
      %dma_wait3A_73 = tpu.memref_slice %arg5[%arg1, %dma_wait3A_71, %dma_wait3A_72] : memref<16x16x128xf32, #tpu.memory_space<vmem>> -> memref<1x16x128xf32, #tpu.memory_space<vmem>>
      %dma_wait3A_74 = tpu.memref_squeeze %dma_wait3A_73 : memref<1x16x128xf32, #tpu.memory_space<vmem>> -> memref<16x128xf32, #tpu.memory_space<vmem>>
      tpu.wait_dma2 semaphore(%dma_wait3A_69 : memref<!tpu.dma_semaphore, #tpu.memory_space<semaphore_mem>>) src(%dma_wait3A_74 : memref<16x128xf32, #tpu.memory_space<vmem>>) dst(%dma_wait3A_70 : memref<16x128xf32, #tpu.memory_space<hbm>>)
    } else {
    }
    return
  }
}

#map = affine_map<(d0, d1) -> (0, 0)>
module attributes {stable_mosaic.version = 14 : i64} {
  func.func @agg_kernel(%arg0: i32, %arg1: i32, %arg2: memref<128x16xf32, #tpu.memory_space<hbm>>, %arg3: memref<128x16xf32, #tpu.memory_space<hbm>>, %arg4: memref<16x16x16xf32, #tpu.memory_space<vmem>>, %arg5: memref<16x16x16xf32, #tpu.memory_space<vmem>>, %arg6: memref<16x!tpu.dma_semaphore, #tpu.memory_space<semaphore_mem>>) attributes {dimension_semantics = [#tpu.dimension_semantics<core_parallel>, #tpu.dimension_semantics<subcore_parallel>], iteration_bounds = array<i64: 2, 16>, scalar_prefetch = 0 : i64, scratch_operands = 3 : i64, tpu.core_type = #tpu.core_type<sc_vector_subcore>, window_params = [{transform_indices = #map}, {transform_indices = #map}]} {
    %mul3A = arith.constant 16 : i32
    %mul3A_0 = arith.muli %arg0, %mul3A : i32
    %add3A = arith.addi %mul3A_0, %arg1 : i32
    %lt3A = arith.constant 8 : i32
    %lt3A_1 = arith.cmpi slt, %add3A, %lt3A : i32
    %convert_element_type3A = arith.extui %lt3A_1 : i1 to i32
    %cond3A = arith.constant 0 : i32
    %cond3A_2 = arith.cmpi ne, %convert_element_type3A, %cond3A : i32
    scf.if %cond3A_2 {
      %jit3A = arith.constant 1 : i32
      %div3A = arith.divsi %add3A, %jit3A : i32
      %sign3A = arith.constant 0 : i32
      %sign3A_3 = arith.cmpi sgt, %add3A, %sign3A : i32
      %sign3A_4 = arith.extui %sign3A_3 : i1 to i32
      %sign3A_5 = arith.constant 0 : i32
      %sign3A_6 = arith.cmpi slt, %add3A, %sign3A_5 : i32
      %sign3A_7 = arith.extui %sign3A_6 : i1 to i32
      %sign3A_8 = arith.subi %sign3A_4, %sign3A_7 : i32
      %sign3A_9 = arith.constant 0 : i32
      %sign3A_10 = arith.cmpi sgt, %jit3A, %sign3A_9 : i32
      %sign3A_11 = arith.extui %sign3A_10 : i1 to i32
      %sign3A_12 = arith.constant 0 : i32
      %sign3A_13 = arith.cmpi slt, %jit3A, %sign3A_12 : i32
      %sign3A_14 = arith.extui %sign3A_13 : i1 to i32
      %sign3A_15 = arith.subi %sign3A_11, %sign3A_14 : i32
      %ne3A = arith.cmpi ne, %sign3A_8, %sign3A_15 : i32
      %rem3A = arith.remsi %add3A, %jit3A : i32
      %ne3A_16 = arith.constant 0 : i32
      %ne3A_17 = arith.cmpi ne, %rem3A, %ne3A_16 : i32
      %and3A = arith.andi %ne3A, %ne3A_17 : i1
      %sub3A = arith.constant 1 : i32
      %sub3A_18 = arith.subi %div3A, %sub3A : i32
      %select_n3A = arith.select %and3A, %sub3A_18, %div3A : i32
      %rem3A_19 = arith.constant 1 : i32
      %rem3A_20 = arith.remsi %add3A, %rem3A_19 : i32
      %mul3A_21 = arith.constant 16 : i32
      %mul3A_22 = arith.muli %select_n3A, %mul3A_21 : i32
      %mul3A_23 = arith.constant 16 : i32
      %mul3A_24 = arith.muli %rem3A_20, %mul3A_23 : i32
      %dma_start3A = arith.constant 0 : i32
      %dma_start3A_25 = arith.constant 0 : i32
      %dma_start3A_26 = tpu.memref_slice %arg4[%arg1, %dma_start3A, %dma_start3A_25] : memref<16x16x16xf32, #tpu.memory_space<vmem>> -> memref<1x16x16xf32, #tpu.memory_space<vmem>>
      %dma_start3A_27 = tpu.memref_squeeze %dma_start3A_26 : memref<1x16x16xf32, #tpu.memory_space<vmem>> -> memref<16x16xf32, #tpu.memory_space<vmem>>
      %dma_start3A_28 = tpu.memref_slice %arg2[%mul3A_22, %mul3A_24] : memref<128x16xf32, #tpu.memory_space<hbm>> -> memref<16x16xf32, #tpu.memory_space<hbm>>
      %dma_start3A_29 = tpu.memref_slice %arg6[%arg1] : memref<16x!tpu.dma_semaphore, #tpu.memory_space<semaphore_mem>> -> memref<1x!tpu.dma_semaphore, #tpu.memory_space<semaphore_mem>>
      %dma_start3A_30 = tpu.memref_squeeze %dma_start3A_29 : memref<1x!tpu.dma_semaphore, #tpu.memory_space<semaphore_mem>> -> memref<!tpu.dma_semaphore, #tpu.memory_space<semaphore_mem>>
      %dma_start3A_31 = arith.constant 0 : i32
      %dma_start3A_32 = arith.constant 0 : i32
      %dma_start3A_33 = tpu.memref_slice %arg4[%arg1, %dma_start3A_31, %dma_start3A_32] : memref<16x16x16xf32, #tpu.memory_space<vmem>> -> memref<1x16x16xf32, #tpu.memory_space<vmem>>
      %dma_start3A_34 = tpu.memref_squeeze %dma_start3A_33 : memref<1x16x16xf32, #tpu.memory_space<vmem>> -> memref<16x16xf32, #tpu.memory_space<vmem>>
      %dma_start3A_35 = tpu.memref_slice %arg2[%mul3A_22, %mul3A_24] : memref<128x16xf32, #tpu.memory_space<hbm>> -> memref<16x16xf32, #tpu.memory_space<hbm>>
      tpu.enqueue_dma source(%dma_start3A_35 : memref<16x16xf32, #tpu.memory_space<hbm>>) target(%dma_start3A_34 : memref<16x16xf32, #tpu.memory_space<vmem>>) target_semaphore(%dma_start3A_30 : memref<!tpu.dma_semaphore, #tpu.memory_space<semaphore_mem>>)
      %dma_wait3A = arith.constant 0 : i32
      %dma_wait3A_36 = arith.constant 0 : i32
      %dma_wait3A_37 = tpu.memref_slice %arg4[%arg1, %dma_wait3A, %dma_wait3A_36] : memref<16x16x16xf32, #tpu.memory_space<vmem>> -> memref<1x16x16xf32, #tpu.memory_space<vmem>>
      %dma_wait3A_38 = tpu.memref_squeeze %dma_wait3A_37 : memref<1x16x16xf32, #tpu.memory_space<vmem>> -> memref<16x16xf32, #tpu.memory_space<vmem>>
      %dma_wait3A_39 = tpu.memref_slice %arg2[%mul3A_22, %mul3A_24] : memref<128x16xf32, #tpu.memory_space<hbm>> -> memref<16x16xf32, #tpu.memory_space<hbm>>
      %dma_wait3A_40 = tpu.memref_slice %arg6[%arg1] : memref<16x!tpu.dma_semaphore, #tpu.memory_space<semaphore_mem>> -> memref<1x!tpu.dma_semaphore, #tpu.memory_space<semaphore_mem>>
      %dma_wait3A_41 = tpu.memref_squeeze %dma_wait3A_40 : memref<1x!tpu.dma_semaphore, #tpu.memory_space<semaphore_mem>> -> memref<!tpu.dma_semaphore, #tpu.memory_space<semaphore_mem>>
      %dma_wait3A_42 = arith.constant 0 : i32
      %dma_wait3A_43 = arith.constant 0 : i32
      %dma_wait3A_44 = tpu.memref_slice %arg4[%arg1, %dma_wait3A_42, %dma_wait3A_43] : memref<16x16x16xf32, #tpu.memory_space<vmem>> -> memref<1x16x16xf32, #tpu.memory_space<vmem>>
      %dma_wait3A_45 = tpu.memref_squeeze %dma_wait3A_44 : memref<1x16x16xf32, #tpu.memory_space<vmem>> -> memref<16x16xf32, #tpu.memory_space<vmem>>
      %dma_wait3A_46 = tpu.memref_slice %arg2[%mul3A_22, %mul3A_24] : memref<128x16xf32, #tpu.memory_space<hbm>> -> memref<16x16xf32, #tpu.memory_space<hbm>>
      tpu.wait_dma2 semaphore(%dma_wait3A_41 : memref<!tpu.dma_semaphore, #tpu.memory_space<semaphore_mem>>) src(%dma_wait3A_46 : memref<16x16xf32, #tpu.memory_space<hbm>>) dst(%dma_wait3A_45 : memref<16x16xf32, #tpu.memory_space<vmem>>)
      %scan3A = arith.constant 0 : i32
      %mul3A_47 = arith.constant 16 : i32
      %mul3A_48 = arith.muli %scan3A, %mul3A_47 : i32
      %add3A_49 = arith.constant 0 : i32
      %add3A_50 = arith.addi %add3A_49, %mul3A_48 : i32
      %broadcast_in_dim3A = arith.constant 0.000000e+00 : f32
      %broadcast_in_dim3A_51 = vector.broadcast %broadcast_in_dim3A : f32 to vector<16xf32>
      %swap3A = arith.constant 15 : i32
      %swap3A_52 = arith.constant 0 : i32
      %swap3A_53 = arith.constant 0 : i32
      %swap3A_54 = tpu.memref_slice %arg5[%arg1, %swap3A_52, %swap3A_53] : memref<16x16x16xf32, #tpu.memory_space<vmem>> -> memref<1x16x16xf32, #tpu.memory_space<vmem>>
      %swap3A_55 = tpu.memref_squeeze %swap3A_54 : memref<1x16x16xf32, #tpu.memory_space<vmem>> -> memref<16x16xf32, #tpu.memory_space<vmem>>
      %swap3A_56 = arith.index_cast %swap3A : i32 to index
      %swap3A_57 = arith.index_cast %add3A_50 : i32 to index
      %swap3A_58 = tpu.vector_load %swap3A_55[%swap3A_56, %swap3A_57] {strides = array<i32>} : memref<16x16xf32, #tpu.memory_space<vmem>>, vector<1x16xf32>,
      %swap3A_59 = vector.shape_cast %swap3A_58 : vector<1x16xf32> to vector<16xf32>
      %swap3A_60 = vector.shape_cast %broadcast_in_dim3A_51 : vector<16xf32> to vector<1x16xf32>
      tpu.vector_store %swap3A_55[%swap3A_56, %swap3A_57], %swap3A_60 {strides = array<i32>} : memref<16x16xf32, #tpu.memory_space<vmem>>, vector<1x16xf32>,
      %scan3A_61 = arith.constant 0 : i32
      %scan3A_62 = arith.constant 15 : i32
      %scan3A_63 = arith.addi %scan3A_61, %scan3A_62 : i32
      %scan3A_64 = arith.constant 1 : i32
      scf.for %scan3A_91 = %scan3A_61 to %scan3A_63 step %scan3A_64  : i32 {
        %mul3A_92 = arith.constant 1 : i32
        %mul3A_93 = arith.muli %scan3A_91, %mul3A_92 : i32
        %add3A_94 = arith.constant 0 : i32
        %add3A_95 = arith.addi %add3A_94, %mul3A_93 : i32
        %sub3A_96 = arith.constant 14 : i32
        %sub3A_97 = arith.subi %sub3A_96, %add3A_95 : i32
        %add3A_98 = arith.constant 1 : i32
        %add3A_99 = arith.addi %sub3A_97, %add3A_98 : i32
        %get3A = arith.constant 0 : i32
        %get3A_100 = arith.constant 0 : i32
        %get3A_101 = tpu.memref_slice %arg4[%arg1, %get3A, %get3A_100] : memref<16x16x16xf32, #tpu.memory_space<vmem>> -> memref<1x16x16xf32, #tpu.memory_space<vmem>>
        %get3A_102 = tpu.memref_squeeze %get3A_101 : memref<1x16x16xf32, #tpu.memory_space<vmem>> -> memref<16x16xf32, #tpu.memory_space<vmem>>
        %get3A_103 = arith.index_cast %add3A_99 : i32 to index
        %get3A_104 = arith.index_cast %add3A_50 : i32 to index
        %get3A_105 = tpu.vector_load %get3A_102[%get3A_103, %get3A_104] {strides = array<i32>} : memref<16x16xf32, #tpu.memory_space<vmem>>, vector<1x16xf32>,
        %get3A_106 = vector.shape_cast %get3A_105 : vector<1x16xf32> to vector<16xf32>
        %swap3A_107 = arith.constant 0 : i32
        %swap3A_108 = arith.constant 0 : i32
        %swap3A_109 = tpu.memref_slice %arg5[%arg1, %swap3A_107, %swap3A_108] : memref<16x16x16xf32, #tpu.memory_space<vmem>> -> memref<1x16x16xf32, #tpu.memory_space<vmem>>
        %swap3A_110 = tpu.memref_squeeze %swap3A_109 : memref<1x16x16xf32, #tpu.memory_space<vmem>> -> memref<16x16xf32, #tpu.memory_space<vmem>>
        %swap3A_111 = arith.index_cast %sub3A_97 : i32 to index
        %swap3A_112 = arith.index_cast %add3A_50 : i32 to index
        %swap3A_113 = tpu.vector_load %swap3A_110[%swap3A_111, %swap3A_112] {strides = array<i32>} : memref<16x16xf32, #tpu.memory_space<vmem>>, vector<1x16xf32>,
        %swap3A_114 = vector.shape_cast %swap3A_113 : vector<1x16xf32> to vector<16xf32>
        %swap3A_115 = vector.shape_cast %get3A_106 : vector<16xf32> to vector<1x16xf32>
        tpu.vector_store %swap3A_110[%swap3A_111, %swap3A_112], %swap3A_115 {strides = array<i32>} : memref<16x16xf32, #tpu.memory_space<vmem>>, vector<1x16xf32>,
        %get3A_116 = arith.constant 0 : i32
        %get3A_117 = arith.constant 0 : i32
        %get3A_118 = tpu.memref_slice %arg4[%arg1, %get3A_116, %get3A_117] : memref<16x16x16xf32, #tpu.memory_space<vmem>> -> memref<1x16x16xf32, #tpu.memory_space<vmem>>
        %get3A_119 = tpu.memref_squeeze %get3A_118 : memref<1x16x16xf32, #tpu.memory_space<vmem>> -> memref<16x16xf32, #tpu.memory_space<vmem>>
        %get3A_120 = arith.index_cast %sub3A_97 : i32 to index
        %get3A_121 = arith.index_cast %add3A_50 : i32 to index
        %get3A_122 = tpu.vector_load %get3A_119[%get3A_120, %get3A_121] {strides = array<i32>} : memref<16x16xf32, #tpu.memory_space<vmem>>, vector<1x16xf32>,
        %get3A_123 = vector.shape_cast %get3A_122 : vector<1x16xf32> to vector<16xf32>
        %add3A_124 = arith.addf %get3A_123, %get3A_106 : vector<16xf32>
        %swap3A_125 = arith.constant 0 : i32
        %swap3A_126 = arith.constant 0 : i32
        %swap3A_127 = tpu.memref_slice %arg4[%arg1, %swap3A_125, %swap3A_126] : memref<16x16x16xf32, #tpu.memory_space<vmem>> -> memref<1x16x16xf32, #tpu.memory_space<vmem>>
        %swap3A_128 = tpu.memref_squeeze %swap3A_127 : memref<1x16x16xf32, #tpu.memory_space<vmem>> -> memref<16x16xf32, #tpu.memory_space<vmem>>
        %swap3A_129 = arith.index_cast %sub3A_97 : i32 to index
        %swap3A_130 = arith.index_cast %add3A_50 : i32 to index
        %swap3A_131 = tpu.vector_load %swap3A_128[%swap3A_129, %swap3A_130] {strides = array<i32>} : memref<16x16xf32, #tpu.memory_space<vmem>>, vector<1x16xf32>,
        %swap3A_132 = vector.shape_cast %swap3A_131 : vector<1x16xf32> to vector<16xf32>
        %swap3A_133 = vector.shape_cast %add3A_124 : vector<16xf32> to vector<1x16xf32>
        tpu.vector_store %swap3A_128[%swap3A_129, %swap3A_130], %swap3A_133 {strides = array<i32>} : memref<16x16xf32, #tpu.memory_space<vmem>>, vector<1x16xf32>,
      }
      %scan3A_65 = arith.constant 15 : i32
      %scan3A_66 = arith.constant 1 : i32
      %dma_start3A_67 = arith.constant 0 : i32
      %dma_start3A_68 = arith.constant 0 : i32
      %dma_start3A_69 = tpu.memref_slice %arg5[%arg1, %dma_start3A_67, %dma_start3A_68] : memref<16x16x16xf32, #tpu.memory_space<vmem>> -> memref<1x16x16xf32, #tpu.memory_space<vmem>>
      %dma_start3A_70 = tpu.memref_squeeze %dma_start3A_69 : memref<1x16x16xf32, #tpu.memory_space<vmem>> -> memref<16x16xf32, #tpu.memory_space<vmem>>
      %dma_start3A_71 = tpu.memref_slice %arg3[%mul3A_22, %mul3A_24] : memref<128x16xf32, #tpu.memory_space<hbm>> -> memref<16x16xf32, #tpu.memory_space<hbm>>
      %dma_start3A_72 = tpu.memref_slice %arg6[%arg1] : memref<16x!tpu.dma_semaphore, #tpu.memory_space<semaphore_mem>> -> memref<1x!tpu.dma_semaphore, #tpu.memory_space<semaphore_mem>>
      %dma_start3A_73 = tpu.memref_squeeze %dma_start3A_72 : memref<1x!tpu.dma_semaphore, #tpu.memory_space<semaphore_mem>> -> memref<!tpu.dma_semaphore, #tpu.memory_space<semaphore_mem>>
      %dma_start3A_74 = tpu.memref_slice %arg3[%mul3A_22, %mul3A_24] : memref<128x16xf32, #tpu.memory_space<hbm>> -> memref<16x16xf32, #tpu.memory_space<hbm>>
      %dma_start3A_75 = arith.constant 0 : i32
      %dma_start3A_76 = arith.constant 0 : i32
      %dma_start3A_77 = tpu.memref_slice %arg5[%arg1, %dma_start3A_75, %dma_start3A_76] : memref<16x16x16xf32, #tpu.memory_space<vmem>> -> memref<1x16x16xf32, #tpu.memory_space<vmem>>
      %dma_start3A_78 = tpu.memref_squeeze %dma_start3A_77 : memref<1x16x16xf32, #tpu.memory_space<vmem>> -> memref<16x16xf32, #tpu.memory_space<vmem>>
      tpu.enqueue_dma source(%dma_start3A_78 : memref<16x16xf32, #tpu.memory_space<vmem>>) target(%dma_start3A_74 : memref<16x16xf32, #tpu.memory_space<hbm>>) target_semaphore(%dma_start3A_73 : memref<!tpu.dma_semaphore, #tpu.memory_space<semaphore_mem>>)
      %dma_wait3A_79 = arith.constant 0 : i32
      %dma_wait3A_80 = arith.constant 0 : i32
      %dma_wait3A_81 = tpu.memref_slice %arg5[%arg1, %dma_wait3A_79, %dma_wait3A_80] : memref<16x16x16xf32, #tpu.memory_space<vmem>> -> memref<1x16x16xf32, #tpu.memory_space<vmem>>
      %dma_wait3A_82 = tpu.memref_squeeze %dma_wait3A_81 : memref<1x16x16xf32, #tpu.memory_space<vmem>> -> memref<16x16xf32, #tpu.memory_space<vmem>>
      %dma_wait3A_83 = tpu.memref_slice %arg3[%mul3A_22, %mul3A_24] : memref<128x16xf32, #tpu.memory_space<hbm>> -> memref<16x16xf32, #tpu.memory_space<hbm>>
      %dma_wait3A_84 = tpu.memref_slice %arg6[%arg1] : memref<16x!tpu.dma_semaphore, #tpu.memory_space<semaphore_mem>> -> memref<1x!tpu.dma_semaphore, #tpu.memory_space<semaphore_mem>>
      %dma_wait3A_85 = tpu.memref_squeeze %dma_wait3A_84 : memref<1x!tpu.dma_semaphore, #tpu.memory_space<semaphore_mem>> -> memref<!tpu.dma_semaphore, #tpu.memory_space<semaphore_mem>>
      %dma_wait3A_86 = tpu.memref_slice %arg3[%mul3A_22, %mul3A_24] : memref<128x16xf32, #tpu.memory_space<hbm>> -> memref<16x16xf32, #tpu.memory_space<hbm>>
      %dma_wait3A_87 = arith.constant 0 : i32
      %dma_wait3A_88 = arith.constant 0 : i32
      %dma_wait3A_89 = tpu.memref_slice %arg5[%arg1, %dma_wait3A_87, %dma_wait3A_88] : memref<16x16x16xf32, #tpu.memory_space<vmem>> -> memref<1x16x16xf32, #tpu.memory_space<vmem>>
      %dma_wait3A_90 = tpu.memref_squeeze %dma_wait3A_89 : memref<1x16x16xf32, #tpu.memory_space<vmem>> -> memref<16x16xf32, #tpu.memory_space<vmem>>
      tpu.wait_dma2 semaphore(%dma_wait3A_85 : memref<!tpu.dma_semaphore, #tpu.memory_space<semaphore_mem>>) src(%dma_wait3A_90 : memref<16x16xf32, #tpu.memory_space<vmem>>) dst(%dma_wait3A_86 : memref<16x16xf32, #tpu.memory_space<hbm>>)
    } else {
    }
    return
  }
}

module attributes {stable_mosaic.version = 14 : i64} {
  func.func @_conv_mean_body(%arg0: i32, %arg1: memref<1x10x240x256xbf16, #tpu.memory_space<vmem>>, %arg2: memref<32x256xbf16, #tpu.memory_space<vmem>>, %arg3: memref<1x1x256xf32, #tpu.memory_space<vmem>>) attributes {dimension_semantics = [#tpu.dimension_semantics<parallel>], iteration_bounds = array<i64: 8>, scalar_prefetch = 0 : i64, scratch_operands = 0 : i64, tpu.core_type = #tpu.core_type<tc>, window_params = [{transform_indices = @transform_0, window_bounds = array<i64: 1, 10, 240, 256>}, {pipeline_mode = #tpu.pipeline_mode<synchronous>, transform_indices = @transform_1, window_bounds = array<i64: 32, 256>}, {transform_indices = @transform_2, window_bounds = array<i64: 1, 1, 256>}]} {
    %broadcast_in_dim3A = arith.constant 0.000000e+00 : bf16
    %broadcast_in_dim3A_0 = vector.broadcast %broadcast_in_dim3A : bf16 to vector<2x256xbf16>
    %broadcast_in_dim3A_1 = arith.constant 0.000000e+00 : f32
    %broadcast_in_dim3A_2 = vector.broadcast %broadcast_in_dim3A_1 : f32 to vector<8x256xf32>
    %scan3A = arith.constant 0 : i32
    %scan3A_3 = arith.constant 4 : i32
    %scan3A_4 = arith.addi %scan3A, %scan3A_3 : i32
    %scan3A_5 = arith.constant 1 : i32
    %scan3A_6 = scf.for %scan3A_16 = %scan3A to %scan3A_4 step %scan3A_5 iter_args(%scan3A_17 = %broadcast_in_dim3A_2) -> (vector<8x256xf32>)  : i32 {
      %mul3A_18 = arith.constant 56 : i32
      %mul3A_19 = arith.muli %scan3A_16, %mul3A_18 : i32
      %multiple_of3A = tpu.assume_multiple %mul3A_19, 8 : i32
      %get3A = arith.constant 0 : index
      %get3A_20 = arith.constant 0 : index
      %get3A_21 = arith.index_cast %multiple_of3A : i32 to index
      %get3A_22 = arith.constant 0 : index
      %get3A_23 = vector.load %arg1[%get3A, %get3A_20, %get3A_21, %get3A_22] : memref<1x10x240x256xbf16, #tpu.memory_space<vmem>>, vector<1x1x64x256xbf16>
      %get3A_24 = vector.shape_cast %get3A_23 : vector<1x1x64x256xbf16> to vector<64x256xbf16>
      %get3A_25 = arith.constant 0 : index
      %get3A_26 = arith.constant 1 : index
      %get3A_27 = arith.index_cast %multiple_of3A : i32 to index
      %get3A_28 = arith.constant 0 : index
      %get3A_29 = vector.load %arg1[%get3A_25, %get3A_26, %get3A_27, %get3A_28] : memref<1x10x240x256xbf16, #tpu.memory_space<vmem>>, vector<1x1x64x256xbf16>
      %get3A_30 = vector.shape_cast %get3A_29 : vector<1x1x64x256xbf16> to vector<64x256xbf16>
      %get3A_31 = arith.constant 0 : index
      %get3A_32 = arith.constant 2 : index
      %get3A_33 = arith.index_cast %multiple_of3A : i32 to index
      %get3A_34 = arith.constant 0 : index
      %get3A_35 = vector.load %arg1[%get3A_31, %get3A_32, %get3A_33, %get3A_34] : memref<1x10x240x256xbf16, #tpu.memory_space<vmem>>, vector<1x1x64x256xbf16>
      %get3A_36 = vector.shape_cast %get3A_35 : vector<1x1x64x256xbf16> to vector<64x256xbf16>
      %get3A_37 = arith.constant 0 : index
      %get3A_38 = arith.constant 3 : index
      %get3A_39 = arith.index_cast %multiple_of3A : i32 to index
      %get3A_40 = arith.constant 0 : index
      %get3A_41 = vector.load %arg1[%get3A_37, %get3A_38, %get3A_39, %get3A_40] : memref<1x10x240x256xbf16, #tpu.memory_space<vmem>>, vector<1x1x64x256xbf16>
      %get3A_42 = vector.shape_cast %get3A_41 : vector<1x1x64x256xbf16> to vector<64x256xbf16>
      %get3A_43 = arith.constant 0 : index
      %get3A_44 = arith.constant 4 : index
      %get3A_45 = arith.index_cast %multiple_of3A : i32 to index
      %get3A_46 = arith.constant 0 : index
      %get3A_47 = vector.load %arg1[%get3A_43, %get3A_44, %get3A_45, %get3A_46] : memref<1x10x240x256xbf16, #tpu.memory_space<vmem>>, vector<1x1x64x256xbf16>
      %get3A_48 = vector.shape_cast %get3A_47 : vector<1x1x64x256xbf16> to vector<64x256xbf16>
      %get3A_49 = arith.constant 0 : index
      %get3A_50 = arith.constant 5 : index
      %get3A_51 = arith.index_cast %multiple_of3A : i32 to index
      %get3A_52 = arith.constant 0 : index
      %get3A_53 = vector.load %arg1[%get3A_49, %get3A_50, %get3A_51, %get3A_52] : memref<1x10x240x256xbf16, #tpu.memory_space<vmem>>, vector<1x1x64x256xbf16>
      %get3A_54 = vector.shape_cast %get3A_53 : vector<1x1x64x256xbf16> to vector<64x256xbf16>
      %get3A_55 = arith.constant 0 : index
      %get3A_56 = arith.constant 6 : index
      %get3A_57 = arith.index_cast %multiple_of3A : i32 to index
      %get3A_58 = arith.constant 0 : index
      %get3A_59 = vector.load %arg1[%get3A_55, %get3A_56, %get3A_57, %get3A_58] : memref<1x10x240x256xbf16, #tpu.memory_space<vmem>>, vector<1x1x64x256xbf16>
      %get3A_60 = vector.shape_cast %get3A_59 : vector<1x1x64x256xbf16> to vector<64x256xbf16>
      %get3A_61 = arith.constant 0 : index
      %get3A_62 = arith.constant 7 : index
      %get3A_63 = arith.index_cast %multiple_of3A : i32 to index
      %get3A_64 = arith.constant 0 : index
      %get3A_65 = vector.load %arg1[%get3A_61, %get3A_62, %get3A_63, %get3A_64] : memref<1x10x240x256xbf16, #tpu.memory_space<vmem>>, vector<1x1x64x256xbf16>
      %get3A_66 = vector.shape_cast %get3A_65 : vector<1x1x64x256xbf16> to vector<64x256xbf16>
      %get3A_67 = arith.constant 0 : index
      %get3A_68 = arith.constant 8 : index
      %get3A_69 = arith.index_cast %multiple_of3A : i32 to index
      %get3A_70 = arith.constant 0 : index
      %get3A_71 = vector.load %arg1[%get3A_67, %get3A_68, %get3A_69, %get3A_70] : memref<1x10x240x256xbf16, #tpu.memory_space<vmem>>, vector<1x1x64x256xbf16>
      %get3A_72 = vector.shape_cast %get3A_71 : vector<1x1x64x256xbf16> to vector<64x256xbf16>
      %get3A_73 = arith.constant 0 : index
      %get3A_74 = arith.constant 9 : index
      %get3A_75 = arith.index_cast %multiple_of3A : i32 to index
      %get3A_76 = arith.constant 0 : index
      %get3A_77 = vector.load %arg1[%get3A_73, %get3A_74, %get3A_75, %get3A_76] : memref<1x10x240x256xbf16, #tpu.memory_space<vmem>>, vector<1x1x64x256xbf16>
      %get3A_78 = vector.shape_cast %get3A_77 : vector<1x1x64x256xbf16> to vector<64x256xbf16>
      %slice3A = vector.extract_strided_slice %get3A_24 {offsets = [0, 0], sizes = [3, 256], strides = [1, 1]} : vector<64x256xbf16> to vector<3x256xbf16>
      %slice3A_79 = vector.extract_strided_slice %get3A_30 {offsets = [0, 0], sizes = [3, 256], strides = [1, 1]} : vector<64x256xbf16> to vector<3x256xbf16>
      %slice3A_80 = vector.extract_strided_slice %get3A_36 {offsets = [0, 0], sizes = [3, 256], strides = [1, 1]} : vector<64x256xbf16> to vector<3x256xbf16>
      %slice3A_81 = vector.extract_strided_slice %get3A_42 {offsets = [0, 0], sizes = [3, 256], strides = [1, 1]} : vector<64x256xbf16> to vector<3x256xbf16>
      %slice3A_82 = vector.extract_strided_slice %get3A_48 {offsets = [0, 0], sizes = [3, 256], strides = [1, 1]} : vector<64x256xbf16> to vector<3x256xbf16>
      %slice3A_83 = vector.extract_strided_slice %get3A_54 {offsets = [0, 0], sizes = [3, 256], strides = [1, 1]} : vector<64x256xbf16> to vector<3x256xbf16>
      %slice3A_84 = vector.extract_strided_slice %get3A_60 {offsets = [0, 0], sizes = [3, 256], strides = [1, 1]} : vector<64x256xbf16> to vector<3x256xbf16>
      %slice3A_85 = vector.extract_strided_slice %get3A_66 {offsets = [0, 0], sizes = [3, 256], strides = [1, 1]} : vector<64x256xbf16> to vector<3x256xbf16>
      %slice3A_86 = vector.extract_strided_slice %get3A_72 {offsets = [0, 0], sizes = [3, 256], strides = [1, 1]} : vector<64x256xbf16> to vector<3x256xbf16>
      %slice3A_87 = vector.extract_strided_slice %get3A_78 {offsets = [0, 0], sizes = [3, 256], strides = [1, 1]} : vector<64x256xbf16> to vector<3x256xbf16>
      %concatenate3A = tpu.concatenate %slice3A, %slice3A_79, %slice3A_80, %slice3A_81, %slice3A_82, %slice3A_83, %slice3A_84, %slice3A_85, %slice3A_86, %slice3A_87, %broadcast_in_dim3A_0 in 0 : vector<3x256xbf16>, vector<3x256xbf16>, vector<3x256xbf16>, vector<3x256xbf16>, vector<3x256xbf16>, vector<3x256xbf16>, vector<3x256xbf16>, vector<3x256xbf16>, vector<3x256xbf16>, vector<3x256xbf16>, vector<2x256xbf16> -> vector<32x256xbf16>
      %get3A_88 = arith.constant 0 : index
      %get3A_89 = arith.constant 0 : index
      %get3A_90 = vector.load %arg2[%get3A_88, %get3A_89] : memref<32x256xbf16, #tpu.memory_space<vmem>>, vector<32x256xbf16>
      %dot_general3A = arith.constant dense<0.000000e+00> : vector<256x256xf32>
      %dot_general3A_91 = tpu.matmul %concatenate3A, %get3A_90, %dot_general3A {dimension_numbers = #tpu.dot_dimension_numbers<[0], [0], [1], [1], [0, 1, 1, 1], [], []>, transpose_lhs_hint = false} : vector<32x256xbf16>, vector<32x256xbf16>, vector<256x256xf32> -> vector<256x256xf32>
      %max3A = arith.constant 0.000000e+00 : f32
      %max3A_92 = vector.broadcast %max3A : f32 to vector<256x256xf32>
      %max3A_93 = arith.maximumf %dot_general3A_91, %max3A_92 : vector<256x256xf32>
      %reshape3A = vector.shape_cast %max3A_93 : vector<256x256xf32> to vector<32x8x256xf32>
      %reduce_sum3A_94 = arith.constant dense<0.000000e+00> : vector<8x256xf32>
      %reduce_sum3A_95 = vector.multi_reduction <add>, %reshape3A, %reduce_sum3A_94 [0] : vector<32x8x256xf32> to vector<8x256xf32>
      %add3A = arith.addf %scan3A_17, %reduce_sum3A_95 : vector<8x256xf32>
      %slice3A_96 = vector.extract_strided_slice %get3A_24 {offsets = [1, 0], sizes = [3, 256], strides = [1, 1]} : vector<64x256xbf16> to vector<3x256xbf16>
      %slice3A_97 = vector.extract_strided_slice %get3A_30 {offsets = [1, 0], sizes = [3, 256], strides = [1, 1]} : vector<64x256xbf16> to vector<3x256xbf16>
      %slice3A_98 = vector.extract_strided_slice %get3A_36 {offsets = [1, 0], sizes = [3, 256], strides = [1, 1]} : vector<64x256xbf16> to vector<3x256xbf16>
      %slice3A_99 = vector.extract_strided_slice %get3A_42 {offsets = [1, 0], sizes = [3, 256], strides = [1, 1]} : vector<64x256xbf16> to vector<3x256xbf16>
      %slice3A_100 = vector.extract_strided_slice %get3A_48 {offsets = [1, 0], sizes = [3, 256], strides = [1, 1]} : vector<64x256xbf16> to vector<3x256xbf16>
      %slice3A_101 = vector.extract_strided_slice %get3A_54 {offsets = [1, 0], sizes = [3, 256], strides = [1, 1]} : vector<64x256xbf16> to vector<3x256xbf16>
      %slice3A_102 = vector.extract_strided_slice %get3A_60 {offsets = [1, 0], sizes = [3, 256], strides = [1, 1]} : vector<64x256xbf16> to vector<3x256xbf16>
      %slice3A_103 = vector.extract_strided_slice %get3A_66 {offsets = [1, 0], sizes = [3, 256], strides = [1, 1]} : vector<64x256xbf16> to vector<3x256xbf16>
      %slice3A_104 = vector.extract_strided_slice %get3A_72 {offsets = [1, 0], sizes = [3, 256], strides = [1, 1]} : vector<64x256xbf16> to vector<3x256xbf16>
      %slice3A_105 = vector.extract_strided_slice %get3A_78 {offsets = [1, 0], sizes = [3, 256], strides = [1, 1]} : vector<64x256xbf16> to vector<3x256xbf16>
      %concatenate3A_106 = tpu.concatenate %slice3A_96, %slice3A_97, %slice3A_98, %slice3A_99, %slice3A_100, %slice3A_101, %slice3A_102, %slice3A_103, %slice3A_104, %slice3A_105, %broadcast_in_dim3A_0 in 0 : vector<3x256xbf16>, vector<3x256xbf16>, vector<3x256xbf16>, vector<3x256xbf16>, vector<3x256xbf16>, vector<3x256xbf16>, vector<3x256xbf16>, vector<3x256xbf16>, vector<3x256xbf16>, vector<3x256xbf16>, vector<2x256xbf16> -> vector<32x256xbf16>
      %get3A_107 = arith.constant 0 : index
      %get3A_108 = arith.constant 0 : index
      %get3A_109 = vector.load %arg2[%get3A_107, %get3A_108] : memref<32x256xbf16, #tpu.memory_space<vmem>>, vector<32x256xbf16>
      %dot_general3A_110 = arith.constant dense<0.000000e+00> : vector<256x256xf32>
      %dot_general3A_111 = tpu.matmul %concatenate3A_106, %get3A_109, %dot_general3A_110 {dimension_numbers = #tpu.dot_dimension_numbers<[0], [0], [1], [1], [0, 1, 1, 1], [], []>, transpose_lhs_hint = false} : vector<32x256xbf16>, vector<32x256xbf16>, vector<256x256xf32> -> vector<256x256xf32>
      %max3A_112 = arith.constant 0.000000e+00 : f32
      %max3A_113 = vector.broadcast %max3A_112 : f32 to vector<256x256xf32>
      %max3A_114 = arith.maximumf %dot_general3A_111, %max3A_113 : vector<256x256xf32>
      %reshape3A_115 = vector.shape_cast %max3A_114 : vector<256x256xf32> to vector<32x8x256xf32>
      %reduce_sum3A_116 = arith.constant dense<0.000000e+00> : vector<8x256xf32>
      %reduce_sum3A_117 = vector.multi_reduction <add>, %reshape3A_115, %reduce_sum3A_116 [0] : vector<32x8x256xf32> to vector<8x256xf32>
      %add3A_118 = arith.addf %add3A, %reduce_sum3A_117 : vector<8x256xf32>
      %slice3A_119 = vector.extract_strided_slice %get3A_24 {offsets = [2, 0], sizes = [3, 256], strides = [1, 1]} : vector<64x256xbf16> to vector<3x256xbf16>
      %slice3A_120 = vector.extract_strided_slice %get3A_30 {offsets = [2, 0], sizes = [3, 256], strides = [1, 1]} : vector<64x256xbf16> to vector<3x256xbf16>
      %slice3A_121 = vector.extract_strided_slice %get3A_36 {offsets = [2, 0], sizes = [3, 256], strides = [1, 1]} : vector<64x256xbf16> to vector<3x256xbf16>
      %slice3A_122 = vector.extract_strided_slice %get3A_42 {offsets = [2, 0], sizes = [3, 256], strides = [1, 1]} : vector<64x256xbf16> to vector<3x256xbf16>
      %slice3A_123 = vector.extract_strided_slice %get3A_48 {offsets = [2, 0], sizes = [3, 256], strides = [1, 1]} : vector<64x256xbf16> to vector<3x256xbf16>
      %slice3A_124 = vector.extract_strided_slice %get3A_54 {offsets = [2, 0], sizes = [3, 256], strides = [1, 1]} : vector<64x256xbf16> to vector<3x256xbf16>
      %slice3A_125 = vector.extract_strided_slice %get3A_60 {offsets = [2, 0], sizes = [3, 256], strides = [1, 1]} : vector<64x256xbf16> to vector<3x256xbf16>
      %slice3A_126 = vector.extract_strided_slice %get3A_66 {offsets = [2, 0], sizes = [3, 256], strides = [1, 1]} : vector<64x256xbf16> to vector<3x256xbf16>
      %slice3A_127 = vector.extract_strided_slice %get3A_72 {offsets = [2, 0], sizes = [3, 256], strides = [1, 1]} : vector<64x256xbf16> to vector<3x256xbf16>
      %slice3A_128 = vector.extract_strided_slice %get3A_78 {offsets = [2, 0], sizes = [3, 256], strides = [1, 1]} : vector<64x256xbf16> to vector<3x256xbf16>
      %concatenate3A_129 = tpu.concatenate %slice3A_119, %slice3A_120, %slice3A_121, %slice3A_122, %slice3A_123, %slice3A_124, %slice3A_125, %slice3A_126, %slice3A_127, %slice3A_128, %broadcast_in_dim3A_0 in 0 : vector<3x256xbf16>, vector<3x256xbf16>, vector<3x256xbf16>, vector<3x256xbf16>, vector<3x256xbf16>, vector<3x256xbf16>, vector<3x256xbf16>, vector<3x256xbf16>, vector<3x256xbf16>, vector<3x256xbf16>, vector<2x256xbf16> -> vector<32x256xbf16>
      %get3A_130 = arith.constant 0 : index
      %get3A_131 = arith.constant 0 : index
      %get3A_132 = vector.load %arg2[%get3A_130, %get3A_131] : memref<32x256xbf16, #tpu.memory_space<vmem>>, vector<32x256xbf16>
      %dot_general3A_133 = arith.constant dense<0.000000e+00> : vector<256x256xf32>
      %dot_general3A_134 = tpu.matmul %concatenate3A_129, %get3A_132, %dot_general3A_133 {dimension_numbers = #tpu.dot_dimension_numbers<[0], [0], [1], [1], [0, 1, 1, 1], [], []>, transpose_lhs_hint = false} : vector<32x256xbf16>, vector<32x256xbf16>, vector<256x256xf32> -> vector<256x256xf32>
      %max3A_135 = arith.constant 0.000000e+00 : f32
      %max3A_136 = vector.broadcast %max3A_135 : f32 to vector<256x256xf32>
      %max3A_137 = arith.maximumf %dot_general3A_134, %max3A_136 : vector<256x256xf32>
      %reshape3A_138 = vector.shape_cast %max3A_137 : vector<256x256xf32> to vector<32x8x256xf32>
      %reduce_sum3A_139 = arith.constant dense<0.000000e+00> : vector<8x256xf32>
      %reduce_sum3A_140 = vector.multi_reduction <add>, %reshape3A_138, %reduce_sum3A_139 [0] : vector<32x8x256xf32> to vector<8x256xf32>
      %add3A_141 = arith.addf %add3A_118, %reduce_sum3A_140 : vector<8x256xf32>
      %slice3A_142 = vector.extract_strided_slice %get3A_24 {offsets = [3, 0], sizes = [3, 256], strides = [1, 1]} : vector<64x256xbf16> to vector<3x256xbf16>
      %slice3A_143 = vector.extract_strided_slice %get3A_30 {offsets = [3, 0], sizes = [3, 256], strides = [1, 1]} : vector<64x256xbf16> to vector<3x256xbf16>
      %slice3A_144 = vector.extract_strided_slice %get3A_36 {offsets = [3, 0], sizes = [3, 256], strides = [1, 1]} : vector<64x256xbf16> to vector<3x256xbf16>
      %slice3A_145 = vector.extract_strided_slice %get3A_42 {offsets = [3, 0], sizes = [3, 256], strides = [1, 1]} : vector<64x256xbf16> to vector<3x256xbf16>
      %slice3A_146 = vector.extract_strided_slice %get3A_48 {offsets = [3, 0], sizes = [3, 256], strides = [1, 1]} : vector<64x256xbf16> to vector<3x256xbf16>
      %slice3A_147 = vector.extract_strided_slice %get3A_54 {offsets = [3, 0], sizes = [3, 256], strides = [1, 1]} : vector<64x256xbf16> to vector<3x256xbf16>
      %slice3A_148 = vector.extract_strided_slice %get3A_60 {offsets = [3, 0], sizes = [3, 256], strides = [1, 1]} : vector<64x256xbf16> to vector<3x256xbf16>
      %slice3A_149 = vector.extract_strided_slice %get3A_66 {offsets = [3, 0], sizes = [3, 256], strides = [1, 1]} : vector<64x256xbf16> to vector<3x256xbf16>
      %slice3A_150 = vector.extract_strided_slice %get3A_72 {offsets = [3, 0], sizes = [3, 256], strides = [1, 1]} : vector<64x256xbf16> to vector<3x256xbf16>
      %slice3A_151 = vector.extract_strided_slice %get3A_78 {offsets = [3, 0], sizes = [3, 256], strides = [1, 1]} : vector<64x256xbf16> to vector<3x256xbf16>
      %concatenate3A_152 = tpu.concatenate %slice3A_142, %slice3A_143, %slice3A_144, %slice3A_145, %slice3A_146, %slice3A_147, %slice3A_148, %slice3A_149, %slice3A_150, %slice3A_151, %broadcast_in_dim3A_0 in 0 : vector<3x256xbf16>, vector<3x256xbf16>, vector<3x256xbf16>, vector<3x256xbf16>, vector<3x256xbf16>, vector<3x256xbf16>, vector<3x256xbf16>, vector<3x256xbf16>, vector<3x256xbf16>, vector<3x256xbf16>, vector<2x256xbf16> -> vector<32x256xbf16>
      %get3A_153 = arith.constant 0 : index
      %get3A_154 = arith.constant 0 : index
      %get3A_155 = vector.load %arg2[%get3A_153, %get3A_154] : memref<32x256xbf16, #tpu.memory_space<vmem>>, vector<32x256xbf16>
      %dot_general3A_156 = arith.constant dense<0.000000e+00> : vector<256x256xf32>
      %dot_general3A_157 = tpu.matmul %concatenate3A_152, %get3A_155, %dot_general3A_156 {dimension_numbers = #tpu.dot_dimension_numbers<[0], [0], [1], [1], [0, 1, 1, 1], [], []>, transpose_lhs_hint = false} : vector<32x256xbf16>, vector<32x256xbf16>, vector<256x256xf32> -> vector<256x256xf32>
      %max3A_158 = arith.constant 0.000000e+00 : f32
      %max3A_159 = vector.broadcast %max3A_158 : f32 to vector<256x256xf32>
      %max3A_160 = arith.maximumf %dot_general3A_157, %max3A_159 : vector<256x256xf32>
      %reshape3A_161 = vector.shape_cast %max3A_160 : vector<256x256xf32> to vector<32x8x256xf32>
      %reduce_sum3A_162 = arith.constant dense<0.000000e+00> : vector<8x256xf32>
      %reduce_sum3A_163 = vector.multi_reduction <add>, %reshape3A_161, %reduce_sum3A_162 [0] : vector<32x8x256xf32> to vector<8x256xf32>
      %add3A_164 = arith.addf %add3A_141, %reduce_sum3A_163 : vector<8x256xf32>
      %slice3A_165 = vector.extract_strided_slice %get3A_24 {offsets = [4, 0], sizes = [3, 256], strides = [1, 1]} : vector<64x256xbf16> to vector<3x256xbf16>
      %slice3A_166 = vector.extract_strided_slice %get3A_30 {offsets = [4, 0], sizes = [3, 256], strides = [1, 1]} : vector<64x256xbf16> to vector<3x256xbf16>
      %slice3A_167 = vector.extract_strided_slice %get3A_36 {offsets = [4, 0], sizes = [3, 256], strides = [1, 1]} : vector<64x256xbf16> to vector<3x256xbf16>
      %slice3A_168 = vector.extract_strided_slice %get3A_42 {offsets = [4, 0], sizes = [3, 256], strides = [1, 1]} : vector<64x256xbf16> to vector<3x256xbf16>
      %slice3A_169 = vector.extract_strided_slice %get3A_48 {offsets = [4, 0], sizes = [3, 256], strides = [1, 1]} : vector<64x256xbf16> to vector<3x256xbf16>
      %slice3A_170 = vector.extract_strided_slice %get3A_54 {offsets = [4, 0], sizes = [3, 256], strides = [1, 1]} : vector<64x256xbf16> to vector<3x256xbf16>
      %slice3A_171 = vector.extract_strided_slice %get3A_60 {offsets = [4, 0], sizes = [3, 256], strides = [1, 1]} : vector<64x256xbf16> to vector<3x256xbf16>
      %slice3A_172 = vector.extract_strided_slice %get3A_66 {offsets = [4, 0], sizes = [3, 256], strides = [1, 1]} : vector<64x256xbf16> to vector<3x256xbf16>
      %slice3A_173 = vector.extract_strided_slice %get3A_72 {offsets = [4, 0], sizes = [3, 256], strides = [1, 1]} : vector<64x256xbf16> to vector<3x256xbf16>
      %slice3A_174 = vector.extract_strided_slice %get3A_78 {offsets = [4, 0], sizes = [3, 256], strides = [1, 1]} : vector<64x256xbf16> to vector<3x256xbf16>
      %concatenate3A_175 = tpu.concatenate %slice3A_165, %slice3A_166, %slice3A_167, %slice3A_168, %slice3A_169, %slice3A_170, %slice3A_171, %slice3A_172, %slice3A_173, %slice3A_174, %broadcast_in_dim3A_0 in 0 : vector<3x256xbf16>, vector<3x256xbf16>, vector<3x256xbf16>, vector<3x256xbf16>, vector<3x256xbf16>, vector<3x256xbf16>, vector<3x256xbf16>, vector<3x256xbf16>, vector<3x256xbf16>, vector<3x256xbf16>, vector<2x256xbf16> -> vector<32x256xbf16>
      %get3A_176 = arith.constant 0 : index
      %get3A_177 = arith.constant 0 : index
      %get3A_178 = vector.load %arg2[%get3A_176, %get3A_177] : memref<32x256xbf16, #tpu.memory_space<vmem>>, vector<32x256xbf16>
      %dot_general3A_179 = arith.constant dense<0.000000e+00> : vector<256x256xf32>
      %dot_general3A_180 = tpu.matmul %concatenate3A_175, %get3A_178, %dot_general3A_179 {dimension_numbers = #tpu.dot_dimension_numbers<[0], [0], [1], [1], [0, 1, 1, 1], [], []>, transpose_lhs_hint = false} : vector<32x256xbf16>, vector<32x256xbf16>, vector<256x256xf32> -> vector<256x256xf32>
      %max3A_181 = arith.constant 0.000000e+00 : f32
      %max3A_182 = vector.broadcast %max3A_181 : f32 to vector<256x256xf32>
      %max3A_183 = arith.maximumf %dot_general3A_180, %max3A_182 : vector<256x256xf32>
      %reshape3A_184 = vector.shape_cast %max3A_183 : vector<256x256xf32> to vector<32x8x256xf32>
      %reduce_sum3A_185 = arith.constant dense<0.000000e+00> : vector<8x256xf32>
      %reduce_sum3A_186 = vector.multi_reduction <add>, %reshape3A_184, %reduce_sum3A_185 [0] : vector<32x8x256xf32> to vector<8x256xf32>
      %add3A_187 = arith.addf %add3A_164, %reduce_sum3A_186 : vector<8x256xf32>
      %slice3A_188 = vector.extract_strided_slice %get3A_24 {offsets = [5, 0], sizes = [3, 256], strides = [1, 1]} : vector<64x256xbf16> to vector<3x256xbf16>
      %slice3A_189 = vector.extract_strided_slice %get3A_30 {offsets = [5, 0], sizes = [3, 256], strides = [1, 1]} : vector<64x256xbf16> to vector<3x256xbf16>
      %slice3A_190 = vector.extract_strided_slice %get3A_36 {offsets = [5, 0], sizes = [3, 256], strides = [1, 1]} : vector<64x256xbf16> to vector<3x256xbf16>
      %slice3A_191 = vector.extract_strided_slice %get3A_42 {offsets = [5, 0], sizes = [3, 256], strides = [1, 1]} : vector<64x256xbf16> to vector<3x256xbf16>
      %slice3A_192 = vector.extract_strided_slice %get3A_48 {offsets = [5, 0], sizes = [3, 256], strides = [1, 1]} : vector<64x256xbf16> to vector<3x256xbf16>
      %slice3A_193 = vector.extract_strided_slice %get3A_54 {offsets = [5, 0], sizes = [3, 256], strides = [1, 1]} : vector<64x256xbf16> to vector<3x256xbf16>
      %slice3A_194 = vector.extract_strided_slice %get3A_60 {offsets = [5, 0], sizes = [3, 256], strides = [1, 1]} : vector<64x256xbf16> to vector<3x256xbf16>
      %slice3A_195 = vector.extract_strided_slice %get3A_66 {offsets = [5, 0], sizes = [3, 256], strides = [1, 1]} : vector<64x256xbf16> to vector<3x256xbf16>
      %slice3A_196 = vector.extract_strided_slice %get3A_72 {offsets = [5, 0], sizes = [3, 256], strides = [1, 1]} : vector<64x256xbf16> to vector<3x256xbf16>
      %slice3A_197 = vector.extract_strided_slice %get3A_78 {offsets = [5, 0], sizes = [3, 256], strides = [1, 1]} : vector<64x256xbf16> to vector<3x256xbf16>
      %concatenate3A_198 = tpu.concatenate %slice3A_188, %slice3A_189, %slice3A_190, %slice3A_191, %slice3A_192, %slice3A_193, %slice3A_194, %slice3A_195, %slice3A_196, %slice3A_197, %broadcast_in_dim3A_0 in 0 : vector<3x256xbf16>, vector<3x256xbf16>, vector<3x256xbf16>, vector<3x256xbf16>, vector<3x256xbf16>, vector<3x256xbf16>, vector<3x256xbf16>, vector<3x256xbf16>, vector<3x256xbf16>, vector<3x256xbf16>, vector<2x256xbf16> -> vector<32x256xbf16>
      %get3A_199 = arith.constant 0 : index
      %get3A_200 = arith.constant 0 : index
      %get3A_201 = vector.load %arg2[%get3A_199, %get3A_200] : memref<32x256xbf16, #tpu.memory_space<vmem>>, vector<32x256xbf16>
      %dot_general3A_202 = arith.constant dense<0.000000e+00> : vector<256x256xf32>
      %dot_general3A_203 = tpu.matmul %concatenate3A_198, %get3A_201, %dot_general3A_202 {dimension_numbers = #tpu.dot_dimension_numbers<[0], [0], [1], [1], [0, 1, 1, 1], [], []>, transpose_lhs_hint = false} : vector<32x256xbf16>, vector<32x256xbf16>, vector<256x256xf32> -> vector<256x256xf32>
      %max3A_204 = arith.constant 0.000000e+00 : f32
      %max3A_205 = vector.broadcast %max3A_204 : f32 to vector<256x256xf32>
      %max3A_206 = arith.maximumf %dot_general3A_203, %max3A_205 : vector<256x256xf32>
      %reshape3A_207 = vector.shape_cast %max3A_206 : vector<256x256xf32> to vector<32x8x256xf32>
      %reduce_sum3A_208 = arith.constant dense<0.000000e+00> : vector<8x256xf32>
      %reduce_sum3A_209 = vector.multi_reduction <add>, %reshape3A_207, %reduce_sum3A_208 [0] : vector<32x8x256xf32> to vector<8x256xf32>
      %add3A_210 = arith.addf %add3A_187, %reduce_sum3A_209 : vector<8x256xf32>
      %slice3A_211 = vector.extract_strided_slice %get3A_24 {offsets = [6, 0], sizes = [3, 256], strides = [1, 1]} : vector<64x256xbf16> to vector<3x256xbf16>
      %slice3A_212 = vector.extract_strided_slice %get3A_30 {offsets = [6, 0], sizes = [3, 256], strides = [1, 1]} : vector<64x256xbf16> to vector<3x256xbf16>
      %slice3A_213 = vector.extract_strided_slice %get3A_36 {offsets = [6, 0], sizes = [3, 256], strides = [1, 1]} : vector<64x256xbf16> to vector<3x256xbf16>
      %slice3A_214 = vector.extract_strided_slice %get3A_42 {offsets = [6, 0], sizes = [3, 256], strides = [1, 1]} : vector<64x256xbf16> to vector<3x256xbf16>
      %slice3A_215 = vector.extract_strided_slice %get3A_48 {offsets = [6, 0], sizes = [3, 256], strides = [1, 1]} : vector<64x256xbf16> to vector<3x256xbf16>
      %slice3A_216 = vector.extract_strided_slice %get3A_54 {offsets = [6, 0], sizes = [3, 256], strides = [1, 1]} : vector<64x256xbf16> to vector<3x256xbf16>
      %slice3A_217 = vector.extract_strided_slice %get3A_60 {offsets = [6, 0], sizes = [3, 256], strides = [1, 1]} : vector<64x256xbf16> to vector<3x256xbf16>
      %slice3A_218 = vector.extract_strided_slice %get3A_66 {offsets = [6, 0], sizes = [3, 256], strides = [1, 1]} : vector<64x256xbf16> to vector<3x256xbf16>
      %slice3A_219 = vector.extract_strided_slice %get3A_72 {offsets = [6, 0], sizes = [3, 256], strides = [1, 1]} : vector<64x256xbf16> to vector<3x256xbf16>
      %slice3A_220 = vector.extract_strided_slice %get3A_78 {offsets = [6, 0], sizes = [3, 256], strides = [1, 1]} : vector<64x256xbf16> to vector<3x256xbf16>
      %concatenate3A_221 = tpu.concatenate %slice3A_211, %slice3A_212, %slice3A_213, %slice3A_214, %slice3A_215, %slice3A_216, %slice3A_217, %slice3A_218, %slice3A_219, %slice3A_220, %broadcast_in_dim3A_0 in 0 : vector<3x256xbf16>, vector<3x256xbf16>, vector<3x256xbf16>, vector<3x256xbf16>, vector<3x256xbf16>, vector<3x256xbf16>, vector<3x256xbf16>, vector<3x256xbf16>, vector<3x256xbf16>, vector<3x256xbf16>, vector<2x256xbf16> -> vector<32x256xbf16>
      %get3A_222 = arith.constant 0 : index
      %get3A_223 = arith.constant 0 : index
      %get3A_224 = vector.load %arg2[%get3A_222, %get3A_223] : memref<32x256xbf16, #tpu.memory_space<vmem>>, vector<32x256xbf16>
      %dot_general3A_225 = arith.constant dense<0.000000e+00> : vector<256x256xf32>
      %dot_general3A_226 = tpu.matmul %concatenate3A_221, %get3A_224, %dot_general3A_225 {dimension_numbers = #tpu.dot_dimension_numbers<[0], [0], [1], [1], [0, 1, 1, 1], [], []>, transpose_lhs_hint = false} : vector<32x256xbf16>, vector<32x256xbf16>, vector<256x256xf32> -> vector<256x256xf32>
      %max3A_227 = arith.constant 0.000000e+00 : f32
      %max3A_228 = vector.broadcast %max3A_227 : f32 to vector<256x256xf32>
      %max3A_229 = arith.maximumf %dot_general3A_226, %max3A_228 : vector<256x256xf32>
      %reshape3A_230 = vector.shape_cast %max3A_229 : vector<256x256xf32> to vector<32x8x256xf32>
      %reduce_sum3A_231 = arith.constant dense<0.000000e+00> : vector<8x256xf32>
      %reduce_sum3A_232 = vector.multi_reduction <add>, %reshape3A_230, %reduce_sum3A_231 [0] : vector<32x8x256xf32> to vector<8x256xf32>
      %add3A_233 = arith.addf %add3A_210, %reduce_sum3A_232 : vector<8x256xf32>
      %slice3A_234 = vector.extract_strided_slice %get3A_24 {offsets = [7, 0], sizes = [3, 256], strides = [1, 1]} : vector<64x256xbf16> to vector<3x256xbf16>
      %slice3A_235 = vector.extract_strided_slice %get3A_30 {offsets = [7, 0], sizes = [3, 256], strides = [1, 1]} : vector<64x256xbf16> to vector<3x256xbf16>
      %slice3A_236 = vector.extract_strided_slice %get3A_36 {offsets = [7, 0], sizes = [3, 256], strides = [1, 1]} : vector<64x256xbf16> to vector<3x256xbf16>
      %slice3A_237 = vector.extract_strided_slice %get3A_42 {offsets = [7, 0], sizes = [3, 256], strides = [1, 1]} : vector<64x256xbf16> to vector<3x256xbf16>
      %slice3A_238 = vector.extract_strided_slice %get3A_48 {offsets = [7, 0], sizes = [3, 256], strides = [1, 1]} : vector<64x256xbf16> to vector<3x256xbf16>
      %slice3A_239 = vector.extract_strided_slice %get3A_54 {offsets = [7, 0], sizes = [3, 256], strides = [1, 1]} : vector<64x256xbf16> to vector<3x256xbf16>
      %slice3A_240 = vector.extract_strided_slice %get3A_60 {offsets = [7, 0], sizes = [3, 256], strides = [1, 1]} : vector<64x256xbf16> to vector<3x256xbf16>
      %slice3A_241 = vector.extract_strided_slice %get3A_66 {offsets = [7, 0], sizes = [3, 256], strides = [1, 1]} : vector<64x256xbf16> to vector<3x256xbf16>
      %slice3A_242 = vector.extract_strided_slice %get3A_72 {offsets = [7, 0], sizes = [3, 256], strides = [1, 1]} : vector<64x256xbf16> to vector<3x256xbf16>
      %slice3A_243 = vector.extract_strided_slice %get3A_78 {offsets = [7, 0], sizes = [3, 256], strides = [1, 1]} : vector<64x256xbf16> to vector<3x256xbf16>
      %concatenate3A_244 = tpu.concatenate %slice3A_234, %slice3A_235, %slice3A_236, %slice3A_237, %slice3A_238, %slice3A_239, %slice3A_240, %slice3A_241, %slice3A_242, %slice3A_243, %broadcast_in_dim3A_0 in 0 : vector<3x256xbf16>, vector<3x256xbf16>, vector<3x256xbf16>, vector<3x256xbf16>, vector<3x256xbf16>, vector<3x256xbf16>, vector<3x256xbf16>, vector<3x256xbf16>, vector<3x256xbf16>, vector<3x256xbf16>, vector<2x256xbf16> -> vector<32x256xbf16>
      %get3A_245 = arith.constant 0 : index
      %get3A_246 = arith.constant 0 : index
      %get3A_247 = vector.load %arg2[%get3A_245, %get3A_246] : memref<32x256xbf16, #tpu.memory_space<vmem>>, vector<32x256xbf16>
      %dot_general3A_248 = arith.constant dense<0.000000e+00> : vector<256x256xf32>
      %dot_general3A_249 = tpu.matmul %concatenate3A_244, %get3A_247, %dot_general3A_248 {dimension_numbers = #tpu.dot_dimension_numbers<[0], [0], [1], [1], [0, 1, 1, 1], [], []>, transpose_lhs_hint = false} : vector<32x256xbf16>, vector<32x256xbf16>, vector<256x256xf32> -> vector<256x256xf32>
      %max3A_250 = arith.constant 0.000000e+00 : f32
      %max3A_251 = vector.broadcast %max3A_250 : f32 to vector<256x256xf32>
      %max3A_252 = arith.maximumf %dot_general3A_249, %max3A_251 : vector<256x256xf32>
      %reshape3A_253 = vector.shape_cast %max3A_252 : vector<256x256xf32> to vector<32x8x256xf32>
      %reduce_sum3A_254 = arith.constant dense<0.000000e+00> : vector<8x256xf32>
      %reduce_sum3A_255 = vector.multi_reduction <add>, %reshape3A_253, %reduce_sum3A_254 [0] : vector<32x8x256xf32> to vector<8x256xf32>
      %add3A_256 = arith.addf %add3A_233, %reduce_sum3A_255 : vector<8x256xf32>
      %slice3A_257 = vector.extract_strided_slice %get3A_24 {offsets = [8, 0], sizes = [3, 256], strides = [1, 1]} : vector<64x256xbf16> to vector<3x256xbf16>
      %slice3A_258 = vector.extract_strided_slice %get3A_30 {offsets = [8, 0], sizes = [3, 256], strides = [1, 1]} : vector<64x256xbf16> to vector<3x256xbf16>
      %slice3A_259 = vector.extract_strided_slice %get3A_36 {offsets = [8, 0], sizes = [3, 256], strides = [1, 1]} : vector<64x256xbf16> to vector<3x256xbf16>
      %slice3A_260 = vector.extract_strided_slice %get3A_42 {offsets = [8, 0], sizes = [3, 256], strides = [1, 1]} : vector<64x256xbf16> to vector<3x256xbf16>
      %slice3A_261 = vector.extract_strided_slice %get3A_48 {offsets = [8, 0], sizes = [3, 256], strides = [1, 1]} : vector<64x256xbf16> to vector<3x256xbf16>
      %slice3A_262 = vector.extract_strided_slice %get3A_54 {offsets = [8, 0], sizes = [3, 256], strides = [1, 1]} : vector<64x256xbf16> to vector<3x256xbf16>
      %slice3A_263 = vector.extract_strided_slice %get3A_60 {offsets = [8, 0], sizes = [3, 256], strides = [1, 1]} : vector<64x256xbf16> to vector<3x256xbf16>
      %slice3A_264 = vector.extract_strided_slice %get3A_66 {offsets = [8, 0], sizes = [3, 256], strides = [1, 1]} : vector<64x256xbf16> to vector<3x256xbf16>
      %slice3A_265 = vector.extract_strided_slice %get3A_72 {offsets = [8, 0], sizes = [3, 256], strides = [1, 1]} : vector<64x256xbf16> to vector<3x256xbf16>
      %slice3A_266 = vector.extract_strided_slice %get3A_78 {offsets = [8, 0], sizes = [3, 256], strides = [1, 1]} : vector<64x256xbf16> to vector<3x256xbf16>
      %concatenate3A_267 = tpu.concatenate %slice3A_257, %slice3A_258, %slice3A_259, %slice3A_260, %slice3A_261, %slice3A_262, %slice3A_263, %slice3A_264, %slice3A_265, %slice3A_266, %broadcast_in_dim3A_0 in 0 : vector<3x256xbf16>, vector<3x256xbf16>, vector<3x256xbf16>, vector<3x256xbf16>, vector<3x256xbf16>, vector<3x256xbf16>, vector<3x256xbf16>, vector<3x256xbf16>, vector<3x256xbf16>, vector<3x256xbf16>, vector<2x256xbf16> -> vector<32x256xbf16>
      %get3A_268 = arith.constant 0 : index
      %get3A_269 = arith.constant 0 : index
      %get3A_270 = vector.load %arg2[%get3A_268, %get3A_269] : memref<32x256xbf16, #tpu.memory_space<vmem>>, vector<32x256xbf16>
      %dot_general3A_271 = arith.constant dense<0.000000e+00> : vector<256x256xf32>
      %dot_general3A_272 = tpu.matmul %concatenate3A_267, %get3A_270, %dot_general3A_271 {dimension_numbers = #tpu.dot_dimension_numbers<[0], [0], [1], [1], [0, 1, 1, 1], [], []>, transpose_lhs_hint = false} : vector<32x256xbf16>, vector<32x256xbf16>, vector<256x256xf32> -> vector<256x256xf32>
      %max3A_273 = arith.constant 0.000000e+00 : f32
      %max3A_274 = vector.broadcast %max3A_273 : f32 to vector<256x256xf32>
      %max3A_275 = arith.maximumf %dot_general3A_272, %max3A_274 : vector<256x256xf32>
      %reshape3A_276 = vector.shape_cast %max3A_275 : vector<256x256xf32> to vector<32x8x256xf32>
      %reduce_sum3A_277 = arith.constant dense<0.000000e+00> : vector<8x256xf32>
      %reduce_sum3A_278 = vector.multi_reduction <add>, %reshape3A_276, %reduce_sum3A_277 [0] : vector<32x8x256xf32> to vector<8x256xf32>
      %add3A_279 = arith.addf %add3A_256, %reduce_sum3A_278 : vector<8x256xf32>
      %slice3A_280 = vector.extract_strided_slice %get3A_24 {offsets = [9, 0], sizes = [3, 256], strides = [1, 1]} : vector<64x256xbf16> to vector<3x256xbf16>
      %slice3A_281 = vector.extract_strided_slice %get3A_30 {offsets = [9, 0], sizes = [3, 256], strides = [1, 1]} : vector<64x256xbf16> to vector<3x256xbf16>
      %slice3A_282 = vector.extract_strided_slice %get3A_36 {offsets = [9, 0], sizes = [3, 256], strides = [1, 1]} : vector<64x256xbf16> to vector<3x256xbf16>
      %slice3A_283 = vector.extract_strided_slice %get3A_42 {offsets = [9, 0], sizes = [3, 256], strides = [1, 1]} : vector<64x256xbf16> to vector<3x256xbf16>
      %slice3A_284 = vector.extract_strided_slice %get3A_48 {offsets = [9, 0], sizes = [3, 256], strides = [1, 1]} : vector<64x256xbf16> to vector<3x256xbf16>
      %slice3A_285 = vector.extract_strided_slice %get3A_54 {offsets = [9, 0], sizes = [3, 256], strides = [1, 1]} : vector<64x256xbf16> to vector<3x256xbf16>
      %slice3A_286 = vector.extract_strided_slice %get3A_60 {offsets = [9, 0], sizes = [3, 256], strides = [1, 1]} : vector<64x256xbf16> to vector<3x256xbf16>
      %slice3A_287 = vector.extract_strided_slice %get3A_66 {offsets = [9, 0], sizes = [3, 256], strides = [1, 1]} : vector<64x256xbf16> to vector<3x256xbf16>
      %slice3A_288 = vector.extract_strided_slice %get3A_72 {offsets = [9, 0], sizes = [3, 256], strides = [1, 1]} : vector<64x256xbf16> to vector<3x256xbf16>
      %slice3A_289 = vector.extract_strided_slice %get3A_78 {offsets = [9, 0], sizes = [3, 256], strides = [1, 1]} : vector<64x256xbf16> to vector<3x256xbf16>
      %concatenate3A_290 = tpu.concatenate %slice3A_280, %slice3A_281, %slice3A_282, %slice3A_283, %slice3A_284, %slice3A_285, %slice3A_286, %slice3A_287, %slice3A_288, %slice3A_289, %broadcast_in_dim3A_0 in 0 : vector<3x256xbf16>, vector<3x256xbf16>, vector<3x256xbf16>, vector<3x256xbf16>, vector<3x256xbf16>, vector<3x256xbf16>, vector<3x256xbf16>, vector<3x256xbf16>, vector<3x256xbf16>, vector<3x256xbf16>, vector<2x256xbf16> -> vector<32x256xbf16>
      %get3A_291 = arith.constant 0 : index
      %get3A_292 = arith.constant 0 : index
      %get3A_293 = vector.load %arg2[%get3A_291, %get3A_292] : memref<32x256xbf16, #tpu.memory_space<vmem>>, vector<32x256xbf16>
      %dot_general3A_294 = arith.constant dense<0.000000e+00> : vector<256x256xf32>
      %dot_general3A_295 = tpu.matmul %concatenate3A_290, %get3A_293, %dot_general3A_294 {dimension_numbers = #tpu.dot_dimension_numbers<[0], [0], [1], [1], [0, 1, 1, 1], [], []>, transpose_lhs_hint = false} : vector<32x256xbf16>, vector<32x256xbf16>, vector<256x256xf32> -> vector<256x256xf32>
      %max3A_296 = arith.constant 0.000000e+00 : f32
      %max3A_297 = vector.broadcast %max3A_296 : f32 to vector<256x256xf32>
      %max3A_298 = arith.maximumf %dot_general3A_295, %max3A_297 : vector<256x256xf32>
      %reshape3A_299 = vector.shape_cast %max3A_298 : vector<256x256xf32> to vector<32x8x256xf32>
      %reduce_sum3A_300 = arith.constant dense<0.000000e+00> : vector<8x256xf32>
      %reduce_sum3A_301 = vector.multi_reduction <add>, %reshape3A_299, %reduce_sum3A_300 [0] : vector<32x8x256xf32> to vector<8x256xf32>
      %add3A_302 = arith.addf %add3A_279, %reduce_sum3A_301 : vector<8x256xf32>
      %slice3A_303 = vector.extract_strided_slice %get3A_24 {offsets = [10, 0], sizes = [3, 256], strides = [1, 1]} : vector<64x256xbf16> to vector<3x256xbf16>
      %slice3A_304 = vector.extract_strided_slice %get3A_30 {offsets = [10, 0], sizes = [3, 256], strides = [1, 1]} : vector<64x256xbf16> to vector<3x256xbf16>
      %slice3A_305 = vector.extract_strided_slice %get3A_36 {offsets = [10, 0], sizes = [3, 256], strides = [1, 1]} : vector<64x256xbf16> to vector<3x256xbf16>
      %slice3A_306 = vector.extract_strided_slice %get3A_42 {offsets = [10, 0], sizes = [3, 256], strides = [1, 1]} : vector<64x256xbf16> to vector<3x256xbf16>
      %slice3A_307 = vector.extract_strided_slice %get3A_48 {offsets = [10, 0], sizes = [3, 256], strides = [1, 1]} : vector<64x256xbf16> to vector<3x256xbf16>
      %slice3A_308 = vector.extract_strided_slice %get3A_54 {offsets = [10, 0], sizes = [3, 256], strides = [1, 1]} : vector<64x256xbf16> to vector<3x256xbf16>
      %slice3A_309 = vector.extract_strided_slice %get3A_60 {offsets = [10, 0], sizes = [3, 256], strides = [1, 1]} : vector<64x256xbf16> to vector<3x256xbf16>
      %slice3A_310 = vector.extract_strided_slice %get3A_66 {offsets = [10, 0], sizes = [3, 256], strides = [1, 1]} : vector<64x256xbf16> to vector<3x256xbf16>
      %slice3A_311 = vector.extract_strided_slice %get3A_72 {offsets = [10, 0], sizes = [3, 256], strides = [1, 1]} : vector<64x256xbf16> to vector<3x256xbf16>
      %slice3A_312 = vector.extract_strided_slice %get3A_78 {offsets = [10, 0], sizes = [3, 256], strides = [1, 1]} : vector<64x256xbf16> to vector<3x256xbf16>
      %concatenate3A_313 = tpu.concatenate %slice3A_303, %slice3A_304, %slice3A_305, %slice3A_306, %slice3A_307, %slice3A_308, %slice3A_309, %slice3A_310, %slice3A_311, %slice3A_312, %broadcast_in_dim3A_0 in 0 : vector<3x256xbf16>, vector<3x256xbf16>, vector<3x256xbf16>, vector<3x256xbf16>, vector<3x256xbf16>, vector<3x256xbf16>, vector<3x256xbf16>, vector<3x256xbf16>, vector<3x256xbf16>, vector<3x256xbf16>, vector<2x256xbf16> -> vector<32x256xbf16>
      %get3A_314 = arith.constant 0 : index
      %get3A_315 = arith.constant 0 : index
      %get3A_316 = vector.load %arg2[%get3A_314, %get3A_315] : memref<32x256xbf16, #tpu.memory_space<vmem>>, vector<32x256xbf16>
      %dot_general3A_317 = arith.constant dense<0.000000e+00> : vector<256x256xf32>
      %dot_general3A_318 = tpu.matmul %concatenate3A_313, %get3A_316, %dot_general3A_317 {dimension_numbers = #tpu.dot_dimension_numbers<[0], [0], [1], [1], [0, 1, 1, 1], [], []>, transpose_lhs_hint = false} : vector<32x256xbf16>, vector<32x256xbf16>, vector<256x256xf32> -> vector<256x256xf32>
      %max3A_319 = arith.constant 0.000000e+00 : f32
      %max3A_320 = vector.broadcast %max3A_319 : f32 to vector<256x256xf32>
      %max3A_321 = arith.maximumf %dot_general3A_318, %max3A_320 : vector<256x256xf32>
      %reshape3A_322 = vector.shape_cast %max3A_321 : vector<256x256xf32> to vector<32x8x256xf32>
      %reduce_sum3A_323 = arith.constant dense<0.000000e+00> : vector<8x256xf32>
      %reduce_sum3A_324 = vector.multi_reduction <add>, %reshape3A_322, %reduce_sum3A_323 [0] : vector<32x8x256xf32> to vector<8x256xf32>
      %add3A_325 = arith.addf %add3A_302, %reduce_sum3A_324 : vector<8x256xf32>
      %slice3A_326 = vector.extract_strided_slice %get3A_24 {offsets = [11, 0], sizes = [3, 256], strides = [1, 1]} : vector<64x256xbf16> to vector<3x256xbf16>
      %slice3A_327 = vector.extract_strided_slice %get3A_30 {offsets = [11, 0], sizes = [3, 256], strides = [1, 1]} : vector<64x256xbf16> to vector<3x256xbf16>
      %slice3A_328 = vector.extract_strided_slice %get3A_36 {offsets = [11, 0], sizes = [3, 256], strides = [1, 1]} : vector<64x256xbf16> to vector<3x256xbf16>
      %slice3A_329 = vector.extract_strided_slice %get3A_42 {offsets = [11, 0], sizes = [3, 256], strides = [1, 1]} : vector<64x256xbf16> to vector<3x256xbf16>
      %slice3A_330 = vector.extract_strided_slice %get3A_48 {offsets = [11, 0], sizes = [3, 256], strides = [1, 1]} : vector<64x256xbf16> to vector<3x256xbf16>
      %slice3A_331 = vector.extract_strided_slice %get3A_54 {offsets = [11, 0], sizes = [3, 256], strides = [1, 1]} : vector<64x256xbf16> to vector<3x256xbf16>
      %slice3A_332 = vector.extract_strided_slice %get3A_60 {offsets = [11, 0], sizes = [3, 256], strides = [1, 1]} : vector<64x256xbf16> to vector<3x256xbf16>
      %slice3A_333 = vector.extract_strided_slice %get3A_66 {offsets = [11, 0], sizes = [3, 256], strides = [1, 1]} : vector<64x256xbf16> to vector<3x256xbf16>
      %slice3A_334 = vector.extract_strided_slice %get3A_72 {offsets = [11, 0], sizes = [3, 256], strides = [1, 1]} : vector<64x256xbf16> to vector<3x256xbf16>
      %slice3A_335 = vector.extract_strided_slice %get3A_78 {offsets = [11, 0], sizes = [3, 256], strides = [1, 1]} : vector<64x256xbf16> to vector<3x256xbf16>
      %concatenate3A_336 = tpu.concatenate %slice3A_326, %slice3A_327, %slice3A_328, %slice3A_329, %slice3A_330, %slice3A_331, %slice3A_332, %slice3A_333, %slice3A_334, %slice3A_335, %broadcast_in_dim3A_0 in 0 : vector<3x256xbf16>, vector<3x256xbf16>, vector<3x256xbf16>, vector<3x256xbf16>, vector<3x256xbf16>, vector<3x256xbf16>, vector<3x256xbf16>, vector<3x256xbf16>, vector<3x256xbf16>, vector<3x256xbf16>, vector<2x256xbf16> -> vector<32x256xbf16>
      %get3A_337 = arith.constant 0 : index
      %get3A_338 = arith.constant 0 : index
      %get3A_339 = vector.load %arg2[%get3A_337, %get3A_338] : memref<32x256xbf16, #tpu.memory_space<vmem>>, vector<32x256xbf16>
      %dot_general3A_340 = arith.constant dense<0.000000e+00> : vector<256x256xf32>
      %dot_general3A_341 = tpu.matmul %concatenate3A_336, %get3A_339, %dot_general3A_340 {dimension_numbers = #tpu.dot_dimension_numbers<[0], [0], [1], [1], [0, 1, 1, 1], [], []>, transpose_lhs_hint = false} : vector<32x256xbf16>, vector<32x256xbf16>, vector<256x256xf32> -> vector<256x256xf32>
      %max3A_342 = arith.constant 0.000000e+00 : f32
      %max3A_343 = vector.broadcast %max3A_342 : f32 to vector<256x256xf32>
      %max3A_344 = arith.maximumf %dot_general3A_341, %max3A_343 : vector<256x256xf32>
      %reshape3A_345 = vector.shape_cast %max3A_344 : vector<256x256xf32> to vector<32x8x256xf32>
      %reduce_sum3A_346 = arith.constant dense<0.000000e+00> : vector<8x256xf32>
      %reduce_sum3A_347 = vector.multi_reduction <add>, %reshape3A_345, %reduce_sum3A_346 [0] : vector<32x8x256xf32> to vector<8x256xf32>
      %add3A_348 = arith.addf %add3A_325, %reduce_sum3A_347 : vector<8x256xf32>
      %slice3A_349 = vector.extract_strided_slice %get3A_24 {offsets = [12, 0], sizes = [3, 256], strides = [1, 1]} : vector<64x256xbf16> to vector<3x256xbf16>
      %slice3A_350 = vector.extract_strided_slice %get3A_30 {offsets = [12, 0], sizes = [3, 256], strides = [1, 1]} : vector<64x256xbf16> to vector<3x256xbf16>
      %slice3A_351 = vector.extract_strided_slice %get3A_36 {offsets = [12, 0], sizes = [3, 256], strides = [1, 1]} : vector<64x256xbf16> to vector<3x256xbf16>
      %slice3A_352 = vector.extract_strided_slice %get3A_42 {offsets = [12, 0], sizes = [3, 256], strides = [1, 1]} : vector<64x256xbf16> to vector<3x256xbf16>
      %slice3A_353 = vector.extract_strided_slice %get3A_48 {offsets = [12, 0], sizes = [3, 256], strides = [1, 1]} : vector<64x256xbf16> to vector<3x256xbf16>
      %slice3A_354 = vector.extract_strided_slice %get3A_54 {offsets = [12, 0], sizes = [3, 256], strides = [1, 1]} : vector<64x256xbf16> to vector<3x256xbf16>
      %slice3A_355 = vector.extract_strided_slice %get3A_60 {offsets = [12, 0], sizes = [3, 256], strides = [1, 1]} : vector<64x256xbf16> to vector<3x256xbf16>
      %slice3A_356 = vector.extract_strided_slice %get3A_66 {offsets = [12, 0], sizes = [3, 256], strides = [1, 1]} : vector<64x256xbf16> to vector<3x256xbf16>
      %slice3A_357 = vector.extract_strided_slice %get3A_72 {offsets = [12, 0], sizes = [3, 256], strides = [1, 1]} : vector<64x256xbf16> to vector<3x256xbf16>
      %slice3A_358 = vector.extract_strided_slice %get3A_78 {offsets = [12, 0], sizes = [3, 256], strides = [1, 1]} : vector<64x256xbf16> to vector<3x256xbf16>
      %concatenate3A_359 = tpu.concatenate %slice3A_349, %slice3A_350, %slice3A_351, %slice3A_352, %slice3A_353, %slice3A_354, %slice3A_355, %slice3A_356, %slice3A_357, %slice3A_358, %broadcast_in_dim3A_0 in 0 : vector<3x256xbf16>, vector<3x256xbf16>, vector<3x256xbf16>, vector<3x256xbf16>, vector<3x256xbf16>, vector<3x256xbf16>, vector<3x256xbf16>, vector<3x256xbf16>, vector<3x256xbf16>, vector<3x256xbf16>, vector<2x256xbf16> -> vector<32x256xbf16>
      %get3A_360 = arith.constant 0 : index
      %get3A_361 = arith.constant 0 : index
      %get3A_362 = vector.load %arg2[%get3A_360, %get3A_361] : memref<32x256xbf16, #tpu.memory_space<vmem>>, vector<32x256xbf16>
      %dot_general3A_363 = arith.constant dense<0.000000e+00> : vector<256x256xf32>
      %dot_general3A_364 = tpu.matmul %concatenate3A_359, %get3A_362, %dot_general3A_363 {dimension_numbers = #tpu.dot_dimension_numbers<[0], [0], [1], [1], [0, 1, 1, 1], [], []>, transpose_lhs_hint = false} : vector<32x256xbf16>, vector<32x256xbf16>, vector<256x256xf32> -> vector<256x256xf32>
      %max3A_365 = arith.constant 0.000000e+00 : f32
      %max3A_366 = vector.broadcast %max3A_365 : f32 to vector<256x256xf32>
      %max3A_367 = arith.maximumf %dot_general3A_364, %max3A_366 : vector<256x256xf32>
      %reshape3A_368 = vector.shape_cast %max3A_367 : vector<256x256xf32> to vector<32x8x256xf32>
      %reduce_sum3A_369 = arith.constant dense<0.000000e+00> : vector<8x256xf32>
      %reduce_sum3A_370 = vector.multi_reduction <add>, %reshape3A_368, %reduce_sum3A_369 [0] : vector<32x8x256xf32> to vector<8x256xf32>
      %add3A_371 = arith.addf %add3A_348, %reduce_sum3A_370 : vector<8x256xf32>
      %slice3A_372 = vector.extract_strided_slice %get3A_24 {offsets = [13, 0], sizes = [3, 256], strides = [1, 1]} : vector<64x256xbf16> to vector<3x256xbf16>
      %slice3A_373 = vector.extract_strided_slice %get3A_30 {offsets = [13, 0], sizes = [3, 256], strides = [1, 1]} : vector<64x256xbf16> to vector<3x256xbf16>
      %slice3A_374 = vector.extract_strided_slice %get3A_36 {offsets = [13, 0], sizes = [3, 256], strides = [1, 1]} : vector<64x256xbf16> to vector<3x256xbf16>
      %slice3A_375 = vector.extract_strided_slice %get3A_42 {offsets = [13, 0], sizes = [3, 256], strides = [1, 1]} : vector<64x256xbf16> to vector<3x256xbf16>
      %slice3A_376 = vector.extract_strided_slice %get3A_48 {offsets = [13, 0], sizes = [3, 256], strides = [1, 1]} : vector<64x256xbf16> to vector<3x256xbf16>
      %slice3A_377 = vector.extract_strided_slice %get3A_54 {offsets = [13, 0], sizes = [3, 256], strides = [1, 1]} : vector<64x256xbf16> to vector<3x256xbf16>
      %slice3A_378 = vector.extract_strided_slice %get3A_60 {offsets = [13, 0], sizes = [3, 256], strides = [1, 1]} : vector<64x256xbf16> to vector<3x256xbf16>
      %slice3A_379 = vector.extract_strided_slice %get3A_66 {offsets = [13, 0], sizes = [3, 256], strides = [1, 1]} : vector<64x256xbf16> to vector<3x256xbf16>
      %slice3A_380 = vector.extract_strided_slice %get3A_72 {offsets = [13, 0], sizes = [3, 256], strides = [1, 1]} : vector<64x256xbf16> to vector<3x256xbf16>
      %slice3A_381 = vector.extract_strided_slice %get3A_78 {offsets = [13, 0], sizes = [3, 256], strides = [1, 1]} : vector<64x256xbf16> to vector<3x256xbf16>
      %concatenate3A_382 = tpu.concatenate %slice3A_372, %slice3A_373, %slice3A_374, %slice3A_375, %slice3A_376, %slice3A_377, %slice3A_378, %slice3A_379, %slice3A_380, %slice3A_381, %broadcast_in_dim3A_0 in 0 : vector<3x256xbf16>, vector<3x256xbf16>, vector<3x256xbf16>, vector<3x256xbf16>, vector<3x256xbf16>, vector<3x256xbf16>, vector<3x256xbf16>, vector<3x256xbf16>, vector<3x256xbf16>, vector<3x256xbf16>, vector<2x256xbf16> -> vector<32x256xbf16>
      %get3A_383 = arith.constant 0 : index
      %get3A_384 = arith.constant 0 : index
      %get3A_385 = vector.load %arg2[%get3A_383, %get3A_384] : memref<32x256xbf16, #tpu.memory_space<vmem>>, vector<32x256xbf16>
      %dot_general3A_386 = arith.constant dense<0.000000e+00> : vector<256x256xf32>
      %dot_general3A_387 = tpu.matmul %concatenate3A_382, %get3A_385, %dot_general3A_386 {dimension_numbers = #tpu.dot_dimension_numbers<[0], [0], [1], [1], [0, 1, 1, 1], [], []>, transpose_lhs_hint = false} : vector<32x256xbf16>, vector<32x256xbf16>, vector<256x256xf32> -> vector<256x256xf32>
      %max3A_388 = arith.constant 0.000000e+00 : f32
      %max3A_389 = vector.broadcast %max3A_388 : f32 to vector<256x256xf32>
      %max3A_390 = arith.maximumf %dot_general3A_387, %max3A_389 : vector<256x256xf32>
      %reshape3A_391 = vector.shape_cast %max3A_390 : vector<256x256xf32> to vector<32x8x256xf32>
      %reduce_sum3A_392 = arith.constant dense<0.000000e+00> : vector<8x256xf32>
      %reduce_sum3A_393 = vector.multi_reduction <add>, %reshape3A_391, %reduce_sum3A_392 [0] : vector<32x8x256xf32> to vector<8x256xf32>
      %add3A_394 = arith.addf %add3A_371, %reduce_sum3A_393 : vector<8x256xf32>
      %slice3A_395 = vector.extract_strided_slice %get3A_24 {offsets = [14, 0], sizes = [3, 256], strides = [1, 1]} : vector<64x256xbf16> to vector<3x256xbf16>
      %slice3A_396 = vector.extract_strided_slice %get3A_30 {offsets = [14, 0], sizes = [3, 256], strides = [1, 1]} : vector<64x256xbf16> to vector<3x256xbf16>
      %slice3A_397 = vector.extract_strided_slice %get3A_36 {offsets = [14, 0], sizes = [3, 256], strides = [1, 1]} : vector<64x256xbf16> to vector<3x256xbf16>
      %slice3A_398 = vector.extract_strided_slice %get3A_42 {offsets = [14, 0], sizes = [3, 256], strides = [1, 1]} : vector<64x256xbf16> to vector<3x256xbf16>
      %slice3A_399 = vector.extract_strided_slice %get3A_48 {offsets = [14, 0], sizes = [3, 256], strides = [1, 1]} : vector<64x256xbf16> to vector<3x256xbf16>
      %slice3A_400 = vector.extract_strided_slice %get3A_54 {offsets = [14, 0], sizes = [3, 256], strides = [1, 1]} : vector<64x256xbf16> to vector<3x256xbf16>
      %slice3A_401 = vector.extract_strided_slice %get3A_60 {offsets = [14, 0], sizes = [3, 256], strides = [1, 1]} : vector<64x256xbf16> to vector<3x256xbf16>
      %slice3A_402 = vector.extract_strided_slice %get3A_66 {offsets = [14, 0], sizes = [3, 256], strides = [1, 1]} : vector<64x256xbf16> to vector<3x256xbf16>
      %slice3A_403 = vector.extract_strided_slice %get3A_72 {offsets = [14, 0], sizes = [3, 256], strides = [1, 1]} : vector<64x256xbf16> to vector<3x256xbf16>
      %slice3A_404 = vector.extract_strided_slice %get3A_78 {offsets = [14, 0], sizes = [3, 256], strides = [1, 1]} : vector<64x256xbf16> to vector<3x256xbf16>
      %concatenate3A_405 = tpu.concatenate %slice3A_395, %slice3A_396, %slice3A_397, %slice3A_398, %slice3A_399, %slice3A_400, %slice3A_401, %slice3A_402, %slice3A_403, %slice3A_404, %broadcast_in_dim3A_0 in 0 : vector<3x256xbf16>, vector<3x256xbf16>, vector<3x256xbf16>, vector<3x256xbf16>, vector<3x256xbf16>, vector<3x256xbf16>, vector<3x256xbf16>, vector<3x256xbf16>, vector<3x256xbf16>, vector<3x256xbf16>, vector<2x256xbf16> -> vector<32x256xbf16>
      %get3A_406 = arith.constant 0 : index
      %get3A_407 = arith.constant 0 : index
      %get3A_408 = vector.load %arg2[%get3A_406, %get3A_407] : memref<32x256xbf16, #tpu.memory_space<vmem>>, vector<32x256xbf16>
      %dot_general3A_409 = arith.constant dense<0.000000e+00> : vector<256x256xf32>
      %dot_general3A_410 = tpu.matmul %concatenate3A_405, %get3A_408, %dot_general3A_409 {dimension_numbers = #tpu.dot_dimension_numbers<[0], [0], [1], [1], [0, 1, 1, 1], [], []>, transpose_lhs_hint = false} : vector<32x256xbf16>, vector<32x256xbf16>, vector<256x256xf32> -> vector<256x256xf32>
      %max3A_411 = arith.constant 0.000000e+00 : f32
      %max3A_412 = vector.broadcast %max3A_411 : f32 to vector<256x256xf32>
      %max3A_413 = arith.maximumf %dot_general3A_410, %max3A_412 : vector<256x256xf32>
      %reshape3A_414 = vector.shape_cast %max3A_413 : vector<256x256xf32> to vector<32x8x256xf32>
      %reduce_sum3A_415 = arith.constant dense<0.000000e+00> : vector<8x256xf32>
      %reduce_sum3A_416 = vector.multi_reduction <add>, %reshape3A_414, %reduce_sum3A_415 [0] : vector<32x8x256xf32> to vector<8x256xf32>
      %add3A_417 = arith.addf %add3A_394, %reduce_sum3A_416 : vector<8x256xf32>
      %slice3A_418 = vector.extract_strided_slice %get3A_24 {offsets = [15, 0], sizes = [3, 256], strides = [1, 1]} : vector<64x256xbf16> to vector<3x256xbf16>
      %slice3A_419 = vector.extract_strided_slice %get3A_30 {offsets = [15, 0], sizes = [3, 256], strides = [1, 1]} : vector<64x256xbf16> to vector<3x256xbf16>
      %slice3A_420 = vector.extract_strided_slice %get3A_36 {offsets = [15, 0], sizes = [3, 256], strides = [1, 1]} : vector<64x256xbf16> to vector<3x256xbf16>
      %slice3A_421 = vector.extract_strided_slice %get3A_42 {offsets = [15, 0], sizes = [3, 256], strides = [1, 1]} : vector<64x256xbf16> to vector<3x256xbf16>
      %slice3A_422 = vector.extract_strided_slice %get3A_48 {offsets = [15, 0], sizes = [3, 256], strides = [1, 1]} : vector<64x256xbf16> to vector<3x256xbf16>
      %slice3A_423 = vector.extract_strided_slice %get3A_54 {offsets = [15, 0], sizes = [3, 256], strides = [1, 1]} : vector<64x256xbf16> to vector<3x256xbf16>
      %slice3A_424 = vector.extract_strided_slice %get3A_60 {offsets = [15, 0], sizes = [3, 256], strides = [1, 1]} : vector<64x256xbf16> to vector<3x256xbf16>
      %slice3A_425 = vector.extract_strided_slice %get3A_66 {offsets = [15, 0], sizes = [3, 256], strides = [1, 1]} : vector<64x256xbf16> to vector<3x256xbf16>
      %slice3A_426 = vector.extract_strided_slice %get3A_72 {offsets = [15, 0], sizes = [3, 256], strides = [1, 1]} : vector<64x256xbf16> to vector<3x256xbf16>
      %slice3A_427 = vector.extract_strided_slice %get3A_78 {offsets = [15, 0], sizes = [3, 256], strides = [1, 1]} : vector<64x256xbf16> to vector<3x256xbf16>
      %concatenate3A_428 = tpu.concatenate %slice3A_418, %slice3A_419, %slice3A_420, %slice3A_421, %slice3A_422, %slice3A_423, %slice3A_424, %slice3A_425, %slice3A_426, %slice3A_427, %broadcast_in_dim3A_0 in 0 : vector<3x256xbf16>, vector<3x256xbf16>, vector<3x256xbf16>, vector<3x256xbf16>, vector<3x256xbf16>, vector<3x256xbf16>, vector<3x256xbf16>, vector<3x256xbf16>, vector<3x256xbf16>, vector<3x256xbf16>, vector<2x256xbf16> -> vector<32x256xbf16>
      %get3A_429 = arith.constant 0 : index
      %get3A_430 = arith.constant 0 : index
      %get3A_431 = vector.load %arg2[%get3A_429, %get3A_430] : memref<32x256xbf16, #tpu.memory_space<vmem>>, vector<32x256xbf16>
      %dot_general3A_432 = arith.constant dense<0.000000e+00> : vector<256x256xf32>
      %dot_general3A_433 = tpu.matmul %concatenate3A_428, %get3A_431, %dot_general3A_432 {dimension_numbers = #tpu.dot_dimension_numbers<[0], [0], [1], [1], [0, 1, 1, 1], [], []>, transpose_lhs_hint = false} : vector<32x256xbf16>, vector<32x256xbf16>, vector<256x256xf32> -> vector<256x256xf32>
      %max3A_434 = arith.constant 0.000000e+00 : f32
      %max3A_435 = vector.broadcast %max3A_434 : f32 to vector<256x256xf32>
      %max3A_436 = arith.maximumf %dot_general3A_433, %max3A_435 : vector<256x256xf32>
      %reshape3A_437 = vector.shape_cast %max3A_436 : vector<256x256xf32> to vector<32x8x256xf32>
      %reduce_sum3A_438 = arith.constant dense<0.000000e+00> : vector<8x256xf32>
      %reduce_sum3A_439 = vector.multi_reduction <add>, %reshape3A_437, %reduce_sum3A_438 [0] : vector<32x8x256xf32> to vector<8x256xf32>
      %add3A_440 = arith.addf %add3A_417, %reduce_sum3A_439 : vector<8x256xf32>
      %slice3A_441 = vector.extract_strided_slice %get3A_24 {offsets = [16, 0], sizes = [3, 256], strides = [1, 1]} : vector<64x256xbf16> to vector<3x256xbf16>
      %slice3A_442 = vector.extract_strided_slice %get3A_30 {offsets = [16, 0], sizes = [3, 256], strides = [1, 1]} : vector<64x256xbf16> to vector<3x256xbf16>
      %slice3A_443 = vector.extract_strided_slice %get3A_36 {offsets = [16, 0], sizes = [3, 256], strides = [1, 1]} : vector<64x256xbf16> to vector<3x256xbf16>
      %slice3A_444 = vector.extract_strided_slice %get3A_42 {offsets = [16, 0], sizes = [3, 256], strides = [1, 1]} : vector<64x256xbf16> to vector<3x256xbf16>
      %slice3A_445 = vector.extract_strided_slice %get3A_48 {offsets = [16, 0], sizes = [3, 256], strides = [1, 1]} : vector<64x256xbf16> to vector<3x256xbf16>
      %slice3A_446 = vector.extract_strided_slice %get3A_54 {offsets = [16, 0], sizes = [3, 256], strides = [1, 1]} : vector<64x256xbf16> to vector<3x256xbf16>
      %slice3A_447 = vector.extract_strided_slice %get3A_60 {offsets = [16, 0], sizes = [3, 256], strides = [1, 1]} : vector<64x256xbf16> to vector<3x256xbf16>
      %slice3A_448 = vector.extract_strided_slice %get3A_66 {offsets = [16, 0], sizes = [3, 256], strides = [1, 1]} : vector<64x256xbf16> to vector<3x256xbf16>
      %slice3A_449 = vector.extract_strided_slice %get3A_72 {offsets = [16, 0], sizes = [3, 256], strides = [1, 1]} : vector<64x256xbf16> to vector<3x256xbf16>
      %slice3A_450 = vector.extract_strided_slice %get3A_78 {offsets = [16, 0], sizes = [3, 256], strides = [1, 1]} : vector<64x256xbf16> to vector<3x256xbf16>
      %concatenate3A_451 = tpu.concatenate %slice3A_441, %slice3A_442, %slice3A_443, %slice3A_444, %slice3A_445, %slice3A_446, %slice3A_447, %slice3A_448, %slice3A_449, %slice3A_450, %broadcast_in_dim3A_0 in 0 : vector<3x256xbf16>, vector<3x256xbf16>, vector<3x256xbf16>, vector<3x256xbf16>, vector<3x256xbf16>, vector<3x256xbf16>, vector<3x256xbf16>, vector<3x256xbf16>, vector<3x256xbf16>, vector<3x256xbf16>, vector<2x256xbf16> -> vector<32x256xbf16>
      %get3A_452 = arith.constant 0 : index
      %get3A_453 = arith.constant 0 : index
      %get3A_454 = vector.load %arg2[%get3A_452, %get3A_453] : memref<32x256xbf16, #tpu.memory_space<vmem>>, vector<32x256xbf16>
      %dot_general3A_455 = arith.constant dense<0.000000e+00> : vector<256x256xf32>
      %dot_general3A_456 = tpu.matmul %concatenate3A_451, %get3A_454, %dot_general3A_455 {dimension_numbers = #tpu.dot_dimension_numbers<[0], [0], [1], [1], [0, 1, 1, 1], [], []>, transpose_lhs_hint = false} : vector<32x256xbf16>, vector<32x256xbf16>, vector<256x256xf32> -> vector<256x256xf32>
      %max3A_457 = arith.constant 0.000000e+00 : f32
      %max3A_458 = vector.broadcast %max3A_457 : f32 to vector<256x256xf32>
      %max3A_459 = arith.maximumf %dot_general3A_456, %max3A_458 : vector<256x256xf32>
      %reshape3A_460 = vector.shape_cast %max3A_459 : vector<256x256xf32> to vector<32x8x256xf32>
      %reduce_sum3A_461 = arith.constant dense<0.000000e+00> : vector<8x256xf32>
      %reduce_sum3A_462 = vector.multi_reduction <add>, %reshape3A_460, %reduce_sum3A_461 [0] : vector<32x8x256xf32> to vector<8x256xf32>
      %add3A_463 = arith.addf %add3A_440, %reduce_sum3A_462 : vector<8x256xf32>
      %slice3A_464 = vector.extract_strided_slice %get3A_24 {offsets = [17, 0], sizes = [3, 256], strides = [1, 1]} : vector<64x256xbf16> to vector<3x256xbf16>
      %slice3A_465 = vector.extract_strided_slice %get3A_30 {offsets = [17, 0], sizes = [3, 256], strides = [1, 1]} : vector<64x256xbf16> to vector<3x256xbf16>
      %slice3A_466 = vector.extract_strided_slice %get3A_36 {offsets = [17, 0], sizes = [3, 256], strides = [1, 1]} : vector<64x256xbf16> to vector<3x256xbf16>
      %slice3A_467 = vector.extract_strided_slice %get3A_42 {offsets = [17, 0], sizes = [3, 256], strides = [1, 1]} : vector<64x256xbf16> to vector<3x256xbf16>
      %slice3A_468 = vector.extract_strided_slice %get3A_48 {offsets = [17, 0], sizes = [3, 256], strides = [1, 1]} : vector<64x256xbf16> to vector<3x256xbf16>
      %slice3A_469 = vector.extract_strided_slice %get3A_54 {offsets = [17, 0], sizes = [3, 256], strides = [1, 1]} : vector<64x256xbf16> to vector<3x256xbf16>
      %slice3A_470 = vector.extract_strided_slice %get3A_60 {offsets = [17, 0], sizes = [3, 256], strides = [1, 1]} : vector<64x256xbf16> to vector<3x256xbf16>
      %slice3A_471 = vector.extract_strided_slice %get3A_66 {offsets = [17, 0], sizes = [3, 256], strides = [1, 1]} : vector<64x256xbf16> to vector<3x256xbf16>
      %slice3A_472 = vector.extract_strided_slice %get3A_72 {offsets = [17, 0], sizes = [3, 256], strides = [1, 1]} : vector<64x256xbf16> to vector<3x256xbf16>
      %slice3A_473 = vector.extract_strided_slice %get3A_78 {offsets = [17, 0], sizes = [3, 256], strides = [1, 1]} : vector<64x256xbf16> to vector<3x256xbf16>
      %concatenate3A_474 = tpu.concatenate %slice3A_464, %slice3A_465, %slice3A_466, %slice3A_467, %slice3A_468, %slice3A_469, %slice3A_470, %slice3A_471, %slice3A_472, %slice3A_473, %broadcast_in_dim3A_0 in 0 : vector<3x256xbf16>, vector<3x256xbf16>, vector<3x256xbf16>, vector<3x256xbf16>, vector<3x256xbf16>, vector<3x256xbf16>, vector<3x256xbf16>, vector<3x256xbf16>, vector<3x256xbf16>, vector<3x256xbf16>, vector<2x256xbf16> -> vector<32x256xbf16>
      %get3A_475 = arith.constant 0 : index
      %get3A_476 = arith.constant 0 : index
      %get3A_477 = vector.load %arg2[%get3A_475, %get3A_476] : memref<32x256xbf16, #tpu.memory_space<vmem>>, vector<32x256xbf16>
      %dot_general3A_478 = arith.constant dense<0.000000e+00> : vector<256x256xf32>
      %dot_general3A_479 = tpu.matmul %concatenate3A_474, %get3A_477, %dot_general3A_478 {dimension_numbers = #tpu.dot_dimension_numbers<[0], [0], [1], [1], [0, 1, 1, 1], [], []>, transpose_lhs_hint = false} : vector<32x256xbf16>, vector<32x256xbf16>, vector<256x256xf32> -> vector<256x256xf32>
      %max3A_480 = arith.constant 0.000000e+00 : f32
      %max3A_481 = vector.broadcast %max3A_480 : f32 to vector<256x256xf32>
      %max3A_482 = arith.maximumf %dot_general3A_479, %max3A_481 : vector<256x256xf32>
      %reshape3A_483 = vector.shape_cast %max3A_482 : vector<256x256xf32> to vector<32x8x256xf32>
      %reduce_sum3A_484 = arith.constant dense<0.000000e+00> : vector<8x256xf32>
      %reduce_sum3A_485 = vector.multi_reduction <add>, %reshape3A_483, %reduce_sum3A_484 [0] : vector<32x8x256xf32> to vector<8x256xf32>
      %add3A_486 = arith.addf %add3A_463, %reduce_sum3A_485 : vector<8x256xf32>
      %slice3A_487 = vector.extract_strided_slice %get3A_24 {offsets = [18, 0], sizes = [3, 256], strides = [1, 1]} : vector<64x256xbf16> to vector<3x256xbf16>
      %slice3A_488 = vector.extract_strided_slice %get3A_30 {offsets = [18, 0], sizes = [3, 256], strides = [1, 1]} : vector<64x256xbf16> to vector<3x256xbf16>
      %slice3A_489 = vector.extract_strided_slice %get3A_36 {offsets = [18, 0], sizes = [3, 256], strides = [1, 1]} : vector<64x256xbf16> to vector<3x256xbf16>
      %slice3A_490 = vector.extract_strided_slice %get3A_42 {offsets = [18, 0], sizes = [3, 256], strides = [1, 1]} : vector<64x256xbf16> to vector<3x256xbf16>
      %slice3A_491 = vector.extract_strided_slice %get3A_48 {offsets = [18, 0], sizes = [3, 256], strides = [1, 1]} : vector<64x256xbf16> to vector<3x256xbf16>
      %slice3A_492 = vector.extract_strided_slice %get3A_54 {offsets = [18, 0], sizes = [3, 256], strides = [1, 1]} : vector<64x256xbf16> to vector<3x256xbf16>
      %slice3A_493 = vector.extract_strided_slice %get3A_60 {offsets = [18, 0], sizes = [3, 256], strides = [1, 1]} : vector<64x256xbf16> to vector<3x256xbf16>
      %slice3A_494 = vector.extract_strided_slice %get3A_66 {offsets = [18, 0], sizes = [3, 256], strides = [1, 1]} : vector<64x256xbf16> to vector<3x256xbf16>
      %slice3A_495 = vector.extract_strided_slice %get3A_72 {offsets = [18, 0], sizes = [3, 256], strides = [1, 1]} : vector<64x256xbf16> to vector<3x256xbf16>
      %slice3A_496 = vector.extract_strided_slice %get3A_78 {offsets = [18, 0], sizes = [3, 256], strides = [1, 1]} : vector<64x256xbf16> to vector<3x256xbf16>
      %concatenate3A_497 = tpu.concatenate %slice3A_487, %slice3A_488, %slice3A_489, %slice3A_490, %slice3A_491, %slice3A_492, %slice3A_493, %slice3A_494, %slice3A_495, %slice3A_496, %broadcast_in_dim3A_0 in 0 : vector<3x256xbf16>, vector<3x256xbf16>, vector<3x256xbf16>, vector<3x256xbf16>, vector<3x256xbf16>, vector<3x256xbf16>, vector<3x256xbf16>, vector<3x256xbf16>, vector<3x256xbf16>, vector<3x256xbf16>, vector<2x256xbf16> -> vector<32x256xbf16>
      %get3A_498 = arith.constant 0 : index
      %get3A_499 = arith.constant 0 : index
      %get3A_500 = vector.load %arg2[%get3A_498, %get3A_499] : memref<32x256xbf16, #tpu.memory_space<vmem>>, vector<32x256xbf16>
      %dot_general3A_501 = arith.constant dense<0.000000e+00> : vector<256x256xf32>
      %dot_general3A_502 = tpu.matmul %concatenate3A_497, %get3A_500, %dot_general3A_501 {dimension_numbers = #tpu.dot_dimension_numbers<[0], [0], [1], [1], [0, 1, 1, 1], [], []>, transpose_lhs_hint = false} : vector<32x256xbf16>, vector<32x256xbf16>, vector<256x256xf32> -> vector<256x256xf32>
      %max3A_503 = arith.constant 0.000000e+00 : f32
      %max3A_504 = vector.broadcast %max3A_503 : f32 to vector<256x256xf32>
      %max3A_505 = arith.maximumf %dot_general3A_502, %max3A_504 : vector<256x256xf32>
      %reshape3A_506 = vector.shape_cast %max3A_505 : vector<256x256xf32> to vector<32x8x256xf32>
      %reduce_sum3A_507 = arith.constant dense<0.000000e+00> : vector<8x256xf32>
      %reduce_sum3A_508 = vector.multi_reduction <add>, %reshape3A_506, %reduce_sum3A_507 [0] : vector<32x8x256xf32> to vector<8x256xf32>
      %add3A_509 = arith.addf %add3A_486, %reduce_sum3A_508 : vector<8x256xf32>
      %slice3A_510 = vector.extract_strided_slice %get3A_24 {offsets = [19, 0], sizes = [3, 256], strides = [1, 1]} : vector<64x256xbf16> to vector<3x256xbf16>
      %slice3A_511 = vector.extract_strided_slice %get3A_30 {offsets = [19, 0], sizes = [3, 256], strides = [1, 1]} : vector<64x256xbf16> to vector<3x256xbf16>
      %slice3A_512 = vector.extract_strided_slice %get3A_36 {offsets = [19, 0], sizes = [3, 256], strides = [1, 1]} : vector<64x256xbf16> to vector<3x256xbf16>
      %slice3A_513 = vector.extract_strided_slice %get3A_42 {offsets = [19, 0], sizes = [3, 256], strides = [1, 1]} : vector<64x256xbf16> to vector<3x256xbf16>
      %slice3A_514 = vector.extract_strided_slice %get3A_48 {offsets = [19, 0], sizes = [3, 256], strides = [1, 1]} : vector<64x256xbf16> to vector<3x256xbf16>
      %slice3A_515 = vector.extract_strided_slice %get3A_54 {offsets = [19, 0], sizes = [3, 256], strides = [1, 1]} : vector<64x256xbf16> to vector<3x256xbf16>
      %slice3A_516 = vector.extract_strided_slice %get3A_60 {offsets = [19, 0], sizes = [3, 256], strides = [1, 1]} : vector<64x256xbf16> to vector<3x256xbf16>
      %slice3A_517 = vector.extract_strided_slice %get3A_66 {offsets = [19, 0], sizes = [3, 256], strides = [1, 1]} : vector<64x256xbf16> to vector<3x256xbf16>
      %slice3A_518 = vector.extract_strided_slice %get3A_72 {offsets = [19, 0], sizes = [3, 256], strides = [1, 1]} : vector<64x256xbf16> to vector<3x256xbf16>
      %slice3A_519 = vector.extract_strided_slice %get3A_78 {offsets = [19, 0], sizes = [3, 256], strides = [1, 1]} : vector<64x256xbf16> to vector<3x256xbf16>
      %concatenate3A_520 = tpu.concatenate %slice3A_510, %slice3A_511, %slice3A_512, %slice3A_513, %slice3A_514, %slice3A_515, %slice3A_516, %slice3A_517, %slice3A_518, %slice3A_519, %broadcast_in_dim3A_0 in 0 : vector<3x256xbf16>, vector<3x256xbf16>, vector<3x256xbf16>, vector<3x256xbf16>, vector<3x256xbf16>, vector<3x256xbf16>, vector<3x256xbf16>, vector<3x256xbf16>, vector<3x256xbf16>, vector<3x256xbf16>, vector<2x256xbf16> -> vector<32x256xbf16>
      %get3A_521 = arith.constant 0 : index
      %get3A_522 = arith.constant 0 : index
      %get3A_523 = vector.load %arg2[%get3A_521, %get3A_522] : memref<32x256xbf16, #tpu.memory_space<vmem>>, vector<32x256xbf16>
      %dot_general3A_524 = arith.constant dense<0.000000e+00> : vector<256x256xf32>
      %dot_general3A_525 = tpu.matmul %concatenate3A_520, %get3A_523, %dot_general3A_524 {dimension_numbers = #tpu.dot_dimension_numbers<[0], [0], [1], [1], [0, 1, 1, 1], [], []>, transpose_lhs_hint = false} : vector<32x256xbf16>, vector<32x256xbf16>, vector<256x256xf32> -> vector<256x256xf32>
      %max3A_526 = arith.constant 0.000000e+00 : f32
      %max3A_527 = vector.broadcast %max3A_526 : f32 to vector<256x256xf32>
      %max3A_528 = arith.maximumf %dot_general3A_525, %max3A_527 : vector<256x256xf32>
      %reshape3A_529 = vector.shape_cast %max3A_528 : vector<256x256xf32> to vector<32x8x256xf32>
      %reduce_sum3A_530 = arith.constant dense<0.000000e+00> : vector<8x256xf32>
      %reduce_sum3A_531 = vector.multi_reduction <add>, %reshape3A_529, %reduce_sum3A_530 [0] : vector<32x8x256xf32> to vector<8x256xf32>
      %add3A_532 = arith.addf %add3A_509, %reduce_sum3A_531 : vector<8x256xf32>
      %slice3A_533 = vector.extract_strided_slice %get3A_24 {offsets = [20, 0], sizes = [3, 256], strides = [1, 1]} : vector<64x256xbf16> to vector<3x256xbf16>
      %slice3A_534 = vector.extract_strided_slice %get3A_30 {offsets = [20, 0], sizes = [3, 256], strides = [1, 1]} : vector<64x256xbf16> to vector<3x256xbf16>
      %slice3A_535 = vector.extract_strided_slice %get3A_36 {offsets = [20, 0], sizes = [3, 256], strides = [1, 1]} : vector<64x256xbf16> to vector<3x256xbf16>
      %slice3A_536 = vector.extract_strided_slice %get3A_42 {offsets = [20, 0], sizes = [3, 256], strides = [1, 1]} : vector<64x256xbf16> to vector<3x256xbf16>
      %slice3A_537 = vector.extract_strided_slice %get3A_48 {offsets = [20, 0], sizes = [3, 256], strides = [1, 1]} : vector<64x256xbf16> to vector<3x256xbf16>
      %slice3A_538 = vector.extract_strided_slice %get3A_54 {offsets = [20, 0], sizes = [3, 256], strides = [1, 1]} : vector<64x256xbf16> to vector<3x256xbf16>
      %slice3A_539 = vector.extract_strided_slice %get3A_60 {offsets = [20, 0], sizes = [3, 256], strides = [1, 1]} : vector<64x256xbf16> to vector<3x256xbf16>
      %slice3A_540 = vector.extract_strided_slice %get3A_66 {offsets = [20, 0], sizes = [3, 256], strides = [1, 1]} : vector<64x256xbf16> to vector<3x256xbf16>
      %slice3A_541 = vector.extract_strided_slice %get3A_72 {offsets = [20, 0], sizes = [3, 256], strides = [1, 1]} : vector<64x256xbf16> to vector<3x256xbf16>
      %slice3A_542 = vector.extract_strided_slice %get3A_78 {offsets = [20, 0], sizes = [3, 256], strides = [1, 1]} : vector<64x256xbf16> to vector<3x256xbf16>
      %concatenate3A_543 = tpu.concatenate %slice3A_533, %slice3A_534, %slice3A_535, %slice3A_536, %slice3A_537, %slice3A_538, %slice3A_539, %slice3A_540, %slice3A_541, %slice3A_542, %broadcast_in_dim3A_0 in 0 : vector<3x256xbf16>, vector<3x256xbf16>, vector<3x256xbf16>, vector<3x256xbf16>, vector<3x256xbf16>, vector<3x256xbf16>, vector<3x256xbf16>, vector<3x256xbf16>, vector<3x256xbf16>, vector<3x256xbf16>, vector<2x256xbf16> -> vector<32x256xbf16>
      %get3A_544 = arith.constant 0 : index
      %get3A_545 = arith.constant 0 : index
      %get3A_546 = vector.load %arg2[%get3A_544, %get3A_545] : memref<32x256xbf16, #tpu.memory_space<vmem>>, vector<32x256xbf16>
      %dot_general3A_547 = arith.constant dense<0.000000e+00> : vector<256x256xf32>
      %dot_general3A_548 = tpu.matmul %concatenate3A_543, %get3A_546, %dot_general3A_547 {dimension_numbers = #tpu.dot_dimension_numbers<[0], [0], [1], [1], [0, 1, 1, 1], [], []>, transpose_lhs_hint = false} : vector<32x256xbf16>, vector<32x256xbf16>, vector<256x256xf32> -> vector<256x256xf32>
      %max3A_549 = arith.constant 0.000000e+00 : f32
      %max3A_550 = vector.broadcast %max3A_549 : f32 to vector<256x256xf32>
      %max3A_551 = arith.maximumf %dot_general3A_548, %max3A_550 : vector<256x256xf32>
      %reshape3A_552 = vector.shape_cast %max3A_551 : vector<256x256xf32> to vector<32x8x256xf32>
      %reduce_sum3A_553 = arith.constant dense<0.000000e+00> : vector<8x256xf32>
      %reduce_sum3A_554 = vector.multi_reduction <add>, %reshape3A_552, %reduce_sum3A_553 [0] : vector<32x8x256xf32> to vector<8x256xf32>
      %add3A_555 = arith.addf %add3A_532, %reduce_sum3A_554 : vector<8x256xf32>
      %slice3A_556 = vector.extract_strided_slice %get3A_24 {offsets = [21, 0], sizes = [3, 256], strides = [1, 1]} : vector<64x256xbf16> to vector<3x256xbf16>
      %slice3A_557 = vector.extract_strided_slice %get3A_30 {offsets = [21, 0], sizes = [3, 256], strides = [1, 1]} : vector<64x256xbf16> to vector<3x256xbf16>
      %slice3A_558 = vector.extract_strided_slice %get3A_36 {offsets = [21, 0], sizes = [3, 256], strides = [1, 1]} : vector<64x256xbf16> to vector<3x256xbf16>
      %slice3A_559 = vector.extract_strided_slice %get3A_42 {offsets = [21, 0], sizes = [3, 256], strides = [1, 1]} : vector<64x256xbf16> to vector<3x256xbf16>
      %slice3A_560 = vector.extract_strided_slice %get3A_48 {offsets = [21, 0], sizes = [3, 256], strides = [1, 1]} : vector<64x256xbf16> to vector<3x256xbf16>
      %slice3A_561 = vector.extract_strided_slice %get3A_54 {offsets = [21, 0], sizes = [3, 256], strides = [1, 1]} : vector<64x256xbf16> to vector<3x256xbf16>
      %slice3A_562 = vector.extract_strided_slice %get3A_60 {offsets = [21, 0], sizes = [3, 256], strides = [1, 1]} : vector<64x256xbf16> to vector<3x256xbf16>
      %slice3A_563 = vector.extract_strided_slice %get3A_66 {offsets = [21, 0], sizes = [3, 256], strides = [1, 1]} : vector<64x256xbf16> to vector<3x256xbf16>
      %slice3A_564 = vector.extract_strided_slice %get3A_72 {offsets = [21, 0], sizes = [3, 256], strides = [1, 1]} : vector<64x256xbf16> to vector<3x256xbf16>
      %slice3A_565 = vector.extract_strided_slice %get3A_78 {offsets = [21, 0], sizes = [3, 256], strides = [1, 1]} : vector<64x256xbf16> to vector<3x256xbf16>
      %concatenate3A_566 = tpu.concatenate %slice3A_556, %slice3A_557, %slice3A_558, %slice3A_559, %slice3A_560, %slice3A_561, %slice3A_562, %slice3A_563, %slice3A_564, %slice3A_565, %broadcast_in_dim3A_0 in 0 : vector<3x256xbf16>, vector<3x256xbf16>, vector<3x256xbf16>, vector<3x256xbf16>, vector<3x256xbf16>, vector<3x256xbf16>, vector<3x256xbf16>, vector<3x256xbf16>, vector<3x256xbf16>, vector<3x256xbf16>, vector<2x256xbf16> -> vector<32x256xbf16>
      %get3A_567 = arith.constant 0 : index
      %get3A_568 = arith.constant 0 : index
      %get3A_569 = vector.load %arg2[%get3A_567, %get3A_568] : memref<32x256xbf16, #tpu.memory_space<vmem>>, vector<32x256xbf16>
      %dot_general3A_570 = arith.constant dense<0.000000e+00> : vector<256x256xf32>
      %dot_general3A_571 = tpu.matmul %concatenate3A_566, %get3A_569, %dot_general3A_570 {dimension_numbers = #tpu.dot_dimension_numbers<[0], [0], [1], [1], [0, 1, 1, 1], [], []>, transpose_lhs_hint = false} : vector<32x256xbf16>, vector<32x256xbf16>, vector<256x256xf32> -> vector<256x256xf32>
      %max3A_572 = arith.constant 0.000000e+00 : f32
      %max3A_573 = vector.broadcast %max3A_572 : f32 to vector<256x256xf32>
      %max3A_574 = arith.maximumf %dot_general3A_571, %max3A_573 : vector<256x256xf32>
      %reshape3A_575 = vector.shape_cast %max3A_574 : vector<256x256xf32> to vector<32x8x256xf32>
      %reduce_sum3A_576 = arith.constant dense<0.000000e+00> : vector<8x256xf32>
      %reduce_sum3A_577 = vector.multi_reduction <add>, %reshape3A_575, %reduce_sum3A_576 [0] : vector<32x8x256xf32> to vector<8x256xf32>
      %add3A_578 = arith.addf %add3A_555, %reduce_sum3A_577 : vector<8x256xf32>
      %slice3A_579 = vector.extract_strided_slice %get3A_24 {offsets = [22, 0], sizes = [3, 256], strides = [1, 1]} : vector<64x256xbf16> to vector<3x256xbf16>
      %slice3A_580 = vector.extract_strided_slice %get3A_30 {offsets = [22, 0], sizes = [3, 256], strides = [1, 1]} : vector<64x256xbf16> to vector<3x256xbf16>
      %slice3A_581 = vector.extract_strided_slice %get3A_36 {offsets = [22, 0], sizes = [3, 256], strides = [1, 1]} : vector<64x256xbf16> to vector<3x256xbf16>
      %slice3A_582 = vector.extract_strided_slice %get3A_42 {offsets = [22, 0], sizes = [3, 256], strides = [1, 1]} : vector<64x256xbf16> to vector<3x256xbf16>
      %slice3A_583 = vector.extract_strided_slice %get3A_48 {offsets = [22, 0], sizes = [3, 256], strides = [1, 1]} : vector<64x256xbf16> to vector<3x256xbf16>
      %slice3A_584 = vector.extract_strided_slice %get3A_54 {offsets = [22, 0], sizes = [3, 256], strides = [1, 1]} : vector<64x256xbf16> to vector<3x256xbf16>
      %slice3A_585 = vector.extract_strided_slice %get3A_60 {offsets = [22, 0], sizes = [3, 256], strides = [1, 1]} : vector<64x256xbf16> to vector<3x256xbf16>
      %slice3A_586 = vector.extract_strided_slice %get3A_66 {offsets = [22, 0], sizes = [3, 256], strides = [1, 1]} : vector<64x256xbf16> to vector<3x256xbf16>
      %slice3A_587 = vector.extract_strided_slice %get3A_72 {offsets = [22, 0], sizes = [3, 256], strides = [1, 1]} : vector<64x256xbf16> to vector<3x256xbf16>
      %slice3A_588 = vector.extract_strided_slice %get3A_78 {offsets = [22, 0], sizes = [3, 256], strides = [1, 1]} : vector<64x256xbf16> to vector<3x256xbf16>
      %concatenate3A_589 = tpu.concatenate %slice3A_579, %slice3A_580, %slice3A_581, %slice3A_582, %slice3A_583, %slice3A_584, %slice3A_585, %slice3A_586, %slice3A_587, %slice3A_588, %broadcast_in_dim3A_0 in 0 : vector<3x256xbf16>, vector<3x256xbf16>, vector<3x256xbf16>, vector<3x256xbf16>, vector<3x256xbf16>, vector<3x256xbf16>, vector<3x256xbf16>, vector<3x256xbf16>, vector<3x256xbf16>, vector<3x256xbf16>, vector<2x256xbf16> -> vector<32x256xbf16>
      %get3A_590 = arith.constant 0 : index
      %get3A_591 = arith.constant 0 : index
      %get3A_592 = vector.load %arg2[%get3A_590, %get3A_591] : memref<32x256xbf16, #tpu.memory_space<vmem>>, vector<32x256xbf16>
      %dot_general3A_593 = arith.constant dense<0.000000e+00> : vector<256x256xf32>
      %dot_general3A_594 = tpu.matmul %concatenate3A_589, %get3A_592, %dot_general3A_593 {dimension_numbers = #tpu.dot_dimension_numbers<[0], [0], [1], [1], [0, 1, 1, 1], [], []>, transpose_lhs_hint = false} : vector<32x256xbf16>, vector<32x256xbf16>, vector<256x256xf32> -> vector<256x256xf32>
      %max3A_595 = arith.constant 0.000000e+00 : f32
      %max3A_596 = vector.broadcast %max3A_595 : f32 to vector<256x256xf32>
      %max3A_597 = arith.maximumf %dot_general3A_594, %max3A_596 : vector<256x256xf32>
      %reshape3A_598 = vector.shape_cast %max3A_597 : vector<256x256xf32> to vector<32x8x256xf32>
      %reduce_sum3A_599 = arith.constant dense<0.000000e+00> : vector<8x256xf32>
      %reduce_sum3A_600 = vector.multi_reduction <add>, %reshape3A_598, %reduce_sum3A_599 [0] : vector<32x8x256xf32> to vector<8x256xf32>
      %add3A_601 = arith.addf %add3A_578, %reduce_sum3A_600 : vector<8x256xf32>
      %slice3A_602 = vector.extract_strided_slice %get3A_24 {offsets = [23, 0], sizes = [3, 256], strides = [1, 1]} : vector<64x256xbf16> to vector<3x256xbf16>
      %slice3A_603 = vector.extract_strided_slice %get3A_30 {offsets = [23, 0], sizes = [3, 256], strides = [1, 1]} : vector<64x256xbf16> to vector<3x256xbf16>
      %slice3A_604 = vector.extract_strided_slice %get3A_36 {offsets = [23, 0], sizes = [3, 256], strides = [1, 1]} : vector<64x256xbf16> to vector<3x256xbf16>
      %slice3A_605 = vector.extract_strided_slice %get3A_42 {offsets = [23, 0], sizes = [3, 256], strides = [1, 1]} : vector<64x256xbf16> to vector<3x256xbf16>
      %slice3A_606 = vector.extract_strided_slice %get3A_48 {offsets = [23, 0], sizes = [3, 256], strides = [1, 1]} : vector<64x256xbf16> to vector<3x256xbf16>
      %slice3A_607 = vector.extract_strided_slice %get3A_54 {offsets = [23, 0], sizes = [3, 256], strides = [1, 1]} : vector<64x256xbf16> to vector<3x256xbf16>
      %slice3A_608 = vector.extract_strided_slice %get3A_60 {offsets = [23, 0], sizes = [3, 256], strides = [1, 1]} : vector<64x256xbf16> to vector<3x256xbf16>
      %slice3A_609 = vector.extract_strided_slice %get3A_66 {offsets = [23, 0], sizes = [3, 256], strides = [1, 1]} : vector<64x256xbf16> to vector<3x256xbf16>
      %slice3A_610 = vector.extract_strided_slice %get3A_72 {offsets = [23, 0], sizes = [3, 256], strides = [1, 1]} : vector<64x256xbf16> to vector<3x256xbf16>
      %slice3A_611 = vector.extract_strided_slice %get3A_78 {offsets = [23, 0], sizes = [3, 256], strides = [1, 1]} : vector<64x256xbf16> to vector<3x256xbf16>
      %concatenate3A_612 = tpu.concatenate %slice3A_602, %slice3A_603, %slice3A_604, %slice3A_605, %slice3A_606, %slice3A_607, %slice3A_608, %slice3A_609, %slice3A_610, %slice3A_611, %broadcast_in_dim3A_0 in 0 : vector<3x256xbf16>, vector<3x256xbf16>, vector<3x256xbf16>, vector<3x256xbf16>, vector<3x256xbf16>, vector<3x256xbf16>, vector<3x256xbf16>, vector<3x256xbf16>, vector<3x256xbf16>, vector<3x256xbf16>, vector<2x256xbf16> -> vector<32x256xbf16>
      %get3A_613 = arith.constant 0 : index
      %get3A_614 = arith.constant 0 : index
      %get3A_615 = vector.load %arg2[%get3A_613, %get3A_614] : memref<32x256xbf16, #tpu.memory_space<vmem>>, vector<32x256xbf16>
      %dot_general3A_616 = arith.constant dense<0.000000e+00> : vector<256x256xf32>
      %dot_general3A_617 = tpu.matmul %concatenate3A_612, %get3A_615, %dot_general3A_616 {dimension_numbers = #tpu.dot_dimension_numbers<[0], [0], [1], [1], [0, 1, 1, 1], [], []>, transpose_lhs_hint = false} : vector<32x256xbf16>, vector<32x256xbf16>, vector<256x256xf32> -> vector<256x256xf32>
      %max3A_618 = arith.constant 0.000000e+00 : f32
      %max3A_619 = vector.broadcast %max3A_618 : f32 to vector<256x256xf32>
      %max3A_620 = arith.maximumf %dot_general3A_617, %max3A_619 : vector<256x256xf32>
      %reshape3A_621 = vector.shape_cast %max3A_620 : vector<256x256xf32> to vector<32x8x256xf32>
      %reduce_sum3A_622 = arith.constant dense<0.000000e+00> : vector<8x256xf32>
      %reduce_sum3A_623 = vector.multi_reduction <add>, %reshape3A_621, %reduce_sum3A_622 [0] : vector<32x8x256xf32> to vector<8x256xf32>
      %add3A_624 = arith.addf %add3A_601, %reduce_sum3A_623 : vector<8x256xf32>
      %slice3A_625 = vector.extract_strided_slice %get3A_24 {offsets = [24, 0], sizes = [3, 256], strides = [1, 1]} : vector<64x256xbf16> to vector<3x256xbf16>
      %slice3A_626 = vector.extract_strided_slice %get3A_30 {offsets = [24, 0], sizes = [3, 256], strides = [1, 1]} : vector<64x256xbf16> to vector<3x256xbf16>
      %slice3A_627 = vector.extract_strided_slice %get3A_36 {offsets = [24, 0], sizes = [3, 256], strides = [1, 1]} : vector<64x256xbf16> to vector<3x256xbf16>
      %slice3A_628 = vector.extract_strided_slice %get3A_42 {offsets = [24, 0], sizes = [3, 256], strides = [1, 1]} : vector<64x256xbf16> to vector<3x256xbf16>
      %slice3A_629 = vector.extract_strided_slice %get3A_48 {offsets = [24, 0], sizes = [3, 256], strides = [1, 1]} : vector<64x256xbf16> to vector<3x256xbf16>
      %slice3A_630 = vector.extract_strided_slice %get3A_54 {offsets = [24, 0], sizes = [3, 256], strides = [1, 1]} : vector<64x256xbf16> to vector<3x256xbf16>
      %slice3A_631 = vector.extract_strided_slice %get3A_60 {offsets = [24, 0], sizes = [3, 256], strides = [1, 1]} : vector<64x256xbf16> to vector<3x256xbf16>
      %slice3A_632 = vector.extract_strided_slice %get3A_66 {offsets = [24, 0], sizes = [3, 256], strides = [1, 1]} : vector<64x256xbf16> to vector<3x256xbf16>
      %slice3A_633 = vector.extract_strided_slice %get3A_72 {offsets = [24, 0], sizes = [3, 256], strides = [1, 1]} : vector<64x256xbf16> to vector<3x256xbf16>
      %slice3A_634 = vector.extract_strided_slice %get3A_78 {offsets = [24, 0], sizes = [3, 256], strides = [1, 1]} : vector<64x256xbf16> to vector<3x256xbf16>
      %concatenate3A_635 = tpu.concatenate %slice3A_625, %slice3A_626, %slice3A_627, %slice3A_628, %slice3A_629, %slice3A_630, %slice3A_631, %slice3A_632, %slice3A_633, %slice3A_634, %broadcast_in_dim3A_0 in 0 : vector<3x256xbf16>, vector<3x256xbf16>, vector<3x256xbf16>, vector<3x256xbf16>, vector<3x256xbf16>, vector<3x256xbf16>, vector<3x256xbf16>, vector<3x256xbf16>, vector<3x256xbf16>, vector<3x256xbf16>, vector<2x256xbf16> -> vector<32x256xbf16>
      %get3A_636 = arith.constant 0 : index
      %get3A_637 = arith.constant 0 : index
      %get3A_638 = vector.load %arg2[%get3A_636, %get3A_637] : memref<32x256xbf16, #tpu.memory_space<vmem>>, vector<32x256xbf16>
      %dot_general3A_639 = arith.constant dense<0.000000e+00> : vector<256x256xf32>
      %dot_general3A_640 = tpu.matmul %concatenate3A_635, %get3A_638, %dot_general3A_639 {dimension_numbers = #tpu.dot_dimension_numbers<[0], [0], [1], [1], [0, 1, 1, 1], [], []>, transpose_lhs_hint = false} : vector<32x256xbf16>, vector<32x256xbf16>, vector<256x256xf32> -> vector<256x256xf32>
      %max3A_641 = arith.constant 0.000000e+00 : f32
      %max3A_642 = vector.broadcast %max3A_641 : f32 to vector<256x256xf32>
      %max3A_643 = arith.maximumf %dot_general3A_640, %max3A_642 : vector<256x256xf32>
      %reshape3A_644 = vector.shape_cast %max3A_643 : vector<256x256xf32> to vector<32x8x256xf32>
      %reduce_sum3A_645 = arith.constant dense<0.000000e+00> : vector<8x256xf32>
      %reduce_sum3A_646 = vector.multi_reduction <add>, %reshape3A_644, %reduce_sum3A_645 [0] : vector<32x8x256xf32> to vector<8x256xf32>
      %add3A_647 = arith.addf %add3A_624, %reduce_sum3A_646 : vector<8x256xf32>
      %slice3A_648 = vector.extract_strided_slice %get3A_24 {offsets = [25, 0], sizes = [3, 256], strides = [1, 1]} : vector<64x256xbf16> to vector<3x256xbf16>
      %slice3A_649 = vector.extract_strided_slice %get3A_30 {offsets = [25, 0], sizes = [3, 256], strides = [1, 1]} : vector<64x256xbf16> to vector<3x256xbf16>
      %slice3A_650 = vector.extract_strided_slice %get3A_36 {offsets = [25, 0], sizes = [3, 256], strides = [1, 1]} : vector<64x256xbf16> to vector<3x256xbf16>
      %slice3A_651 = vector.extract_strided_slice %get3A_42 {offsets = [25, 0], sizes = [3, 256], strides = [1, 1]} : vector<64x256xbf16> to vector<3x256xbf16>
      %slice3A_652 = vector.extract_strided_slice %get3A_48 {offsets = [25, 0], sizes = [3, 256], strides = [1, 1]} : vector<64x256xbf16> to vector<3x256xbf16>
      %slice3A_653 = vector.extract_strided_slice %get3A_54 {offsets = [25, 0], sizes = [3, 256], strides = [1, 1]} : vector<64x256xbf16> to vector<3x256xbf16>
      %slice3A_654 = vector.extract_strided_slice %get3A_60 {offsets = [25, 0], sizes = [3, 256], strides = [1, 1]} : vector<64x256xbf16> to vector<3x256xbf16>
      %slice3A_655 = vector.extract_strided_slice %get3A_66 {offsets = [25, 0], sizes = [3, 256], strides = [1, 1]} : vector<64x256xbf16> to vector<3x256xbf16>
      %slice3A_656 = vector.extract_strided_slice %get3A_72 {offsets = [25, 0], sizes = [3, 256], strides = [1, 1]} : vector<64x256xbf16> to vector<3x256xbf16>
      %slice3A_657 = vector.extract_strided_slice %get3A_78 {offsets = [25, 0], sizes = [3, 256], strides = [1, 1]} : vector<64x256xbf16> to vector<3x256xbf16>
      %concatenate3A_658 = tpu.concatenate %slice3A_648, %slice3A_649, %slice3A_650, %slice3A_651, %slice3A_652, %slice3A_653, %slice3A_654, %slice3A_655, %slice3A_656, %slice3A_657, %broadcast_in_dim3A_0 in 0 : vector<3x256xbf16>, vector<3x256xbf16>, vector<3x256xbf16>, vector<3x256xbf16>, vector<3x256xbf16>, vector<3x256xbf16>, vector<3x256xbf16>, vector<3x256xbf16>, vector<3x256xbf16>, vector<3x256xbf16>, vector<2x256xbf16> -> vector<32x256xbf16>
      %get3A_659 = arith.constant 0 : index
      %get3A_660 = arith.constant 0 : index
      %get3A_661 = vector.load %arg2[%get3A_659, %get3A_660] : memref<32x256xbf16, #tpu.memory_space<vmem>>, vector<32x256xbf16>
      %dot_general3A_662 = arith.constant dense<0.000000e+00> : vector<256x256xf32>
      %dot_general3A_663 = tpu.matmul %concatenate3A_658, %get3A_661, %dot_general3A_662 {dimension_numbers = #tpu.dot_dimension_numbers<[0], [0], [1], [1], [0, 1, 1, 1], [], []>, transpose_lhs_hint = false} : vector<32x256xbf16>, vector<32x256xbf16>, vector<256x256xf32> -> vector<256x256xf32>
      %max3A_664 = arith.constant 0.000000e+00 : f32
      %max3A_665 = vector.broadcast %max3A_664 : f32 to vector<256x256xf32>
      %max3A_666 = arith.maximumf %dot_general3A_663, %max3A_665 : vector<256x256xf32>
      %reshape3A_667 = vector.shape_cast %max3A_666 : vector<256x256xf32> to vector<32x8x256xf32>
      %reduce_sum3A_668 = arith.constant dense<0.000000e+00> : vector<8x256xf32>
      %reduce_sum3A_669 = vector.multi_reduction <add>, %reshape3A_667, %reduce_sum3A_668 [0] : vector<32x8x256xf32> to vector<8x256xf32>
      %add3A_670 = arith.addf %add3A_647, %reduce_sum3A_669 : vector<8x256xf32>
      %slice3A_671 = vector.extract_strided_slice %get3A_24 {offsets = [26, 0], sizes = [3, 256], strides = [1, 1]} : vector<64x256xbf16> to vector<3x256xbf16>
      %slice3A_672 = vector.extract_strided_slice %get3A_30 {offsets = [26, 0], sizes = [3, 256], strides = [1, 1]} : vector<64x256xbf16> to vector<3x256xbf16>
      %slice3A_673 = vector.extract_strided_slice %get3A_36 {offsets = [26, 0], sizes = [3, 256], strides = [1, 1]} : vector<64x256xbf16> to vector<3x256xbf16>
      %slice3A_674 = vector.extract_strided_slice %get3A_42 {offsets = [26, 0], sizes = [3, 256], strides = [1, 1]} : vector<64x256xbf16> to vector<3x256xbf16>
      %slice3A_675 = vector.extract_strided_slice %get3A_48 {offsets = [26, 0], sizes = [3, 256], strides = [1, 1]} : vector<64x256xbf16> to vector<3x256xbf16>
      %slice3A_676 = vector.extract_strided_slice %get3A_54 {offsets = [26, 0], sizes = [3, 256], strides = [1, 1]} : vector<64x256xbf16> to vector<3x256xbf16>
      %slice3A_677 = vector.extract_strided_slice %get3A_60 {offsets = [26, 0], sizes = [3, 256], strides = [1, 1]} : vector<64x256xbf16> to vector<3x256xbf16>
      %slice3A_678 = vector.extract_strided_slice %get3A_66 {offsets = [26, 0], sizes = [3, 256], strides = [1, 1]} : vector<64x256xbf16> to vector<3x256xbf16>
      %slice3A_679 = vector.extract_strided_slice %get3A_72 {offsets = [26, 0], sizes = [3, 256], strides = [1, 1]} : vector<64x256xbf16> to vector<3x256xbf16>
      %slice3A_680 = vector.extract_strided_slice %get3A_78 {offsets = [26, 0], sizes = [3, 256], strides = [1, 1]} : vector<64x256xbf16> to vector<3x256xbf16>
      %concatenate3A_681 = tpu.concatenate %slice3A_671, %slice3A_672, %slice3A_673, %slice3A_674, %slice3A_675, %slice3A_676, %slice3A_677, %slice3A_678, %slice3A_679, %slice3A_680, %broadcast_in_dim3A_0 in 0 : vector<3x256xbf16>, vector<3x256xbf16>, vector<3x256xbf16>, vector<3x256xbf16>, vector<3x256xbf16>, vector<3x256xbf16>, vector<3x256xbf16>, vector<3x256xbf16>, vector<3x256xbf16>, vector<3x256xbf16>, vector<2x256xbf16> -> vector<32x256xbf16>
      %get3A_682 = arith.constant 0 : index
      %get3A_683 = arith.constant 0 : index
      %get3A_684 = vector.load %arg2[%get3A_682, %get3A_683] : memref<32x256xbf16, #tpu.memory_space<vmem>>, vector<32x256xbf16>
      %dot_general3A_685 = arith.constant dense<0.000000e+00> : vector<256x256xf32>
      %dot_general3A_686 = tpu.matmul %concatenate3A_681, %get3A_684, %dot_general3A_685 {dimension_numbers = #tpu.dot_dimension_numbers<[0], [0], [1], [1], [0, 1, 1, 1], [], []>, transpose_lhs_hint = false} : vector<32x256xbf16>, vector<32x256xbf16>, vector<256x256xf32> -> vector<256x256xf32>
      %max3A_687 = arith.constant 0.000000e+00 : f32
      %max3A_688 = vector.broadcast %max3A_687 : f32 to vector<256x256xf32>
      %max3A_689 = arith.maximumf %dot_general3A_686, %max3A_688 : vector<256x256xf32>
      %reshape3A_690 = vector.shape_cast %max3A_689 : vector<256x256xf32> to vector<32x8x256xf32>
      %reduce_sum3A_691 = arith.constant dense<0.000000e+00> : vector<8x256xf32>
      %reduce_sum3A_692 = vector.multi_reduction <add>, %reshape3A_690, %reduce_sum3A_691 [0] : vector<32x8x256xf32> to vector<8x256xf32>
      %add3A_693 = arith.addf %add3A_670, %reduce_sum3A_692 : vector<8x256xf32>
      %slice3A_694 = vector.extract_strided_slice %get3A_24 {offsets = [27, 0], sizes = [3, 256], strides = [1, 1]} : vector<64x256xbf16> to vector<3x256xbf16>
      %slice3A_695 = vector.extract_strided_slice %get3A_30 {offsets = [27, 0], sizes = [3, 256], strides = [1, 1]} : vector<64x256xbf16> to vector<3x256xbf16>
      %slice3A_696 = vector.extract_strided_slice %get3A_36 {offsets = [27, 0], sizes = [3, 256], strides = [1, 1]} : vector<64x256xbf16> to vector<3x256xbf16>
      %slice3A_697 = vector.extract_strided_slice %get3A_42 {offsets = [27, 0], sizes = [3, 256], strides = [1, 1]} : vector<64x256xbf16> to vector<3x256xbf16>
      %slice3A_698 = vector.extract_strided_slice %get3A_48 {offsets = [27, 0], sizes = [3, 256], strides = [1, 1]} : vector<64x256xbf16> to vector<3x256xbf16>
      %slice3A_699 = vector.extract_strided_slice %get3A_54 {offsets = [27, 0], sizes = [3, 256], strides = [1, 1]} : vector<64x256xbf16> to vector<3x256xbf16>
      %slice3A_700 = vector.extract_strided_slice %get3A_60 {offsets = [27, 0], sizes = [3, 256], strides = [1, 1]} : vector<64x256xbf16> to vector<3x256xbf16>
      %slice3A_701 = vector.extract_strided_slice %get3A_66 {offsets = [27, 0], sizes = [3, 256], strides = [1, 1]} : vector<64x256xbf16> to vector<3x256xbf16>
      %slice3A_702 = vector.extract_strided_slice %get3A_72 {offsets = [27, 0], sizes = [3, 256], strides = [1, 1]} : vector<64x256xbf16> to vector<3x256xbf16>
      %slice3A_703 = vector.extract_strided_slice %get3A_78 {offsets = [27, 0], sizes = [3, 256], strides = [1, 1]} : vector<64x256xbf16> to vector<3x256xbf16>
      %concatenate3A_704 = tpu.concatenate %slice3A_694, %slice3A_695, %slice3A_696, %slice3A_697, %slice3A_698, %slice3A_699, %slice3A_700, %slice3A_701, %slice3A_702, %slice3A_703, %broadcast_in_dim3A_0 in 0 : vector<3x256xbf16>, vector<3x256xbf16>, vector<3x256xbf16>, vector<3x256xbf16>, vector<3x256xbf16>, vector<3x256xbf16>, vector<3x256xbf16>, vector<3x256xbf16>, vector<3x256xbf16>, vector<3x256xbf16>, vector<2x256xbf16> -> vector<32x256xbf16>
      %get3A_705 = arith.constant 0 : index
      %get3A_706 = arith.constant 0 : index
      %get3A_707 = vector.load %arg2[%get3A_705, %get3A_706] : memref<32x256xbf16, #tpu.memory_space<vmem>>, vector<32x256xbf16>
      %dot_general3A_708 = arith.constant dense<0.000000e+00> : vector<256x256xf32>
      %dot_general3A_709 = tpu.matmul %concatenate3A_704, %get3A_707, %dot_general3A_708 {dimension_numbers = #tpu.dot_dimension_numbers<[0], [0], [1], [1], [0, 1, 1, 1], [], []>, transpose_lhs_hint = false} : vector<32x256xbf16>, vector<32x256xbf16>, vector<256x256xf32> -> vector<256x256xf32>
      %max3A_710 = arith.constant 0.000000e+00 : f32
      %max3A_711 = vector.broadcast %max3A_710 : f32 to vector<256x256xf32>
      %max3A_712 = arith.maximumf %dot_general3A_709, %max3A_711 : vector<256x256xf32>
      %reshape3A_713 = vector.shape_cast %max3A_712 : vector<256x256xf32> to vector<32x8x256xf32>
      %reduce_sum3A_714 = arith.constant dense<0.000000e+00> : vector<8x256xf32>
      %reduce_sum3A_715 = vector.multi_reduction <add>, %reshape3A_713, %reduce_sum3A_714 [0] : vector<32x8x256xf32> to vector<8x256xf32>
      %add3A_716 = arith.addf %add3A_693, %reduce_sum3A_715 : vector<8x256xf32>
      %slice3A_717 = vector.extract_strided_slice %get3A_24 {offsets = [28, 0], sizes = [3, 256], strides = [1, 1]} : vector<64x256xbf16> to vector<3x256xbf16>
      %slice3A_718 = vector.extract_strided_slice %get3A_30 {offsets = [28, 0], sizes = [3, 256], strides = [1, 1]} : vector<64x256xbf16> to vector<3x256xbf16>
      %slice3A_719 = vector.extract_strided_slice %get3A_36 {offsets = [28, 0], sizes = [3, 256], strides = [1, 1]} : vector<64x256xbf16> to vector<3x256xbf16>
      %slice3A_720 = vector.extract_strided_slice %get3A_42 {offsets = [28, 0], sizes = [3, 256], strides = [1, 1]} : vector<64x256xbf16> to vector<3x256xbf16>
      %slice3A_721 = vector.extract_strided_slice %get3A_48 {offsets = [28, 0], sizes = [3, 256], strides = [1, 1]} : vector<64x256xbf16> to vector<3x256xbf16>
      %slice3A_722 = vector.extract_strided_slice %get3A_54 {offsets = [28, 0], sizes = [3, 256], strides = [1, 1]} : vector<64x256xbf16> to vector<3x256xbf16>
      %slice3A_723 = vector.extract_strided_slice %get3A_60 {offsets = [28, 0], sizes = [3, 256], strides = [1, 1]} : vector<64x256xbf16> to vector<3x256xbf16>
      %slice3A_724 = vector.extract_strided_slice %get3A_66 {offsets = [28, 0], sizes = [3, 256], strides = [1, 1]} : vector<64x256xbf16> to vector<3x256xbf16>
      %slice3A_725 = vector.extract_strided_slice %get3A_72 {offsets = [28, 0], sizes = [3, 256], strides = [1, 1]} : vector<64x256xbf16> to vector<3x256xbf16>
      %slice3A_726 = vector.extract_strided_slice %get3A_78 {offsets = [28, 0], sizes = [3, 256], strides = [1, 1]} : vector<64x256xbf16> to vector<3x256xbf16>
      %concatenate3A_727 = tpu.concatenate %slice3A_717, %slice3A_718, %slice3A_719, %slice3A_720, %slice3A_721, %slice3A_722, %slice3A_723, %slice3A_724, %slice3A_725, %slice3A_726, %broadcast_in_dim3A_0 in 0 : vector<3x256xbf16>, vector<3x256xbf16>, vector<3x256xbf16>, vector<3x256xbf16>, vector<3x256xbf16>, vector<3x256xbf16>, vector<3x256xbf16>, vector<3x256xbf16>, vector<3x256xbf16>, vector<3x256xbf16>, vector<2x256xbf16> -> vector<32x256xbf16>
      %get3A_728 = arith.constant 0 : index
      %get3A_729 = arith.constant 0 : index
      %get3A_730 = vector.load %arg2[%get3A_728, %get3A_729] : memref<32x256xbf16, #tpu.memory_space<vmem>>, vector<32x256xbf16>
      %dot_general3A_731 = arith.constant dense<0.000000e+00> : vector<256x256xf32>
      %dot_general3A_732 = tpu.matmul %concatenate3A_727, %get3A_730, %dot_general3A_731 {dimension_numbers = #tpu.dot_dimension_numbers<[0], [0], [1], [1], [0, 1, 1, 1], [], []>, transpose_lhs_hint = false} : vector<32x256xbf16>, vector<32x256xbf16>, vector<256x256xf32> -> vector<256x256xf32>
      %max3A_733 = arith.constant 0.000000e+00 : f32
      %max3A_734 = vector.broadcast %max3A_733 : f32 to vector<256x256xf32>
      %max3A_735 = arith.maximumf %dot_general3A_732, %max3A_734 : vector<256x256xf32>
      %reshape3A_736 = vector.shape_cast %max3A_735 : vector<256x256xf32> to vector<32x8x256xf32>
      %reduce_sum3A_737 = arith.constant dense<0.000000e+00> : vector<8x256xf32>
      %reduce_sum3A_738 = vector.multi_reduction <add>, %reshape3A_736, %reduce_sum3A_737 [0] : vector<32x8x256xf32> to vector<8x256xf32>
      %add3A_739 = arith.addf %add3A_716, %reduce_sum3A_738 : vector<8x256xf32>
      %slice3A_740 = vector.extract_strided_slice %get3A_24 {offsets = [29, 0], sizes = [3, 256], strides = [1, 1]} : vector<64x256xbf16> to vector<3x256xbf16>
      %slice3A_741 = vector.extract_strided_slice %get3A_30 {offsets = [29, 0], sizes = [3, 256], strides = [1, 1]} : vector<64x256xbf16> to vector<3x256xbf16>
      %slice3A_742 = vector.extract_strided_slice %get3A_36 {offsets = [29, 0], sizes = [3, 256], strides = [1, 1]} : vector<64x256xbf16> to vector<3x256xbf16>
      %slice3A_743 = vector.extract_strided_slice %get3A_42 {offsets = [29, 0], sizes = [3, 256], strides = [1, 1]} : vector<64x256xbf16> to vector<3x256xbf16>
      %slice3A_744 = vector.extract_strided_slice %get3A_48 {offsets = [29, 0], sizes = [3, 256], strides = [1, 1]} : vector<64x256xbf16> to vector<3x256xbf16>
      %slice3A_745 = vector.extract_strided_slice %get3A_54 {offsets = [29, 0], sizes = [3, 256], strides = [1, 1]} : vector<64x256xbf16> to vector<3x256xbf16>
      %slice3A_746 = vector.extract_strided_slice %get3A_60 {offsets = [29, 0], sizes = [3, 256], strides = [1, 1]} : vector<64x256xbf16> to vector<3x256xbf16>
      %slice3A_747 = vector.extract_strided_slice %get3A_66 {offsets = [29, 0], sizes = [3, 256], strides = [1, 1]} : vector<64x256xbf16> to vector<3x256xbf16>
      %slice3A_748 = vector.extract_strided_slice %get3A_72 {offsets = [29, 0], sizes = [3, 256], strides = [1, 1]} : vector<64x256xbf16> to vector<3x256xbf16>
      %slice3A_749 = vector.extract_strided_slice %get3A_78 {offsets = [29, 0], sizes = [3, 256], strides = [1, 1]} : vector<64x256xbf16> to vector<3x256xbf16>
      %concatenate3A_750 = tpu.concatenate %slice3A_740, %slice3A_741, %slice3A_742, %slice3A_743, %slice3A_744, %slice3A_745, %slice3A_746, %slice3A_747, %slice3A_748, %slice3A_749, %broadcast_in_dim3A_0 in 0 : vector<3x256xbf16>, vector<3x256xbf16>, vector<3x256xbf16>, vector<3x256xbf16>, vector<3x256xbf16>, vector<3x256xbf16>, vector<3x256xbf16>, vector<3x256xbf16>, vector<3x256xbf16>, vector<3x256xbf16>, vector<2x256xbf16> -> vector<32x256xbf16>
      %get3A_751 = arith.constant 0 : index
      %get3A_752 = arith.constant 0 : index
      %get3A_753 = vector.load %arg2[%get3A_751, %get3A_752] : memref<32x256xbf16, #tpu.memory_space<vmem>>, vector<32x256xbf16>
      %dot_general3A_754 = arith.constant dense<0.000000e+00> : vector<256x256xf32>
      %dot_general3A_755 = tpu.matmul %concatenate3A_750, %get3A_753, %dot_general3A_754 {dimension_numbers = #tpu.dot_dimension_numbers<[0], [0], [1], [1], [0, 1, 1, 1], [], []>, transpose_lhs_hint = false} : vector<32x256xbf16>, vector<32x256xbf16>, vector<256x256xf32> -> vector<256x256xf32>
      %max3A_756 = arith.constant 0.000000e+00 : f32
      %max3A_757 = vector.broadcast %max3A_756 : f32 to vector<256x256xf32>
      %max3A_758 = arith.maximumf %dot_general3A_755, %max3A_757 : vector<256x256xf32>
      %reshape3A_759 = vector.shape_cast %max3A_758 : vector<256x256xf32> to vector<32x8x256xf32>
      %reduce_sum3A_760 = arith.constant dense<0.000000e+00> : vector<8x256xf32>
      %reduce_sum3A_761 = vector.multi_reduction <add>, %reshape3A_759, %reduce_sum3A_760 [0] : vector<32x8x256xf32> to vector<8x256xf32>
      %add3A_762 = arith.addf %add3A_739, %reduce_sum3A_761 : vector<8x256xf32>
      %slice3A_763 = vector.extract_strided_slice %get3A_24 {offsets = [30, 0], sizes = [3, 256], strides = [1, 1]} : vector<64x256xbf16> to vector<3x256xbf16>
      %slice3A_764 = vector.extract_strided_slice %get3A_30 {offsets = [30, 0], sizes = [3, 256], strides = [1, 1]} : vector<64x256xbf16> to vector<3x256xbf16>
      %slice3A_765 = vector.extract_strided_slice %get3A_36 {offsets = [30, 0], sizes = [3, 256], strides = [1, 1]} : vector<64x256xbf16> to vector<3x256xbf16>
      %slice3A_766 = vector.extract_strided_slice %get3A_42 {offsets = [30, 0], sizes = [3, 256], strides = [1, 1]} : vector<64x256xbf16> to vector<3x256xbf16>
      %slice3A_767 = vector.extract_strided_slice %get3A_48 {offsets = [30, 0], sizes = [3, 256], strides = [1, 1]} : vector<64x256xbf16> to vector<3x256xbf16>
      %slice3A_768 = vector.extract_strided_slice %get3A_54 {offsets = [30, 0], sizes = [3, 256], strides = [1, 1]} : vector<64x256xbf16> to vector<3x256xbf16>
      %slice3A_769 = vector.extract_strided_slice %get3A_60 {offsets = [30, 0], sizes = [3, 256], strides = [1, 1]} : vector<64x256xbf16> to vector<3x256xbf16>
      %slice3A_770 = vector.extract_strided_slice %get3A_66 {offsets = [30, 0], sizes = [3, 256], strides = [1, 1]} : vector<64x256xbf16> to vector<3x256xbf16>
      %slice3A_771 = vector.extract_strided_slice %get3A_72 {offsets = [30, 0], sizes = [3, 256], strides = [1, 1]} : vector<64x256xbf16> to vector<3x256xbf16>
      %slice3A_772 = vector.extract_strided_slice %get3A_78 {offsets = [30, 0], sizes = [3, 256], strides = [1, 1]} : vector<64x256xbf16> to vector<3x256xbf16>
      %concatenate3A_773 = tpu.concatenate %slice3A_763, %slice3A_764, %slice3A_765, %slice3A_766, %slice3A_767, %slice3A_768, %slice3A_769, %slice3A_770, %slice3A_771, %slice3A_772, %broadcast_in_dim3A_0 in 0 : vector<3x256xbf16>, vector<3x256xbf16>, vector<3x256xbf16>, vector<3x256xbf16>, vector<3x256xbf16>, vector<3x256xbf16>, vector<3x256xbf16>, vector<3x256xbf16>, vector<3x256xbf16>, vector<3x256xbf16>, vector<2x256xbf16> -> vector<32x256xbf16>
      %get3A_774 = arith.constant 0 : index
      %get3A_775 = arith.constant 0 : index
      %get3A_776 = vector.load %arg2[%get3A_774, %get3A_775] : memref<32x256xbf16, #tpu.memory_space<vmem>>, vector<32x256xbf16>
      %dot_general3A_777 = arith.constant dense<0.000000e+00> : vector<256x256xf32>
      %dot_general3A_778 = tpu.matmul %concatenate3A_773, %get3A_776, %dot_general3A_777 {dimension_numbers = #tpu.dot_dimension_numbers<[0], [0], [1], [1], [0, 1, 1, 1], [], []>, transpose_lhs_hint = false} : vector<32x256xbf16>, vector<32x256xbf16>, vector<256x256xf32> -> vector<256x256xf32>
      %max3A_779 = arith.constant 0.000000e+00 : f32
      %max3A_780 = vector.broadcast %max3A_779 : f32 to vector<256x256xf32>
      %max3A_781 = arith.maximumf %dot_general3A_778, %max3A_780 : vector<256x256xf32>
      %reshape3A_782 = vector.shape_cast %max3A_781 : vector<256x256xf32> to vector<32x8x256xf32>
      %reduce_sum3A_783 = arith.constant dense<0.000000e+00> : vector<8x256xf32>
      %reduce_sum3A_784 = vector.multi_reduction <add>, %reshape3A_782, %reduce_sum3A_783 [0] : vector<32x8x256xf32> to vector<8x256xf32>
      %add3A_785 = arith.addf %add3A_762, %reduce_sum3A_784 : vector<8x256xf32>
      %slice3A_786 = vector.extract_strided_slice %get3A_24 {offsets = [31, 0], sizes = [3, 256], strides = [1, 1]} : vector<64x256xbf16> to vector<3x256xbf16>
      %slice3A_787 = vector.extract_strided_slice %get3A_30 {offsets = [31, 0], sizes = [3, 256], strides = [1, 1]} : vector<64x256xbf16> to vector<3x256xbf16>
      %slice3A_788 = vector.extract_strided_slice %get3A_36 {offsets = [31, 0], sizes = [3, 256], strides = [1, 1]} : vector<64x256xbf16> to vector<3x256xbf16>
      %slice3A_789 = vector.extract_strided_slice %get3A_42 {offsets = [31, 0], sizes = [3, 256], strides = [1, 1]} : vector<64x256xbf16> to vector<3x256xbf16>
      %slice3A_790 = vector.extract_strided_slice %get3A_48 {offsets = [31, 0], sizes = [3, 256], strides = [1, 1]} : vector<64x256xbf16> to vector<3x256xbf16>
      %slice3A_791 = vector.extract_strided_slice %get3A_54 {offsets = [31, 0], sizes = [3, 256], strides = [1, 1]} : vector<64x256xbf16> to vector<3x256xbf16>
      %slice3A_792 = vector.extract_strided_slice %get3A_60 {offsets = [31, 0], sizes = [3, 256], strides = [1, 1]} : vector<64x256xbf16> to vector<3x256xbf16>
      %slice3A_793 = vector.extract_strided_slice %get3A_66 {offsets = [31, 0], sizes = [3, 256], strides = [1, 1]} : vector<64x256xbf16> to vector<3x256xbf16>
      %slice3A_794 = vector.extract_strided_slice %get3A_72 {offsets = [31, 0], sizes = [3, 256], strides = [1, 1]} : vector<64x256xbf16> to vector<3x256xbf16>
      %slice3A_795 = vector.extract_strided_slice %get3A_78 {offsets = [31, 0], sizes = [3, 256], strides = [1, 1]} : vector<64x256xbf16> to vector<3x256xbf16>
      %concatenate3A_796 = tpu.concatenate %slice3A_786, %slice3A_787, %slice3A_788, %slice3A_789, %slice3A_790, %slice3A_791, %slice3A_792, %slice3A_793, %slice3A_794, %slice3A_795, %broadcast_in_dim3A_0 in 0 : vector<3x256xbf16>, vector<3x256xbf16>, vector<3x256xbf16>, vector<3x256xbf16>, vector<3x256xbf16>, vector<3x256xbf16>, vector<3x256xbf16>, vector<3x256xbf16>, vector<3x256xbf16>, vector<3x256xbf16>, vector<2x256xbf16> -> vector<32x256xbf16>
      %get3A_797 = arith.constant 0 : index
      %get3A_798 = arith.constant 0 : index
      %get3A_799 = vector.load %arg2[%get3A_797, %get3A_798] : memref<32x256xbf16, #tpu.memory_space<vmem>>, vector<32x256xbf16>
      %dot_general3A_800 = arith.constant dense<0.000000e+00> : vector<256x256xf32>
      %dot_general3A_801 = tpu.matmul %concatenate3A_796, %get3A_799, %dot_general3A_800 {dimension_numbers = #tpu.dot_dimension_numbers<[0], [0], [1], [1], [0, 1, 1, 1], [], []>, transpose_lhs_hint = false} : vector<32x256xbf16>, vector<32x256xbf16>, vector<256x256xf32> -> vector<256x256xf32>
      %max3A_802 = arith.constant 0.000000e+00 : f32
      %max3A_803 = vector.broadcast %max3A_802 : f32 to vector<256x256xf32>
      %max3A_804 = arith.maximumf %dot_general3A_801, %max3A_803 : vector<256x256xf32>
      %reshape3A_805 = vector.shape_cast %max3A_804 : vector<256x256xf32> to vector<32x8x256xf32>
      %reduce_sum3A_806 = arith.constant dense<0.000000e+00> : vector<8x256xf32>
      %reduce_sum3A_807 = vector.multi_reduction <add>, %reshape3A_805, %reduce_sum3A_806 [0] : vector<32x8x256xf32> to vector<8x256xf32>
      %add3A_808 = arith.addf %add3A_785, %reduce_sum3A_807 : vector<8x256xf32>
      %slice3A_809 = vector.extract_strided_slice %get3A_24 {offsets = [32, 0], sizes = [3, 256], strides = [1, 1]} : vector<64x256xbf16> to vector<3x256xbf16>
      %slice3A_810 = vector.extract_strided_slice %get3A_30 {offsets = [32, 0], sizes = [3, 256], strides = [1, 1]} : vector<64x256xbf16> to vector<3x256xbf16>
      %slice3A_811 = vector.extract_strided_slice %get3A_36 {offsets = [32, 0], sizes = [3, 256], strides = [1, 1]} : vector<64x256xbf16> to vector<3x256xbf16>
      %slice3A_812 = vector.extract_strided_slice %get3A_42 {offsets = [32, 0], sizes = [3, 256], strides = [1, 1]} : vector<64x256xbf16> to vector<3x256xbf16>
      %slice3A_813 = vector.extract_strided_slice %get3A_48 {offsets = [32, 0], sizes = [3, 256], strides = [1, 1]} : vector<64x256xbf16> to vector<3x256xbf16>
      %slice3A_814 = vector.extract_strided_slice %get3A_54 {offsets = [32, 0], sizes = [3, 256], strides = [1, 1]} : vector<64x256xbf16> to vector<3x256xbf16>
      %slice3A_815 = vector.extract_strided_slice %get3A_60 {offsets = [32, 0], sizes = [3, 256], strides = [1, 1]} : vector<64x256xbf16> to vector<3x256xbf16>
      %slice3A_816 = vector.extract_strided_slice %get3A_66 {offsets = [32, 0], sizes = [3, 256], strides = [1, 1]} : vector<64x256xbf16> to vector<3x256xbf16>
      %slice3A_817 = vector.extract_strided_slice %get3A_72 {offsets = [32, 0], sizes = [3, 256], strides = [1, 1]} : vector<64x256xbf16> to vector<3x256xbf16>
      %slice3A_818 = vector.extract_strided_slice %get3A_78 {offsets = [32, 0], sizes = [3, 256], strides = [1, 1]} : vector<64x256xbf16> to vector<3x256xbf16>
      %concatenate3A_819 = tpu.concatenate %slice3A_809, %slice3A_810, %slice3A_811, %slice3A_812, %slice3A_813, %slice3A_814, %slice3A_815, %slice3A_816, %slice3A_817, %slice3A_818, %broadcast_in_dim3A_0 in 0 : vector<3x256xbf16>, vector<3x256xbf16>, vector<3x256xbf16>, vector<3x256xbf16>, vector<3x256xbf16>, vector<3x256xbf16>, vector<3x256xbf16>, vector<3x256xbf16>, vector<3x256xbf16>, vector<3x256xbf16>, vector<2x256xbf16> -> vector<32x256xbf16>
      %get3A_820 = arith.constant 0 : index
      %get3A_821 = arith.constant 0 : index
      %get3A_822 = vector.load %arg2[%get3A_820, %get3A_821] : memref<32x256xbf16, #tpu.memory_space<vmem>>, vector<32x256xbf16>
      %dot_general3A_823 = arith.constant dense<0.000000e+00> : vector<256x256xf32>
      %dot_general3A_824 = tpu.matmul %concatenate3A_819, %get3A_822, %dot_general3A_823 {dimension_numbers = #tpu.dot_dimension_numbers<[0], [0], [1], [1], [0, 1, 1, 1], [], []>, transpose_lhs_hint = false} : vector<32x256xbf16>, vector<32x256xbf16>, vector<256x256xf32> -> vector<256x256xf32>
      %max3A_825 = arith.constant 0.000000e+00 : f32
      %max3A_826 = vector.broadcast %max3A_825 : f32 to vector<256x256xf32>
      %max3A_827 = arith.maximumf %dot_general3A_824, %max3A_826 : vector<256x256xf32>
      %reshape3A_828 = vector.shape_cast %max3A_827 : vector<256x256xf32> to vector<32x8x256xf32>
      %reduce_sum3A_829 = arith.constant dense<0.000000e+00> : vector<8x256xf32>
      %reduce_sum3A_830 = vector.multi_reduction <add>, %reshape3A_828, %reduce_sum3A_829 [0] : vector<32x8x256xf32> to vector<8x256xf32>
      %add3A_831 = arith.addf %add3A_808, %reduce_sum3A_830 : vector<8x256xf32>
      %slice3A_832 = vector.extract_strided_slice %get3A_24 {offsets = [33, 0], sizes = [3, 256], strides = [1, 1]} : vector<64x256xbf16> to vector<3x256xbf16>
      %slice3A_833 = vector.extract_strided_slice %get3A_30 {offsets = [33, 0], sizes = [3, 256], strides = [1, 1]} : vector<64x256xbf16> to vector<3x256xbf16>
      %slice3A_834 = vector.extract_strided_slice %get3A_36 {offsets = [33, 0], sizes = [3, 256], strides = [1, 1]} : vector<64x256xbf16> to vector<3x256xbf16>
      %slice3A_835 = vector.extract_strided_slice %get3A_42 {offsets = [33, 0], sizes = [3, 256], strides = [1, 1]} : vector<64x256xbf16> to vector<3x256xbf16>
      %slice3A_836 = vector.extract_strided_slice %get3A_48 {offsets = [33, 0], sizes = [3, 256], strides = [1, 1]} : vector<64x256xbf16> to vector<3x256xbf16>
      %slice3A_837 = vector.extract_strided_slice %get3A_54 {offsets = [33, 0], sizes = [3, 256], strides = [1, 1]} : vector<64x256xbf16> to vector<3x256xbf16>
      %slice3A_838 = vector.extract_strided_slice %get3A_60 {offsets = [33, 0], sizes = [3, 256], strides = [1, 1]} : vector<64x256xbf16> to vector<3x256xbf16>
      %slice3A_839 = vector.extract_strided_slice %get3A_66 {offsets = [33, 0], sizes = [3, 256], strides = [1, 1]} : vector<64x256xbf16> to vector<3x256xbf16>
      %slice3A_840 = vector.extract_strided_slice %get3A_72 {offsets = [33, 0], sizes = [3, 256], strides = [1, 1]} : vector<64x256xbf16> to vector<3x256xbf16>
      %slice3A_841 = vector.extract_strided_slice %get3A_78 {offsets = [33, 0], sizes = [3, 256], strides = [1, 1]} : vector<64x256xbf16> to vector<3x256xbf16>
      %concatenate3A_842 = tpu.concatenate %slice3A_832, %slice3A_833, %slice3A_834, %slice3A_835, %slice3A_836, %slice3A_837, %slice3A_838, %slice3A_839, %slice3A_840, %slice3A_841, %broadcast_in_dim3A_0 in 0 : vector<3x256xbf16>, vector<3x256xbf16>, vector<3x256xbf16>, vector<3x256xbf16>, vector<3x256xbf16>, vector<3x256xbf16>, vector<3x256xbf16>, vector<3x256xbf16>, vector<3x256xbf16>, vector<3x256xbf16>, vector<2x256xbf16> -> vector<32x256xbf16>
      %get3A_843 = arith.constant 0 : index
      %get3A_844 = arith.constant 0 : index
      %get3A_845 = vector.load %arg2[%get3A_843, %get3A_844] : memref<32x256xbf16, #tpu.memory_space<vmem>>, vector<32x256xbf16>
      %dot_general3A_846 = arith.constant dense<0.000000e+00> : vector<256x256xf32>
      %dot_general3A_847 = tpu.matmul %concatenate3A_842, %get3A_845, %dot_general3A_846 {dimension_numbers = #tpu.dot_dimension_numbers<[0], [0], [1], [1], [0, 1, 1, 1], [], []>, transpose_lhs_hint = false} : vector<32x256xbf16>, vector<32x256xbf16>, vector<256x256xf32> -> vector<256x256xf32>
      %max3A_848 = arith.constant 0.000000e+00 : f32
      %max3A_849 = vector.broadcast %max3A_848 : f32 to vector<256x256xf32>
      %max3A_850 = arith.maximumf %dot_general3A_847, %max3A_849 : vector<256x256xf32>
      %reshape3A_851 = vector.shape_cast %max3A_850 : vector<256x256xf32> to vector<32x8x256xf32>
      %reduce_sum3A_852 = arith.constant dense<0.000000e+00> : vector<8x256xf32>
      %reduce_sum3A_853 = vector.multi_reduction <add>, %reshape3A_851, %reduce_sum3A_852 [0] : vector<32x8x256xf32> to vector<8x256xf32>
      %add3A_854 = arith.addf %add3A_831, %reduce_sum3A_853 : vector<8x256xf32>
      %slice3A_855 = vector.extract_strided_slice %get3A_24 {offsets = [34, 0], sizes = [3, 256], strides = [1, 1]} : vector<64x256xbf16> to vector<3x256xbf16>
      %slice3A_856 = vector.extract_strided_slice %get3A_30 {offsets = [34, 0], sizes = [3, 256], strides = [1, 1]} : vector<64x256xbf16> to vector<3x256xbf16>
      %slice3A_857 = vector.extract_strided_slice %get3A_36 {offsets = [34, 0], sizes = [3, 256], strides = [1, 1]} : vector<64x256xbf16> to vector<3x256xbf16>
      %slice3A_858 = vector.extract_strided_slice %get3A_42 {offsets = [34, 0], sizes = [3, 256], strides = [1, 1]} : vector<64x256xbf16> to vector<3x256xbf16>
      %slice3A_859 = vector.extract_strided_slice %get3A_48 {offsets = [34, 0], sizes = [3, 256], strides = [1, 1]} : vector<64x256xbf16> to vector<3x256xbf16>
      %slice3A_860 = vector.extract_strided_slice %get3A_54 {offsets = [34, 0], sizes = [3, 256], strides = [1, 1]} : vector<64x256xbf16> to vector<3x256xbf16>
      %slice3A_861 = vector.extract_strided_slice %get3A_60 {offsets = [34, 0], sizes = [3, 256], strides = [1, 1]} : vector<64x256xbf16> to vector<3x256xbf16>
      %slice3A_862 = vector.extract_strided_slice %get3A_66 {offsets = [34, 0], sizes = [3, 256], strides = [1, 1]} : vector<64x256xbf16> to vector<3x256xbf16>
      %slice3A_863 = vector.extract_strided_slice %get3A_72 {offsets = [34, 0], sizes = [3, 256], strides = [1, 1]} : vector<64x256xbf16> to vector<3x256xbf16>
      %slice3A_864 = vector.extract_strided_slice %get3A_78 {offsets = [34, 0], sizes = [3, 256], strides = [1, 1]} : vector<64x256xbf16> to vector<3x256xbf16>
      %concatenate3A_865 = tpu.concatenate %slice3A_855, %slice3A_856, %slice3A_857, %slice3A_858, %slice3A_859, %slice3A_860, %slice3A_861, %slice3A_862, %slice3A_863, %slice3A_864, %broadcast_in_dim3A_0 in 0 : vector<3x256xbf16>, vector<3x256xbf16>, vector<3x256xbf16>, vector<3x256xbf16>, vector<3x256xbf16>, vector<3x256xbf16>, vector<3x256xbf16>, vector<3x256xbf16>, vector<3x256xbf16>, vector<3x256xbf16>, vector<2x256xbf16> -> vector<32x256xbf16>
      %get3A_866 = arith.constant 0 : index
      %get3A_867 = arith.constant 0 : index
      %get3A_868 = vector.load %arg2[%get3A_866, %get3A_867] : memref<32x256xbf16, #tpu.memory_space<vmem>>, vector<32x256xbf16>
      %dot_general3A_869 = arith.constant dense<0.000000e+00> : vector<256x256xf32>
      %dot_general3A_870 = tpu.matmul %concatenate3A_865, %get3A_868, %dot_general3A_869 {dimension_numbers = #tpu.dot_dimension_numbers<[0], [0], [1], [1], [0, 1, 1, 1], [], []>, transpose_lhs_hint = false} : vector<32x256xbf16>, vector<32x256xbf16>, vector<256x256xf32> -> vector<256x256xf32>
      %max3A_871 = arith.constant 0.000000e+00 : f32
      %max3A_872 = vector.broadcast %max3A_871 : f32 to vector<256x256xf32>
      %max3A_873 = arith.maximumf %dot_general3A_870, %max3A_872 : vector<256x256xf32>
      %reshape3A_874 = vector.shape_cast %max3A_873 : vector<256x256xf32> to vector<32x8x256xf32>
      %reduce_sum3A_875 = arith.constant dense<0.000000e+00> : vector<8x256xf32>
      %reduce_sum3A_876 = vector.multi_reduction <add>, %reshape3A_874, %reduce_sum3A_875 [0] : vector<32x8x256xf32> to vector<8x256xf32>
      %add3A_877 = arith.addf %add3A_854, %reduce_sum3A_876 : vector<8x256xf32>
      %slice3A_878 = vector.extract_strided_slice %get3A_24 {offsets = [35, 0], sizes = [3, 256], strides = [1, 1]} : vector<64x256xbf16> to vector<3x256xbf16>
      %slice3A_879 = vector.extract_strided_slice %get3A_30 {offsets = [35, 0], sizes = [3, 256], strides = [1, 1]} : vector<64x256xbf16> to vector<3x256xbf16>
      %slice3A_880 = vector.extract_strided_slice %get3A_36 {offsets = [35, 0], sizes = [3, 256], strides = [1, 1]} : vector<64x256xbf16> to vector<3x256xbf16>
      %slice3A_881 = vector.extract_strided_slice %get3A_42 {offsets = [35, 0], sizes = [3, 256], strides = [1, 1]} : vector<64x256xbf16> to vector<3x256xbf16>
      %slice3A_882 = vector.extract_strided_slice %get3A_48 {offsets = [35, 0], sizes = [3, 256], strides = [1, 1]} : vector<64x256xbf16> to vector<3x256xbf16>
      %slice3A_883 = vector.extract_strided_slice %get3A_54 {offsets = [35, 0], sizes = [3, 256], strides = [1, 1]} : vector<64x256xbf16> to vector<3x256xbf16>
      %slice3A_884 = vector.extract_strided_slice %get3A_60 {offsets = [35, 0], sizes = [3, 256], strides = [1, 1]} : vector<64x256xbf16> to vector<3x256xbf16>
      %slice3A_885 = vector.extract_strided_slice %get3A_66 {offsets = [35, 0], sizes = [3, 256], strides = [1, 1]} : vector<64x256xbf16> to vector<3x256xbf16>
      %slice3A_886 = vector.extract_strided_slice %get3A_72 {offsets = [35, 0], sizes = [3, 256], strides = [1, 1]} : vector<64x256xbf16> to vector<3x256xbf16>
      %slice3A_887 = vector.extract_strided_slice %get3A_78 {offsets = [35, 0], sizes = [3, 256], strides = [1, 1]} : vector<64x256xbf16> to vector<3x256xbf16>
      %concatenate3A_888 = tpu.concatenate %slice3A_878, %slice3A_879, %slice3A_880, %slice3A_881, %slice3A_882, %slice3A_883, %slice3A_884, %slice3A_885, %slice3A_886, %slice3A_887, %broadcast_in_dim3A_0 in 0 : vector<3x256xbf16>, vector<3x256xbf16>, vector<3x256xbf16>, vector<3x256xbf16>, vector<3x256xbf16>, vector<3x256xbf16>, vector<3x256xbf16>, vector<3x256xbf16>, vector<3x256xbf16>, vector<3x256xbf16>, vector<2x256xbf16> -> vector<32x256xbf16>
      %get3A_889 = arith.constant 0 : index
      %get3A_890 = arith.constant 0 : index
      %get3A_891 = vector.load %arg2[%get3A_889, %get3A_890] : memref<32x256xbf16, #tpu.memory_space<vmem>>, vector<32x256xbf16>
      %dot_general3A_892 = arith.constant dense<0.000000e+00> : vector<256x256xf32>
      %dot_general3A_893 = tpu.matmul %concatenate3A_888, %get3A_891, %dot_general3A_892 {dimension_numbers = #tpu.dot_dimension_numbers<[0], [0], [1], [1], [0, 1, 1, 1], [], []>, transpose_lhs_hint = false} : vector<32x256xbf16>, vector<32x256xbf16>, vector<256x256xf32> -> vector<256x256xf32>
      %max3A_894 = arith.constant 0.000000e+00 : f32
      %max3A_895 = vector.broadcast %max3A_894 : f32 to vector<256x256xf32>
      %max3A_896 = arith.maximumf %dot_general3A_893, %max3A_895 : vector<256x256xf32>
      %reshape3A_897 = vector.shape_cast %max3A_896 : vector<256x256xf32> to vector<32x8x256xf32>
      %reduce_sum3A_898 = arith.constant dense<0.000000e+00> : vector<8x256xf32>
      %reduce_sum3A_899 = vector.multi_reduction <add>, %reshape3A_897, %reduce_sum3A_898 [0] : vector<32x8x256xf32> to vector<8x256xf32>
      %add3A_900 = arith.addf %add3A_877, %reduce_sum3A_899 : vector<8x256xf32>
      %slice3A_901 = vector.extract_strided_slice %get3A_24 {offsets = [36, 0], sizes = [3, 256], strides = [1, 1]} : vector<64x256xbf16> to vector<3x256xbf16>
      %slice3A_902 = vector.extract_strided_slice %get3A_30 {offsets = [36, 0], sizes = [3, 256], strides = [1, 1]} : vector<64x256xbf16> to vector<3x256xbf16>
      %slice3A_903 = vector.extract_strided_slice %get3A_36 {offsets = [36, 0], sizes = [3, 256], strides = [1, 1]} : vector<64x256xbf16> to vector<3x256xbf16>
      %slice3A_904 = vector.extract_strided_slice %get3A_42 {offsets = [36, 0], sizes = [3, 256], strides = [1, 1]} : vector<64x256xbf16> to vector<3x256xbf16>
      %slice3A_905 = vector.extract_strided_slice %get3A_48 {offsets = [36, 0], sizes = [3, 256], strides = [1, 1]} : vector<64x256xbf16> to vector<3x256xbf16>
      %slice3A_906 = vector.extract_strided_slice %get3A_54 {offsets = [36, 0], sizes = [3, 256], strides = [1, 1]} : vector<64x256xbf16> to vector<3x256xbf16>
      %slice3A_907 = vector.extract_strided_slice %get3A_60 {offsets = [36, 0], sizes = [3, 256], strides = [1, 1]} : vector<64x256xbf16> to vector<3x256xbf16>
      %slice3A_908 = vector.extract_strided_slice %get3A_66 {offsets = [36, 0], sizes = [3, 256], strides = [1, 1]} : vector<64x256xbf16> to vector<3x256xbf16>
      %slice3A_909 = vector.extract_strided_slice %get3A_72 {offsets = [36, 0], sizes = [3, 256], strides = [1, 1]} : vector<64x256xbf16> to vector<3x256xbf16>
      %slice3A_910 = vector.extract_strided_slice %get3A_78 {offsets = [36, 0], sizes = [3, 256], strides = [1, 1]} : vector<64x256xbf16> to vector<3x256xbf16>
      %concatenate3A_911 = tpu.concatenate %slice3A_901, %slice3A_902, %slice3A_903, %slice3A_904, %slice3A_905, %slice3A_906, %slice3A_907, %slice3A_908, %slice3A_909, %slice3A_910, %broadcast_in_dim3A_0 in 0 : vector<3x256xbf16>, vector<3x256xbf16>, vector<3x256xbf16>, vector<3x256xbf16>, vector<3x256xbf16>, vector<3x256xbf16>, vector<3x256xbf16>, vector<3x256xbf16>, vector<3x256xbf16>, vector<3x256xbf16>, vector<2x256xbf16> -> vector<32x256xbf16>
      %get3A_912 = arith.constant 0 : index
      %get3A_913 = arith.constant 0 : index
      %get3A_914 = vector.load %arg2[%get3A_912, %get3A_913] : memref<32x256xbf16, #tpu.memory_space<vmem>>, vector<32x256xbf16>
      %dot_general3A_915 = arith.constant dense<0.000000e+00> : vector<256x256xf32>
      %dot_general3A_916 = tpu.matmul %concatenate3A_911, %get3A_914, %dot_general3A_915 {dimension_numbers = #tpu.dot_dimension_numbers<[0], [0], [1], [1], [0, 1, 1, 1], [], []>, transpose_lhs_hint = false} : vector<32x256xbf16>, vector<32x256xbf16>, vector<256x256xf32> -> vector<256x256xf32>
      %max3A_917 = arith.constant 0.000000e+00 : f32
      %max3A_918 = vector.broadcast %max3A_917 : f32 to vector<256x256xf32>
      %max3A_919 = arith.maximumf %dot_general3A_916, %max3A_918 : vector<256x256xf32>
      %reshape3A_920 = vector.shape_cast %max3A_919 : vector<256x256xf32> to vector<32x8x256xf32>
      %reduce_sum3A_921 = arith.constant dense<0.000000e+00> : vector<8x256xf32>
      %reduce_sum3A_922 = vector.multi_reduction <add>, %reshape3A_920, %reduce_sum3A_921 [0] : vector<32x8x256xf32> to vector<8x256xf32>
      %add3A_923 = arith.addf %add3A_900, %reduce_sum3A_922 : vector<8x256xf32>
      %slice3A_924 = vector.extract_strided_slice %get3A_24 {offsets = [37, 0], sizes = [3, 256], strides = [1, 1]} : vector<64x256xbf16> to vector<3x256xbf16>
      %slice3A_925 = vector.extract_strided_slice %get3A_30 {offsets = [37, 0], sizes = [3, 256], strides = [1, 1]} : vector<64x256xbf16> to vector<3x256xbf16>
      %slice3A_926 = vector.extract_strided_slice %get3A_36 {offsets = [37, 0], sizes = [3, 256], strides = [1, 1]} : vector<64x256xbf16> to vector<3x256xbf16>
      %slice3A_927 = vector.extract_strided_slice %get3A_42 {offsets = [37, 0], sizes = [3, 256], strides = [1, 1]} : vector<64x256xbf16> to vector<3x256xbf16>
      %slice3A_928 = vector.extract_strided_slice %get3A_48 {offsets = [37, 0], sizes = [3, 256], strides = [1, 1]} : vector<64x256xbf16> to vector<3x256xbf16>
      %slice3A_929 = vector.extract_strided_slice %get3A_54 {offsets = [37, 0], sizes = [3, 256], strides = [1, 1]} : vector<64x256xbf16> to vector<3x256xbf16>
      %slice3A_930 = vector.extract_strided_slice %get3A_60 {offsets = [37, 0], sizes = [3, 256], strides = [1, 1]} : vector<64x256xbf16> to vector<3x256xbf16>
      %slice3A_931 = vector.extract_strided_slice %get3A_66 {offsets = [37, 0], sizes = [3, 256], strides = [1, 1]} : vector<64x256xbf16> to vector<3x256xbf16>
      %slice3A_932 = vector.extract_strided_slice %get3A_72 {offsets = [37, 0], sizes = [3, 256], strides = [1, 1]} : vector<64x256xbf16> to vector<3x256xbf16>
      %slice3A_933 = vector.extract_strided_slice %get3A_78 {offsets = [37, 0], sizes = [3, 256], strides = [1, 1]} : vector<64x256xbf16> to vector<3x256xbf16>
      %concatenate3A_934 = tpu.concatenate %slice3A_924, %slice3A_925, %slice3A_926, %slice3A_927, %slice3A_928, %slice3A_929, %slice3A_930, %slice3A_931, %slice3A_932, %slice3A_933, %broadcast_in_dim3A_0 in 0 : vector<3x256xbf16>, vector<3x256xbf16>, vector<3x256xbf16>, vector<3x256xbf16>, vector<3x256xbf16>, vector<3x256xbf16>, vector<3x256xbf16>, vector<3x256xbf16>, vector<3x256xbf16>, vector<3x256xbf16>, vector<2x256xbf16> -> vector<32x256xbf16>
      %get3A_935 = arith.constant 0 : index
      %get3A_936 = arith.constant 0 : index
      %get3A_937 = vector.load %arg2[%get3A_935, %get3A_936] : memref<32x256xbf16, #tpu.memory_space<vmem>>, vector<32x256xbf16>
      %dot_general3A_938 = arith.constant dense<0.000000e+00> : vector<256x256xf32>
      %dot_general3A_939 = tpu.matmul %concatenate3A_934, %get3A_937, %dot_general3A_938 {dimension_numbers = #tpu.dot_dimension_numbers<[0], [0], [1], [1], [0, 1, 1, 1], [], []>, transpose_lhs_hint = false} : vector<32x256xbf16>, vector<32x256xbf16>, vector<256x256xf32> -> vector<256x256xf32>
      %max3A_940 = arith.constant 0.000000e+00 : f32
      %max3A_941 = vector.broadcast %max3A_940 : f32 to vector<256x256xf32>
      %max3A_942 = arith.maximumf %dot_general3A_939, %max3A_941 : vector<256x256xf32>
      %reshape3A_943 = vector.shape_cast %max3A_942 : vector<256x256xf32> to vector<32x8x256xf32>
      %reduce_sum3A_944 = arith.constant dense<0.000000e+00> : vector<8x256xf32>
      %reduce_sum3A_945 = vector.multi_reduction <add>, %reshape3A_943, %reduce_sum3A_944 [0] : vector<32x8x256xf32> to vector<8x256xf32>
      %add3A_946 = arith.addf %add3A_923, %reduce_sum3A_945 : vector<8x256xf32>
      %slice3A_947 = vector.extract_strided_slice %get3A_24 {offsets = [38, 0], sizes = [3, 256], strides = [1, 1]} : vector<64x256xbf16> to vector<3x256xbf16>
      %slice3A_948 = vector.extract_strided_slice %get3A_30 {offsets = [38, 0], sizes = [3, 256], strides = [1, 1]} : vector<64x256xbf16> to vector<3x256xbf16>
      %slice3A_949 = vector.extract_strided_slice %get3A_36 {offsets = [38, 0], sizes = [3, 256], strides = [1, 1]} : vector<64x256xbf16> to vector<3x256xbf16>
      %slice3A_950 = vector.extract_strided_slice %get3A_42 {offsets = [38, 0], sizes = [3, 256], strides = [1, 1]} : vector<64x256xbf16> to vector<3x256xbf16>
      %slice3A_951 = vector.extract_strided_slice %get3A_48 {offsets = [38, 0], sizes = [3, 256], strides = [1, 1]} : vector<64x256xbf16> to vector<3x256xbf16>
      %slice3A_952 = vector.extract_strided_slice %get3A_54 {offsets = [38, 0], sizes = [3, 256], strides = [1, 1]} : vector<64x256xbf16> to vector<3x256xbf16>
      %slice3A_953 = vector.extract_strided_slice %get3A_60 {offsets = [38, 0], sizes = [3, 256], strides = [1, 1]} : vector<64x256xbf16> to vector<3x256xbf16>
      %slice3A_954 = vector.extract_strided_slice %get3A_66 {offsets = [38, 0], sizes = [3, 256], strides = [1, 1]} : vector<64x256xbf16> to vector<3x256xbf16>
      %slice3A_955 = vector.extract_strided_slice %get3A_72 {offsets = [38, 0], sizes = [3, 256], strides = [1, 1]} : vector<64x256xbf16> to vector<3x256xbf16>
      %slice3A_956 = vector.extract_strided_slice %get3A_78 {offsets = [38, 0], sizes = [3, 256], strides = [1, 1]} : vector<64x256xbf16> to vector<3x256xbf16>
      %concatenate3A_957 = tpu.concatenate %slice3A_947, %slice3A_948, %slice3A_949, %slice3A_950, %slice3A_951, %slice3A_952, %slice3A_953, %slice3A_954, %slice3A_955, %slice3A_956, %broadcast_in_dim3A_0 in 0 : vector<3x256xbf16>, vector<3x256xbf16>, vector<3x256xbf16>, vector<3x256xbf16>, vector<3x256xbf16>, vector<3x256xbf16>, vector<3x256xbf16>, vector<3x256xbf16>, vector<3x256xbf16>, vector<3x256xbf16>, vector<2x256xbf16> -> vector<32x256xbf16>
      %get3A_958 = arith.constant 0 : index
      %get3A_959 = arith.constant 0 : index
      %get3A_960 = vector.load %arg2[%get3A_958, %get3A_959] : memref<32x256xbf16, #tpu.memory_space<vmem>>, vector<32x256xbf16>
      %dot_general3A_961 = arith.constant dense<0.000000e+00> : vector<256x256xf32>
      %dot_general3A_962 = tpu.matmul %concatenate3A_957, %get3A_960, %dot_general3A_961 {dimension_numbers = #tpu.dot_dimension_numbers<[0], [0], [1], [1], [0, 1, 1, 1], [], []>, transpose_lhs_hint = false} : vector<32x256xbf16>, vector<32x256xbf16>, vector<256x256xf32> -> vector<256x256xf32>
      %max3A_963 = arith.constant 0.000000e+00 : f32
      %max3A_964 = vector.broadcast %max3A_963 : f32 to vector<256x256xf32>
      %max3A_965 = arith.maximumf %dot_general3A_962, %max3A_964 : vector<256x256xf32>
      %reshape3A_966 = vector.shape_cast %max3A_965 : vector<256x256xf32> to vector<32x8x256xf32>
      %reduce_sum3A_967 = arith.constant dense<0.000000e+00> : vector<8x256xf32>
      %reduce_sum3A_968 = vector.multi_reduction <add>, %reshape3A_966, %reduce_sum3A_967 [0] : vector<32x8x256xf32> to vector<8x256xf32>
      %add3A_969 = arith.addf %add3A_946, %reduce_sum3A_968 : vector<8x256xf32>
      %slice3A_970 = vector.extract_strided_slice %get3A_24 {offsets = [39, 0], sizes = [3, 256], strides = [1, 1]} : vector<64x256xbf16> to vector<3x256xbf16>
      %slice3A_971 = vector.extract_strided_slice %get3A_30 {offsets = [39, 0], sizes = [3, 256], strides = [1, 1]} : vector<64x256xbf16> to vector<3x256xbf16>
      %slice3A_972 = vector.extract_strided_slice %get3A_36 {offsets = [39, 0], sizes = [3, 256], strides = [1, 1]} : vector<64x256xbf16> to vector<3x256xbf16>
      %slice3A_973 = vector.extract_strided_slice %get3A_42 {offsets = [39, 0], sizes = [3, 256], strides = [1, 1]} : vector<64x256xbf16> to vector<3x256xbf16>
      %slice3A_974 = vector.extract_strided_slice %get3A_48 {offsets = [39, 0], sizes = [3, 256], strides = [1, 1]} : vector<64x256xbf16> to vector<3x256xbf16>
      %slice3A_975 = vector.extract_strided_slice %get3A_54 {offsets = [39, 0], sizes = [3, 256], strides = [1, 1]} : vector<64x256xbf16> to vector<3x256xbf16>
      %slice3A_976 = vector.extract_strided_slice %get3A_60 {offsets = [39, 0], sizes = [3, 256], strides = [1, 1]} : vector<64x256xbf16> to vector<3x256xbf16>
      %slice3A_977 = vector.extract_strided_slice %get3A_66 {offsets = [39, 0], sizes = [3, 256], strides = [1, 1]} : vector<64x256xbf16> to vector<3x256xbf16>
      %slice3A_978 = vector.extract_strided_slice %get3A_72 {offsets = [39, 0], sizes = [3, 256], strides = [1, 1]} : vector<64x256xbf16> to vector<3x256xbf16>
      %slice3A_979 = vector.extract_strided_slice %get3A_78 {offsets = [39, 0], sizes = [3, 256], strides = [1, 1]} : vector<64x256xbf16> to vector<3x256xbf16>
      %concatenate3A_980 = tpu.concatenate %slice3A_970, %slice3A_971, %slice3A_972, %slice3A_973, %slice3A_974, %slice3A_975, %slice3A_976, %slice3A_977, %slice3A_978, %slice3A_979, %broadcast_in_dim3A_0 in 0 : vector<3x256xbf16>, vector<3x256xbf16>, vector<3x256xbf16>, vector<3x256xbf16>, vector<3x256xbf16>, vector<3x256xbf16>, vector<3x256xbf16>, vector<3x256xbf16>, vector<3x256xbf16>, vector<3x256xbf16>, vector<2x256xbf16> -> vector<32x256xbf16>
      %get3A_981 = arith.constant 0 : index
      %get3A_982 = arith.constant 0 : index
      %get3A_983 = vector.load %arg2[%get3A_981, %get3A_982] : memref<32x256xbf16, #tpu.memory_space<vmem>>, vector<32x256xbf16>
      %dot_general3A_984 = arith.constant dense<0.000000e+00> : vector<256x256xf32>
      %dot_general3A_985 = tpu.matmul %concatenate3A_980, %get3A_983, %dot_general3A_984 {dimension_numbers = #tpu.dot_dimension_numbers<[0], [0], [1], [1], [0, 1, 1, 1], [], []>, transpose_lhs_hint = false} : vector<32x256xbf16>, vector<32x256xbf16>, vector<256x256xf32> -> vector<256x256xf32>
      %max3A_986 = arith.constant 0.000000e+00 : f32
      %max3A_987 = vector.broadcast %max3A_986 : f32 to vector<256x256xf32>
      %max3A_988 = arith.maximumf %dot_general3A_985, %max3A_987 : vector<256x256xf32>
      %reshape3A_989 = vector.shape_cast %max3A_988 : vector<256x256xf32> to vector<32x8x256xf32>
      %reduce_sum3A_990 = arith.constant dense<0.000000e+00> : vector<8x256xf32>
      %reduce_sum3A_991 = vector.multi_reduction <add>, %reshape3A_989, %reduce_sum3A_990 [0] : vector<32x8x256xf32> to vector<8x256xf32>
      %add3A_992 = arith.addf %add3A_969, %reduce_sum3A_991 : vector<8x256xf32>
      %slice3A_993 = vector.extract_strided_slice %get3A_24 {offsets = [40, 0], sizes = [3, 256], strides = [1, 1]} : vector<64x256xbf16> to vector<3x256xbf16>
      %slice3A_994 = vector.extract_strided_slice %get3A_30 {offsets = [40, 0], sizes = [3, 256], strides = [1, 1]} : vector<64x256xbf16> to vector<3x256xbf16>
      %slice3A_995 = vector.extract_strided_slice %get3A_36 {offsets = [40, 0], sizes = [3, 256], strides = [1, 1]} : vector<64x256xbf16> to vector<3x256xbf16>
      %slice3A_996 = vector.extract_strided_slice %get3A_42 {offsets = [40, 0], sizes = [3, 256], strides = [1, 1]} : vector<64x256xbf16> to vector<3x256xbf16>
      %slice3A_997 = vector.extract_strided_slice %get3A_48 {offsets = [40, 0], sizes = [3, 256], strides = [1, 1]} : vector<64x256xbf16> to vector<3x256xbf16>
      %slice3A_998 = vector.extract_strided_slice %get3A_54 {offsets = [40, 0], sizes = [3, 256], strides = [1, 1]} : vector<64x256xbf16> to vector<3x256xbf16>
      %slice3A_999 = vector.extract_strided_slice %get3A_60 {offsets = [40, 0], sizes = [3, 256], strides = [1, 1]} : vector<64x256xbf16> to vector<3x256xbf16>
      %slice3A_1000 = vector.extract_strided_slice %get3A_66 {offsets = [40, 0], sizes = [3, 256], strides = [1, 1]} : vector<64x256xbf16> to vector<3x256xbf16>
      %slice3A_1001 = vector.extract_strided_slice %get3A_72 {offsets = [40, 0], sizes = [3, 256], strides = [1, 1]} : vector<64x256xbf16> to vector<3x256xbf16>
      %slice3A_1002 = vector.extract_strided_slice %get3A_78 {offsets = [40, 0], sizes = [3, 256], strides = [1, 1]} : vector<64x256xbf16> to vector<3x256xbf16>
      %concatenate3A_1003 = tpu.concatenate %slice3A_993, %slice3A_994, %slice3A_995, %slice3A_996, %slice3A_997, %slice3A_998, %slice3A_999, %slice3A_1000, %slice3A_1001, %slice3A_1002, %broadcast_in_dim3A_0 in 0 : vector<3x256xbf16>, vector<3x256xbf16>, vector<3x256xbf16>, vector<3x256xbf16>, vector<3x256xbf16>, vector<3x256xbf16>, vector<3x256xbf16>, vector<3x256xbf16>, vector<3x256xbf16>, vector<3x256xbf16>, vector<2x256xbf16> -> vector<32x256xbf16>
      %get3A_1004 = arith.constant 0 : index
      %get3A_1005 = arith.constant 0 : index
      %get3A_1006 = vector.load %arg2[%get3A_1004, %get3A_1005] : memref<32x256xbf16, #tpu.memory_space<vmem>>, vector<32x256xbf16>
      %dot_general3A_1007 = arith.constant dense<0.000000e+00> : vector<256x256xf32>
      %dot_general3A_1008 = tpu.matmul %concatenate3A_1003, %get3A_1006, %dot_general3A_1007 {dimension_numbers = #tpu.dot_dimension_numbers<[0], [0], [1], [1], [0, 1, 1, 1], [], []>, transpose_lhs_hint = false} : vector<32x256xbf16>, vector<32x256xbf16>, vector<256x256xf32> -> vector<256x256xf32>
      %max3A_1009 = arith.constant 0.000000e+00 : f32
      %max3A_1010 = vector.broadcast %max3A_1009 : f32 to vector<256x256xf32>
      %max3A_1011 = arith.maximumf %dot_general3A_1008, %max3A_1010 : vector<256x256xf32>
      %reshape3A_1012 = vector.shape_cast %max3A_1011 : vector<256x256xf32> to vector<32x8x256xf32>
      %reduce_sum3A_1013 = arith.constant dense<0.000000e+00> : vector<8x256xf32>
      %reduce_sum3A_1014 = vector.multi_reduction <add>, %reshape3A_1012, %reduce_sum3A_1013 [0] : vector<32x8x256xf32> to vector<8x256xf32>
      %add3A_1015 = arith.addf %add3A_992, %reduce_sum3A_1014 : vector<8x256xf32>
      %slice3A_1016 = vector.extract_strided_slice %get3A_24 {offsets = [41, 0], sizes = [3, 256], strides = [1, 1]} : vector<64x256xbf16> to vector<3x256xbf16>
      %slice3A_1017 = vector.extract_strided_slice %get3A_30 {offsets = [41, 0], sizes = [3, 256], strides = [1, 1]} : vector<64x256xbf16> to vector<3x256xbf16>
      %slice3A_1018 = vector.extract_strided_slice %get3A_36 {offsets = [41, 0], sizes = [3, 256], strides = [1, 1]} : vector<64x256xbf16> to vector<3x256xbf16>
      %slice3A_1019 = vector.extract_strided_slice %get3A_42 {offsets = [41, 0], sizes = [3, 256], strides = [1, 1]} : vector<64x256xbf16> to vector<3x256xbf16>
      %slice3A_1020 = vector.extract_strided_slice %get3A_48 {offsets = [41, 0], sizes = [3, 256], strides = [1, 1]} : vector<64x256xbf16> to vector<3x256xbf16>
      %slice3A_1021 = vector.extract_strided_slice %get3A_54 {offsets = [41, 0], sizes = [3, 256], strides = [1, 1]} : vector<64x256xbf16> to vector<3x256xbf16>
      %slice3A_1022 = vector.extract_strided_slice %get3A_60 {offsets = [41, 0], sizes = [3, 256], strides = [1, 1]} : vector<64x256xbf16> to vector<3x256xbf16>
      %slice3A_1023 = vector.extract_strided_slice %get3A_66 {offsets = [41, 0], sizes = [3, 256], strides = [1, 1]} : vector<64x256xbf16> to vector<3x256xbf16>
      %slice3A_1024 = vector.extract_strided_slice %get3A_72 {offsets = [41, 0], sizes = [3, 256], strides = [1, 1]} : vector<64x256xbf16> to vector<3x256xbf16>
      %slice3A_1025 = vector.extract_strided_slice %get3A_78 {offsets = [41, 0], sizes = [3, 256], strides = [1, 1]} : vector<64x256xbf16> to vector<3x256xbf16>
      %concatenate3A_1026 = tpu.concatenate %slice3A_1016, %slice3A_1017, %slice3A_1018, %slice3A_1019, %slice3A_1020, %slice3A_1021, %slice3A_1022, %slice3A_1023, %slice3A_1024, %slice3A_1025, %broadcast_in_dim3A_0 in 0 : vector<3x256xbf16>, vector<3x256xbf16>, vector<3x256xbf16>, vector<3x256xbf16>, vector<3x256xbf16>, vector<3x256xbf16>, vector<3x256xbf16>, vector<3x256xbf16>, vector<3x256xbf16>, vector<3x256xbf16>, vector<2x256xbf16> -> vector<32x256xbf16>
      %get3A_1027 = arith.constant 0 : index
      %get3A_1028 = arith.constant 0 : index
      %get3A_1029 = vector.load %arg2[%get3A_1027, %get3A_1028] : memref<32x256xbf16, #tpu.memory_space<vmem>>, vector<32x256xbf16>
      %dot_general3A_1030 = arith.constant dense<0.000000e+00> : vector<256x256xf32>
      %dot_general3A_1031 = tpu.matmul %concatenate3A_1026, %get3A_1029, %dot_general3A_1030 {dimension_numbers = #tpu.dot_dimension_numbers<[0], [0], [1], [1], [0, 1, 1, 1], [], []>, transpose_lhs_hint = false} : vector<32x256xbf16>, vector<32x256xbf16>, vector<256x256xf32> -> vector<256x256xf32>
      %max3A_1032 = arith.constant 0.000000e+00 : f32
      %max3A_1033 = vector.broadcast %max3A_1032 : f32 to vector<256x256xf32>
      %max3A_1034 = arith.maximumf %dot_general3A_1031, %max3A_1033 : vector<256x256xf32>
      %reshape3A_1035 = vector.shape_cast %max3A_1034 : vector<256x256xf32> to vector<32x8x256xf32>
      %reduce_sum3A_1036 = arith.constant dense<0.000000e+00> : vector<8x256xf32>
      %reduce_sum3A_1037 = vector.multi_reduction <add>, %reshape3A_1035, %reduce_sum3A_1036 [0] : vector<32x8x256xf32> to vector<8x256xf32>
      %add3A_1038 = arith.addf %add3A_1015, %reduce_sum3A_1037 : vector<8x256xf32>
      %slice3A_1039 = vector.extract_strided_slice %get3A_24 {offsets = [42, 0], sizes = [3, 256], strides = [1, 1]} : vector<64x256xbf16> to vector<3x256xbf16>
      %slice3A_1040 = vector.extract_strided_slice %get3A_30 {offsets = [42, 0], sizes = [3, 256], strides = [1, 1]} : vector<64x256xbf16> to vector<3x256xbf16>
      %slice3A_1041 = vector.extract_strided_slice %get3A_36 {offsets = [42, 0], sizes = [3, 256], strides = [1, 1]} : vector<64x256xbf16> to vector<3x256xbf16>
      %slice3A_1042 = vector.extract_strided_slice %get3A_42 {offsets = [42, 0], sizes = [3, 256], strides = [1, 1]} : vector<64x256xbf16> to vector<3x256xbf16>
      %slice3A_1043 = vector.extract_strided_slice %get3A_48 {offsets = [42, 0], sizes = [3, 256], strides = [1, 1]} : vector<64x256xbf16> to vector<3x256xbf16>
      %slice3A_1044 = vector.extract_strided_slice %get3A_54 {offsets = [42, 0], sizes = [3, 256], strides = [1, 1]} : vector<64x256xbf16> to vector<3x256xbf16>
      %slice3A_1045 = vector.extract_strided_slice %get3A_60 {offsets = [42, 0], sizes = [3, 256], strides = [1, 1]} : vector<64x256xbf16> to vector<3x256xbf16>
      %slice3A_1046 = vector.extract_strided_slice %get3A_66 {offsets = [42, 0], sizes = [3, 256], strides = [1, 1]} : vector<64x256xbf16> to vector<3x256xbf16>
      %slice3A_1047 = vector.extract_strided_slice %get3A_72 {offsets = [42, 0], sizes = [3, 256], strides = [1, 1]} : vector<64x256xbf16> to vector<3x256xbf16>
      %slice3A_1048 = vector.extract_strided_slice %get3A_78 {offsets = [42, 0], sizes = [3, 256], strides = [1, 1]} : vector<64x256xbf16> to vector<3x256xbf16>
      %concatenate3A_1049 = tpu.concatenate %slice3A_1039, %slice3A_1040, %slice3A_1041, %slice3A_1042, %slice3A_1043, %slice3A_1044, %slice3A_1045, %slice3A_1046, %slice3A_1047, %slice3A_1048, %broadcast_in_dim3A_0 in 0 : vector<3x256xbf16>, vector<3x256xbf16>, vector<3x256xbf16>, vector<3x256xbf16>, vector<3x256xbf16>, vector<3x256xbf16>, vector<3x256xbf16>, vector<3x256xbf16>, vector<3x256xbf16>, vector<3x256xbf16>, vector<2x256xbf16> -> vector<32x256xbf16>
      %get3A_1050 = arith.constant 0 : index
      %get3A_1051 = arith.constant 0 : index
      %get3A_1052 = vector.load %arg2[%get3A_1050, %get3A_1051] : memref<32x256xbf16, #tpu.memory_space<vmem>>, vector<32x256xbf16>
      %dot_general3A_1053 = arith.constant dense<0.000000e+00> : vector<256x256xf32>
      %dot_general3A_1054 = tpu.matmul %concatenate3A_1049, %get3A_1052, %dot_general3A_1053 {dimension_numbers = #tpu.dot_dimension_numbers<[0], [0], [1], [1], [0, 1, 1, 1], [], []>, transpose_lhs_hint = false} : vector<32x256xbf16>, vector<32x256xbf16>, vector<256x256xf32> -> vector<256x256xf32>
      %max3A_1055 = arith.constant 0.000000e+00 : f32
      %max3A_1056 = vector.broadcast %max3A_1055 : f32 to vector<256x256xf32>
      %max3A_1057 = arith.maximumf %dot_general3A_1054, %max3A_1056 : vector<256x256xf32>
      %reshape3A_1058 = vector.shape_cast %max3A_1057 : vector<256x256xf32> to vector<32x8x256xf32>
      %reduce_sum3A_1059 = arith.constant dense<0.000000e+00> : vector<8x256xf32>
      %reduce_sum3A_1060 = vector.multi_reduction <add>, %reshape3A_1058, %reduce_sum3A_1059 [0] : vector<32x8x256xf32> to vector<8x256xf32>
      %add3A_1061 = arith.addf %add3A_1038, %reduce_sum3A_1060 : vector<8x256xf32>
      %slice3A_1062 = vector.extract_strided_slice %get3A_24 {offsets = [43, 0], sizes = [3, 256], strides = [1, 1]} : vector<64x256xbf16> to vector<3x256xbf16>
      %slice3A_1063 = vector.extract_strided_slice %get3A_30 {offsets = [43, 0], sizes = [3, 256], strides = [1, 1]} : vector<64x256xbf16> to vector<3x256xbf16>
      %slice3A_1064 = vector.extract_strided_slice %get3A_36 {offsets = [43, 0], sizes = [3, 256], strides = [1, 1]} : vector<64x256xbf16> to vector<3x256xbf16>
      %slice3A_1065 = vector.extract_strided_slice %get3A_42 {offsets = [43, 0], sizes = [3, 256], strides = [1, 1]} : vector<64x256xbf16> to vector<3x256xbf16>
      %slice3A_1066 = vector.extract_strided_slice %get3A_48 {offsets = [43, 0], sizes = [3, 256], strides = [1, 1]} : vector<64x256xbf16> to vector<3x256xbf16>
      %slice3A_1067 = vector.extract_strided_slice %get3A_54 {offsets = [43, 0], sizes = [3, 256], strides = [1, 1]} : vector<64x256xbf16> to vector<3x256xbf16>
      %slice3A_1068 = vector.extract_strided_slice %get3A_60 {offsets = [43, 0], sizes = [3, 256], strides = [1, 1]} : vector<64x256xbf16> to vector<3x256xbf16>
      %slice3A_1069 = vector.extract_strided_slice %get3A_66 {offsets = [43, 0], sizes = [3, 256], strides = [1, 1]} : vector<64x256xbf16> to vector<3x256xbf16>
      %slice3A_1070 = vector.extract_strided_slice %get3A_72 {offsets = [43, 0], sizes = [3, 256], strides = [1, 1]} : vector<64x256xbf16> to vector<3x256xbf16>
      %slice3A_1071 = vector.extract_strided_slice %get3A_78 {offsets = [43, 0], sizes = [3, 256], strides = [1, 1]} : vector<64x256xbf16> to vector<3x256xbf16>
      %concatenate3A_1072 = tpu.concatenate %slice3A_1062, %slice3A_1063, %slice3A_1064, %slice3A_1065, %slice3A_1066, %slice3A_1067, %slice3A_1068, %slice3A_1069, %slice3A_1070, %slice3A_1071, %broadcast_in_dim3A_0 in 0 : vector<3x256xbf16>, vector<3x256xbf16>, vector<3x256xbf16>, vector<3x256xbf16>, vector<3x256xbf16>, vector<3x256xbf16>, vector<3x256xbf16>, vector<3x256xbf16>, vector<3x256xbf16>, vector<3x256xbf16>, vector<2x256xbf16> -> vector<32x256xbf16>
      %get3A_1073 = arith.constant 0 : index
      %get3A_1074 = arith.constant 0 : index
      %get3A_1075 = vector.load %arg2[%get3A_1073, %get3A_1074] : memref<32x256xbf16, #tpu.memory_space<vmem>>, vector<32x256xbf16>
      %dot_general3A_1076 = arith.constant dense<0.000000e+00> : vector<256x256xf32>
      %dot_general3A_1077 = tpu.matmul %concatenate3A_1072, %get3A_1075, %dot_general3A_1076 {dimension_numbers = #tpu.dot_dimension_numbers<[0], [0], [1], [1], [0, 1, 1, 1], [], []>, transpose_lhs_hint = false} : vector<32x256xbf16>, vector<32x256xbf16>, vector<256x256xf32> -> vector<256x256xf32>
      %max3A_1078 = arith.constant 0.000000e+00 : f32
      %max3A_1079 = vector.broadcast %max3A_1078 : f32 to vector<256x256xf32>
      %max3A_1080 = arith.maximumf %dot_general3A_1077, %max3A_1079 : vector<256x256xf32>
      %reshape3A_1081 = vector.shape_cast %max3A_1080 : vector<256x256xf32> to vector<32x8x256xf32>
      %reduce_sum3A_1082 = arith.constant dense<0.000000e+00> : vector<8x256xf32>
      %reduce_sum3A_1083 = vector.multi_reduction <add>, %reshape3A_1081, %reduce_sum3A_1082 [0] : vector<32x8x256xf32> to vector<8x256xf32>
      %add3A_1084 = arith.addf %add3A_1061, %reduce_sum3A_1083 : vector<8x256xf32>
      %slice3A_1085 = vector.extract_strided_slice %get3A_24 {offsets = [44, 0], sizes = [3, 256], strides = [1, 1]} : vector<64x256xbf16> to vector<3x256xbf16>
      %slice3A_1086 = vector.extract_strided_slice %get3A_30 {offsets = [44, 0], sizes = [3, 256], strides = [1, 1]} : vector<64x256xbf16> to vector<3x256xbf16>
      %slice3A_1087 = vector.extract_strided_slice %get3A_36 {offsets = [44, 0], sizes = [3, 256], strides = [1, 1]} : vector<64x256xbf16> to vector<3x256xbf16>
      %slice3A_1088 = vector.extract_strided_slice %get3A_42 {offsets = [44, 0], sizes = [3, 256], strides = [1, 1]} : vector<64x256xbf16> to vector<3x256xbf16>
      %slice3A_1089 = vector.extract_strided_slice %get3A_48 {offsets = [44, 0], sizes = [3, 256], strides = [1, 1]} : vector<64x256xbf16> to vector<3x256xbf16>
      %slice3A_1090 = vector.extract_strided_slice %get3A_54 {offsets = [44, 0], sizes = [3, 256], strides = [1, 1]} : vector<64x256xbf16> to vector<3x256xbf16>
      %slice3A_1091 = vector.extract_strided_slice %get3A_60 {offsets = [44, 0], sizes = [3, 256], strides = [1, 1]} : vector<64x256xbf16> to vector<3x256xbf16>
      %slice3A_1092 = vector.extract_strided_slice %get3A_66 {offsets = [44, 0], sizes = [3, 256], strides = [1, 1]} : vector<64x256xbf16> to vector<3x256xbf16>
      %slice3A_1093 = vector.extract_strided_slice %get3A_72 {offsets = [44, 0], sizes = [3, 256], strides = [1, 1]} : vector<64x256xbf16> to vector<3x256xbf16>
      %slice3A_1094 = vector.extract_strided_slice %get3A_78 {offsets = [44, 0], sizes = [3, 256], strides = [1, 1]} : vector<64x256xbf16> to vector<3x256xbf16>
      %concatenate3A_1095 = tpu.concatenate %slice3A_1085, %slice3A_1086, %slice3A_1087, %slice3A_1088, %slice3A_1089, %slice3A_1090, %slice3A_1091, %slice3A_1092, %slice3A_1093, %slice3A_1094, %broadcast_in_dim3A_0 in 0 : vector<3x256xbf16>, vector<3x256xbf16>, vector<3x256xbf16>, vector<3x256xbf16>, vector<3x256xbf16>, vector<3x256xbf16>, vector<3x256xbf16>, vector<3x256xbf16>, vector<3x256xbf16>, vector<3x256xbf16>, vector<2x256xbf16> -> vector<32x256xbf16>
      %get3A_1096 = arith.constant 0 : index
      %get3A_1097 = arith.constant 0 : index
      %get3A_1098 = vector.load %arg2[%get3A_1096, %get3A_1097] : memref<32x256xbf16, #tpu.memory_space<vmem>>, vector<32x256xbf16>
      %dot_general3A_1099 = arith.constant dense<0.000000e+00> : vector<256x256xf32>
      %dot_general3A_1100 = tpu.matmul %concatenate3A_1095, %get3A_1098, %dot_general3A_1099 {dimension_numbers = #tpu.dot_dimension_numbers<[0], [0], [1], [1], [0, 1, 1, 1], [], []>, transpose_lhs_hint = false} : vector<32x256xbf16>, vector<32x256xbf16>, vector<256x256xf32> -> vector<256x256xf32>
      %max3A_1101 = arith.constant 0.000000e+00 : f32
      %max3A_1102 = vector.broadcast %max3A_1101 : f32 to vector<256x256xf32>
      %max3A_1103 = arith.maximumf %dot_general3A_1100, %max3A_1102 : vector<256x256xf32>
      %reshape3A_1104 = vector.shape_cast %max3A_1103 : vector<256x256xf32> to vector<32x8x256xf32>
      %reduce_sum3A_1105 = arith.constant dense<0.000000e+00> : vector<8x256xf32>
      %reduce_sum3A_1106 = vector.multi_reduction <add>, %reshape3A_1104, %reduce_sum3A_1105 [0] : vector<32x8x256xf32> to vector<8x256xf32>
      %add3A_1107 = arith.addf %add3A_1084, %reduce_sum3A_1106 : vector<8x256xf32>
      %slice3A_1108 = vector.extract_strided_slice %get3A_24 {offsets = [45, 0], sizes = [3, 256], strides = [1, 1]} : vector<64x256xbf16> to vector<3x256xbf16>
      %slice3A_1109 = vector.extract_strided_slice %get3A_30 {offsets = [45, 0], sizes = [3, 256], strides = [1, 1]} : vector<64x256xbf16> to vector<3x256xbf16>
      %slice3A_1110 = vector.extract_strided_slice %get3A_36 {offsets = [45, 0], sizes = [3, 256], strides = [1, 1]} : vector<64x256xbf16> to vector<3x256xbf16>
      %slice3A_1111 = vector.extract_strided_slice %get3A_42 {offsets = [45, 0], sizes = [3, 256], strides = [1, 1]} : vector<64x256xbf16> to vector<3x256xbf16>
      %slice3A_1112 = vector.extract_strided_slice %get3A_48 {offsets = [45, 0], sizes = [3, 256], strides = [1, 1]} : vector<64x256xbf16> to vector<3x256xbf16>
      %slice3A_1113 = vector.extract_strided_slice %get3A_54 {offsets = [45, 0], sizes = [3, 256], strides = [1, 1]} : vector<64x256xbf16> to vector<3x256xbf16>
      %slice3A_1114 = vector.extract_strided_slice %get3A_60 {offsets = [45, 0], sizes = [3, 256], strides = [1, 1]} : vector<64x256xbf16> to vector<3x256xbf16>
      %slice3A_1115 = vector.extract_strided_slice %get3A_66 {offsets = [45, 0], sizes = [3, 256], strides = [1, 1]} : vector<64x256xbf16> to vector<3x256xbf16>
      %slice3A_1116 = vector.extract_strided_slice %get3A_72 {offsets = [45, 0], sizes = [3, 256], strides = [1, 1]} : vector<64x256xbf16> to vector<3x256xbf16>
      %slice3A_1117 = vector.extract_strided_slice %get3A_78 {offsets = [45, 0], sizes = [3, 256], strides = [1, 1]} : vector<64x256xbf16> to vector<3x256xbf16>
      %concatenate3A_1118 = tpu.concatenate %slice3A_1108, %slice3A_1109, %slice3A_1110, %slice3A_1111, %slice3A_1112, %slice3A_1113, %slice3A_1114, %slice3A_1115, %slice3A_1116, %slice3A_1117, %broadcast_in_dim3A_0 in 0 : vector<3x256xbf16>, vector<3x256xbf16>, vector<3x256xbf16>, vector<3x256xbf16>, vector<3x256xbf16>, vector<3x256xbf16>, vector<3x256xbf16>, vector<3x256xbf16>, vector<3x256xbf16>, vector<3x256xbf16>, vector<2x256xbf16> -> vector<32x256xbf16>
      %get3A_1119 = arith.constant 0 : index
      %get3A_1120 = arith.constant 0 : index
      %get3A_1121 = vector.load %arg2[%get3A_1119, %get3A_1120] : memref<32x256xbf16, #tpu.memory_space<vmem>>, vector<32x256xbf16>
      %dot_general3A_1122 = arith.constant dense<0.000000e+00> : vector<256x256xf32>
      %dot_general3A_1123 = tpu.matmul %concatenate3A_1118, %get3A_1121, %dot_general3A_1122 {dimension_numbers = #tpu.dot_dimension_numbers<[0], [0], [1], [1], [0, 1, 1, 1], [], []>, transpose_lhs_hint = false} : vector<32x256xbf16>, vector<32x256xbf16>, vector<256x256xf32> -> vector<256x256xf32>
      %max3A_1124 = arith.constant 0.000000e+00 : f32
      %max3A_1125 = vector.broadcast %max3A_1124 : f32 to vector<256x256xf32>
      %max3A_1126 = arith.maximumf %dot_general3A_1123, %max3A_1125 : vector<256x256xf32>
      %reshape3A_1127 = vector.shape_cast %max3A_1126 : vector<256x256xf32> to vector<32x8x256xf32>
      %reduce_sum3A_1128 = arith.constant dense<0.000000e+00> : vector<8x256xf32>
      %reduce_sum3A_1129 = vector.multi_reduction <add>, %reshape3A_1127, %reduce_sum3A_1128 [0] : vector<32x8x256xf32> to vector<8x256xf32>
      %add3A_1130 = arith.addf %add3A_1107, %reduce_sum3A_1129 : vector<8x256xf32>
      %slice3A_1131 = vector.extract_strided_slice %get3A_24 {offsets = [46, 0], sizes = [3, 256], strides = [1, 1]} : vector<64x256xbf16> to vector<3x256xbf16>
      %slice3A_1132 = vector.extract_strided_slice %get3A_30 {offsets = [46, 0], sizes = [3, 256], strides = [1, 1]} : vector<64x256xbf16> to vector<3x256xbf16>
      %slice3A_1133 = vector.extract_strided_slice %get3A_36 {offsets = [46, 0], sizes = [3, 256], strides = [1, 1]} : vector<64x256xbf16> to vector<3x256xbf16>
      %slice3A_1134 = vector.extract_strided_slice %get3A_42 {offsets = [46, 0], sizes = [3, 256], strides = [1, 1]} : vector<64x256xbf16> to vector<3x256xbf16>
      %slice3A_1135 = vector.extract_strided_slice %get3A_48 {offsets = [46, 0], sizes = [3, 256], strides = [1, 1]} : vector<64x256xbf16> to vector<3x256xbf16>
      %slice3A_1136 = vector.extract_strided_slice %get3A_54 {offsets = [46, 0], sizes = [3, 256], strides = [1, 1]} : vector<64x256xbf16> to vector<3x256xbf16>
      %slice3A_1137 = vector.extract_strided_slice %get3A_60 {offsets = [46, 0], sizes = [3, 256], strides = [1, 1]} : vector<64x256xbf16> to vector<3x256xbf16>
      %slice3A_1138 = vector.extract_strided_slice %get3A_66 {offsets = [46, 0], sizes = [3, 256], strides = [1, 1]} : vector<64x256xbf16> to vector<3x256xbf16>
      %slice3A_1139 = vector.extract_strided_slice %get3A_72 {offsets = [46, 0], sizes = [3, 256], strides = [1, 1]} : vector<64x256xbf16> to vector<3x256xbf16>
      %slice3A_1140 = vector.extract_strided_slice %get3A_78 {offsets = [46, 0], sizes = [3, 256], strides = [1, 1]} : vector<64x256xbf16> to vector<3x256xbf16>
      %concatenate3A_1141 = tpu.concatenate %slice3A_1131, %slice3A_1132, %slice3A_1133, %slice3A_1134, %slice3A_1135, %slice3A_1136, %slice3A_1137, %slice3A_1138, %slice3A_1139, %slice3A_1140, %broadcast_in_dim3A_0 in 0 : vector<3x256xbf16>, vector<3x256xbf16>, vector<3x256xbf16>, vector<3x256xbf16>, vector<3x256xbf16>, vector<3x256xbf16>, vector<3x256xbf16>, vector<3x256xbf16>, vector<3x256xbf16>, vector<3x256xbf16>, vector<2x256xbf16> -> vector<32x256xbf16>
      %get3A_1142 = arith.constant 0 : index
      %get3A_1143 = arith.constant 0 : index
      %get3A_1144 = vector.load %arg2[%get3A_1142, %get3A_1143] : memref<32x256xbf16, #tpu.memory_space<vmem>>, vector<32x256xbf16>
      %dot_general3A_1145 = arith.constant dense<0.000000e+00> : vector<256x256xf32>
      %dot_general3A_1146 = tpu.matmul %concatenate3A_1141, %get3A_1144, %dot_general3A_1145 {dimension_numbers = #tpu.dot_dimension_numbers<[0], [0], [1], [1], [0, 1, 1, 1], [], []>, transpose_lhs_hint = false} : vector<32x256xbf16>, vector<32x256xbf16>, vector<256x256xf32> -> vector<256x256xf32>
      %max3A_1147 = arith.constant 0.000000e+00 : f32
      %max3A_1148 = vector.broadcast %max3A_1147 : f32 to vector<256x256xf32>
      %max3A_1149 = arith.maximumf %dot_general3A_1146, %max3A_1148 : vector<256x256xf32>
      %reshape3A_1150 = vector.shape_cast %max3A_1149 : vector<256x256xf32> to vector<32x8x256xf32>
      %reduce_sum3A_1151 = arith.constant dense<0.000000e+00> : vector<8x256xf32>
      %reduce_sum3A_1152 = vector.multi_reduction <add>, %reshape3A_1150, %reduce_sum3A_1151 [0] : vector<32x8x256xf32> to vector<8x256xf32>
      %add3A_1153 = arith.addf %add3A_1130, %reduce_sum3A_1152 : vector<8x256xf32>
      %slice3A_1154 = vector.extract_strided_slice %get3A_24 {offsets = [47, 0], sizes = [3, 256], strides = [1, 1]} : vector<64x256xbf16> to vector<3x256xbf16>
      %slice3A_1155 = vector.extract_strided_slice %get3A_30 {offsets = [47, 0], sizes = [3, 256], strides = [1, 1]} : vector<64x256xbf16> to vector<3x256xbf16>
      %slice3A_1156 = vector.extract_strided_slice %get3A_36 {offsets = [47, 0], sizes = [3, 256], strides = [1, 1]} : vector<64x256xbf16> to vector<3x256xbf16>
      %slice3A_1157 = vector.extract_strided_slice %get3A_42 {offsets = [47, 0], sizes = [3, 256], strides = [1, 1]} : vector<64x256xbf16> to vector<3x256xbf16>
      %slice3A_1158 = vector.extract_strided_slice %get3A_48 {offsets = [47, 0], sizes = [3, 256], strides = [1, 1]} : vector<64x256xbf16> to vector<3x256xbf16>
      %slice3A_1159 = vector.extract_strided_slice %get3A_54 {offsets = [47, 0], sizes = [3, 256], strides = [1, 1]} : vector<64x256xbf16> to vector<3x256xbf16>
      %slice3A_1160 = vector.extract_strided_slice %get3A_60 {offsets = [47, 0], sizes = [3, 256], strides = [1, 1]} : vector<64x256xbf16> to vector<3x256xbf16>
      %slice3A_1161 = vector.extract_strided_slice %get3A_66 {offsets = [47, 0], sizes = [3, 256], strides = [1, 1]} : vector<64x256xbf16> to vector<3x256xbf16>
      %slice3A_1162 = vector.extract_strided_slice %get3A_72 {offsets = [47, 0], sizes = [3, 256], strides = [1, 1]} : vector<64x256xbf16> to vector<3x256xbf16>
      %slice3A_1163 = vector.extract_strided_slice %get3A_78 {offsets = [47, 0], sizes = [3, 256], strides = [1, 1]} : vector<64x256xbf16> to vector<3x256xbf16>
      %concatenate3A_1164 = tpu.concatenate %slice3A_1154, %slice3A_1155, %slice3A_1156, %slice3A_1157, %slice3A_1158, %slice3A_1159, %slice3A_1160, %slice3A_1161, %slice3A_1162, %slice3A_1163, %broadcast_in_dim3A_0 in 0 : vector<3x256xbf16>, vector<3x256xbf16>, vector<3x256xbf16>, vector<3x256xbf16>, vector<3x256xbf16>, vector<3x256xbf16>, vector<3x256xbf16>, vector<3x256xbf16>, vector<3x256xbf16>, vector<3x256xbf16>, vector<2x256xbf16> -> vector<32x256xbf16>
      %get3A_1165 = arith.constant 0 : index
      %get3A_1166 = arith.constant 0 : index
      %get3A_1167 = vector.load %arg2[%get3A_1165, %get3A_1166] : memref<32x256xbf16, #tpu.memory_space<vmem>>, vector<32x256xbf16>
      %dot_general3A_1168 = arith.constant dense<0.000000e+00> : vector<256x256xf32>
      %dot_general3A_1169 = tpu.matmul %concatenate3A_1164, %get3A_1167, %dot_general3A_1168 {dimension_numbers = #tpu.dot_dimension_numbers<[0], [0], [1], [1], [0, 1, 1, 1], [], []>, transpose_lhs_hint = false} : vector<32x256xbf16>, vector<32x256xbf16>, vector<256x256xf32> -> vector<256x256xf32>
      %max3A_1170 = arith.constant 0.000000e+00 : f32
      %max3A_1171 = vector.broadcast %max3A_1170 : f32 to vector<256x256xf32>
      %max3A_1172 = arith.maximumf %dot_general3A_1169, %max3A_1171 : vector<256x256xf32>
      %reshape3A_1173 = vector.shape_cast %max3A_1172 : vector<256x256xf32> to vector<32x8x256xf32>
      %reduce_sum3A_1174 = arith.constant dense<0.000000e+00> : vector<8x256xf32>
      %reduce_sum3A_1175 = vector.multi_reduction <add>, %reshape3A_1173, %reduce_sum3A_1174 [0] : vector<32x8x256xf32> to vector<8x256xf32>
      %add3A_1176 = arith.addf %add3A_1153, %reduce_sum3A_1175 : vector<8x256xf32>
      %slice3A_1177 = vector.extract_strided_slice %get3A_24 {offsets = [48, 0], sizes = [3, 256], strides = [1, 1]} : vector<64x256xbf16> to vector<3x256xbf16>
      %slice3A_1178 = vector.extract_strided_slice %get3A_30 {offsets = [48, 0], sizes = [3, 256], strides = [1, 1]} : vector<64x256xbf16> to vector<3x256xbf16>
      %slice3A_1179 = vector.extract_strided_slice %get3A_36 {offsets = [48, 0], sizes = [3, 256], strides = [1, 1]} : vector<64x256xbf16> to vector<3x256xbf16>
      %slice3A_1180 = vector.extract_strided_slice %get3A_42 {offsets = [48, 0], sizes = [3, 256], strides = [1, 1]} : vector<64x256xbf16> to vector<3x256xbf16>
      %slice3A_1181 = vector.extract_strided_slice %get3A_48 {offsets = [48, 0], sizes = [3, 256], strides = [1, 1]} : vector<64x256xbf16> to vector<3x256xbf16>
      %slice3A_1182 = vector.extract_strided_slice %get3A_54 {offsets = [48, 0], sizes = [3, 256], strides = [1, 1]} : vector<64x256xbf16> to vector<3x256xbf16>
      %slice3A_1183 = vector.extract_strided_slice %get3A_60 {offsets = [48, 0], sizes = [3, 256], strides = [1, 1]} : vector<64x256xbf16> to vector<3x256xbf16>
      %slice3A_1184 = vector.extract_strided_slice %get3A_66 {offsets = [48, 0], sizes = [3, 256], strides = [1, 1]} : vector<64x256xbf16> to vector<3x256xbf16>
      %slice3A_1185 = vector.extract_strided_slice %get3A_72 {offsets = [48, 0], sizes = [3, 256], strides = [1, 1]} : vector<64x256xbf16> to vector<3x256xbf16>
      %slice3A_1186 = vector.extract_strided_slice %get3A_78 {offsets = [48, 0], sizes = [3, 256], strides = [1, 1]} : vector<64x256xbf16> to vector<3x256xbf16>
      %concatenate3A_1187 = tpu.concatenate %slice3A_1177, %slice3A_1178, %slice3A_1179, %slice3A_1180, %slice3A_1181, %slice3A_1182, %slice3A_1183, %slice3A_1184, %slice3A_1185, %slice3A_1186, %broadcast_in_dim3A_0 in 0 : vector<3x256xbf16>, vector<3x256xbf16>, vector<3x256xbf16>, vector<3x256xbf16>, vector<3x256xbf16>, vector<3x256xbf16>, vector<3x256xbf16>, vector<3x256xbf16>, vector<3x256xbf16>, vector<3x256xbf16>, vector<2x256xbf16> -> vector<32x256xbf16>
      %get3A_1188 = arith.constant 0 : index
      %get3A_1189 = arith.constant 0 : index
      %get3A_1190 = vector.load %arg2[%get3A_1188, %get3A_1189] : memref<32x256xbf16, #tpu.memory_space<vmem>>, vector<32x256xbf16>
      %dot_general3A_1191 = arith.constant dense<0.000000e+00> : vector<256x256xf32>
      %dot_general3A_1192 = tpu.matmul %concatenate3A_1187, %get3A_1190, %dot_general3A_1191 {dimension_numbers = #tpu.dot_dimension_numbers<[0], [0], [1], [1], [0, 1, 1, 1], [], []>, transpose_lhs_hint = false} : vector<32x256xbf16>, vector<32x256xbf16>, vector<256x256xf32> -> vector<256x256xf32>
      %max3A_1193 = arith.constant 0.000000e+00 : f32
      %max3A_1194 = vector.broadcast %max3A_1193 : f32 to vector<256x256xf32>
      %max3A_1195 = arith.maximumf %dot_general3A_1192, %max3A_1194 : vector<256x256xf32>
      %reshape3A_1196 = vector.shape_cast %max3A_1195 : vector<256x256xf32> to vector<32x8x256xf32>
      %reduce_sum3A_1197 = arith.constant dense<0.000000e+00> : vector<8x256xf32>
      %reduce_sum3A_1198 = vector.multi_reduction <add>, %reshape3A_1196, %reduce_sum3A_1197 [0] : vector<32x8x256xf32> to vector<8x256xf32>
      %add3A_1199 = arith.addf %add3A_1176, %reduce_sum3A_1198 : vector<8x256xf32>
      %slice3A_1200 = vector.extract_strided_slice %get3A_24 {offsets = [49, 0], sizes = [3, 256], strides = [1, 1]} : vector<64x256xbf16> to vector<3x256xbf16>
      %slice3A_1201 = vector.extract_strided_slice %get3A_30 {offsets = [49, 0], sizes = [3, 256], strides = [1, 1]} : vector<64x256xbf16> to vector<3x256xbf16>
      %slice3A_1202 = vector.extract_strided_slice %get3A_36 {offsets = [49, 0], sizes = [3, 256], strides = [1, 1]} : vector<64x256xbf16> to vector<3x256xbf16>
      %slice3A_1203 = vector.extract_strided_slice %get3A_42 {offsets = [49, 0], sizes = [3, 256], strides = [1, 1]} : vector<64x256xbf16> to vector<3x256xbf16>
      %slice3A_1204 = vector.extract_strided_slice %get3A_48 {offsets = [49, 0], sizes = [3, 256], strides = [1, 1]} : vector<64x256xbf16> to vector<3x256xbf16>
      %slice3A_1205 = vector.extract_strided_slice %get3A_54 {offsets = [49, 0], sizes = [3, 256], strides = [1, 1]} : vector<64x256xbf16> to vector<3x256xbf16>
      %slice3A_1206 = vector.extract_strided_slice %get3A_60 {offsets = [49, 0], sizes = [3, 256], strides = [1, 1]} : vector<64x256xbf16> to vector<3x256xbf16>
      %slice3A_1207 = vector.extract_strided_slice %get3A_66 {offsets = [49, 0], sizes = [3, 256], strides = [1, 1]} : vector<64x256xbf16> to vector<3x256xbf16>
      %slice3A_1208 = vector.extract_strided_slice %get3A_72 {offsets = [49, 0], sizes = [3, 256], strides = [1, 1]} : vector<64x256xbf16> to vector<3x256xbf16>
      %slice3A_1209 = vector.extract_strided_slice %get3A_78 {offsets = [49, 0], sizes = [3, 256], strides = [1, 1]} : vector<64x256xbf16> to vector<3x256xbf16>
      %concatenate3A_1210 = tpu.concatenate %slice3A_1200, %slice3A_1201, %slice3A_1202, %slice3A_1203, %slice3A_1204, %slice3A_1205, %slice3A_1206, %slice3A_1207, %slice3A_1208, %slice3A_1209, %broadcast_in_dim3A_0 in 0 : vector<3x256xbf16>, vector<3x256xbf16>, vector<3x256xbf16>, vector<3x256xbf16>, vector<3x256xbf16>, vector<3x256xbf16>, vector<3x256xbf16>, vector<3x256xbf16>, vector<3x256xbf16>, vector<3x256xbf16>, vector<2x256xbf16> -> vector<32x256xbf16>
      %get3A_1211 = arith.constant 0 : index
      %get3A_1212 = arith.constant 0 : index
      %get3A_1213 = vector.load %arg2[%get3A_1211, %get3A_1212] : memref<32x256xbf16, #tpu.memory_space<vmem>>, vector<32x256xbf16>
      %dot_general3A_1214 = arith.constant dense<0.000000e+00> : vector<256x256xf32>
      %dot_general3A_1215 = tpu.matmul %concatenate3A_1210, %get3A_1213, %dot_general3A_1214 {dimension_numbers = #tpu.dot_dimension_numbers<[0], [0], [1], [1], [0, 1, 1, 1], [], []>, transpose_lhs_hint = false} : vector<32x256xbf16>, vector<32x256xbf16>, vector<256x256xf32> -> vector<256x256xf32>
      %max3A_1216 = arith.constant 0.000000e+00 : f32
      %max3A_1217 = vector.broadcast %max3A_1216 : f32 to vector<256x256xf32>
      %max3A_1218 = arith.maximumf %dot_general3A_1215, %max3A_1217 : vector<256x256xf32>
      %reshape3A_1219 = vector.shape_cast %max3A_1218 : vector<256x256xf32> to vector<32x8x256xf32>
      %reduce_sum3A_1220 = arith.constant dense<0.000000e+00> : vector<8x256xf32>
      %reduce_sum3A_1221 = vector.multi_reduction <add>, %reshape3A_1219, %reduce_sum3A_1220 [0] : vector<32x8x256xf32> to vector<8x256xf32>
      %add3A_1222 = arith.addf %add3A_1199, %reduce_sum3A_1221 : vector<8x256xf32>
      %slice3A_1223 = vector.extract_strided_slice %get3A_24 {offsets = [50, 0], sizes = [3, 256], strides = [1, 1]} : vector<64x256xbf16> to vector<3x256xbf16>
      %slice3A_1224 = vector.extract_strided_slice %get3A_30 {offsets = [50, 0], sizes = [3, 256], strides = [1, 1]} : vector<64x256xbf16> to vector<3x256xbf16>
      %slice3A_1225 = vector.extract_strided_slice %get3A_36 {offsets = [50, 0], sizes = [3, 256], strides = [1, 1]} : vector<64x256xbf16> to vector<3x256xbf16>
      %slice3A_1226 = vector.extract_strided_slice %get3A_42 {offsets = [50, 0], sizes = [3, 256], strides = [1, 1]} : vector<64x256xbf16> to vector<3x256xbf16>
      %slice3A_1227 = vector.extract_strided_slice %get3A_48 {offsets = [50, 0], sizes = [3, 256], strides = [1, 1]} : vector<64x256xbf16> to vector<3x256xbf16>
      %slice3A_1228 = vector.extract_strided_slice %get3A_54 {offsets = [50, 0], sizes = [3, 256], strides = [1, 1]} : vector<64x256xbf16> to vector<3x256xbf16>
      %slice3A_1229 = vector.extract_strided_slice %get3A_60 {offsets = [50, 0], sizes = [3, 256], strides = [1, 1]} : vector<64x256xbf16> to vector<3x256xbf16>
      %slice3A_1230 = vector.extract_strided_slice %get3A_66 {offsets = [50, 0], sizes = [3, 256], strides = [1, 1]} : vector<64x256xbf16> to vector<3x256xbf16>
      %slice3A_1231 = vector.extract_strided_slice %get3A_72 {offsets = [50, 0], sizes = [3, 256], strides = [1, 1]} : vector<64x256xbf16> to vector<3x256xbf16>
      %slice3A_1232 = vector.extract_strided_slice %get3A_78 {offsets = [50, 0], sizes = [3, 256], strides = [1, 1]} : vector<64x256xbf16> to vector<3x256xbf16>
      %concatenate3A_1233 = tpu.concatenate %slice3A_1223, %slice3A_1224, %slice3A_1225, %slice3A_1226, %slice3A_1227, %slice3A_1228, %slice3A_1229, %slice3A_1230, %slice3A_1231, %slice3A_1232, %broadcast_in_dim3A_0 in 0 : vector<3x256xbf16>, vector<3x256xbf16>, vector<3x256xbf16>, vector<3x256xbf16>, vector<3x256xbf16>, vector<3x256xbf16>, vector<3x256xbf16>, vector<3x256xbf16>, vector<3x256xbf16>, vector<3x256xbf16>, vector<2x256xbf16> -> vector<32x256xbf16>
      %get3A_1234 = arith.constant 0 : index
      %get3A_1235 = arith.constant 0 : index
      %get3A_1236 = vector.load %arg2[%get3A_1234, %get3A_1235] : memref<32x256xbf16, #tpu.memory_space<vmem>>, vector<32x256xbf16>
      %dot_general3A_1237 = arith.constant dense<0.000000e+00> : vector<256x256xf32>
      %dot_general3A_1238 = tpu.matmul %concatenate3A_1233, %get3A_1236, %dot_general3A_1237 {dimension_numbers = #tpu.dot_dimension_numbers<[0], [0], [1], [1], [0, 1, 1, 1], [], []>, transpose_lhs_hint = false} : vector<32x256xbf16>, vector<32x256xbf16>, vector<256x256xf32> -> vector<256x256xf32>
      %max3A_1239 = arith.constant 0.000000e+00 : f32
      %max3A_1240 = vector.broadcast %max3A_1239 : f32 to vector<256x256xf32>
      %max3A_1241 = arith.maximumf %dot_general3A_1238, %max3A_1240 : vector<256x256xf32>
      %reshape3A_1242 = vector.shape_cast %max3A_1241 : vector<256x256xf32> to vector<32x8x256xf32>
      %reduce_sum3A_1243 = arith.constant dense<0.000000e+00> : vector<8x256xf32>
      %reduce_sum3A_1244 = vector.multi_reduction <add>, %reshape3A_1242, %reduce_sum3A_1243 [0] : vector<32x8x256xf32> to vector<8x256xf32>
      %add3A_1245 = arith.addf %add3A_1222, %reduce_sum3A_1244 : vector<8x256xf32>
      %slice3A_1246 = vector.extract_strided_slice %get3A_24 {offsets = [51, 0], sizes = [3, 256], strides = [1, 1]} : vector<64x256xbf16> to vector<3x256xbf16>
      %slice3A_1247 = vector.extract_strided_slice %get3A_30 {offsets = [51, 0], sizes = [3, 256], strides = [1, 1]} : vector<64x256xbf16> to vector<3x256xbf16>
      %slice3A_1248 = vector.extract_strided_slice %get3A_36 {offsets = [51, 0], sizes = [3, 256], strides = [1, 1]} : vector<64x256xbf16> to vector<3x256xbf16>
      %slice3A_1249 = vector.extract_strided_slice %get3A_42 {offsets = [51, 0], sizes = [3, 256], strides = [1, 1]} : vector<64x256xbf16> to vector<3x256xbf16>
      %slice3A_1250 = vector.extract_strided_slice %get3A_48 {offsets = [51, 0], sizes = [3, 256], strides = [1, 1]} : vector<64x256xbf16> to vector<3x256xbf16>
      %slice3A_1251 = vector.extract_strided_slice %get3A_54 {offsets = [51, 0], sizes = [3, 256], strides = [1, 1]} : vector<64x256xbf16> to vector<3x256xbf16>
      %slice3A_1252 = vector.extract_strided_slice %get3A_60 {offsets = [51, 0], sizes = [3, 256], strides = [1, 1]} : vector<64x256xbf16> to vector<3x256xbf16>
      %slice3A_1253 = vector.extract_strided_slice %get3A_66 {offsets = [51, 0], sizes = [3, 256], strides = [1, 1]} : vector<64x256xbf16> to vector<3x256xbf16>
      %slice3A_1254 = vector.extract_strided_slice %get3A_72 {offsets = [51, 0], sizes = [3, 256], strides = [1, 1]} : vector<64x256xbf16> to vector<3x256xbf16>
      %slice3A_1255 = vector.extract_strided_slice %get3A_78 {offsets = [51, 0], sizes = [3, 256], strides = [1, 1]} : vector<64x256xbf16> to vector<3x256xbf16>
      %concatenate3A_1256 = tpu.concatenate %slice3A_1246, %slice3A_1247, %slice3A_1248, %slice3A_1249, %slice3A_1250, %slice3A_1251, %slice3A_1252, %slice3A_1253, %slice3A_1254, %slice3A_1255, %broadcast_in_dim3A_0 in 0 : vector<3x256xbf16>, vector<3x256xbf16>, vector<3x256xbf16>, vector<3x256xbf16>, vector<3x256xbf16>, vector<3x256xbf16>, vector<3x256xbf16>, vector<3x256xbf16>, vector<3x256xbf16>, vector<3x256xbf16>, vector<2x256xbf16> -> vector<32x256xbf16>
      %get3A_1257 = arith.constant 0 : index
      %get3A_1258 = arith.constant 0 : index
      %get3A_1259 = vector.load %arg2[%get3A_1257, %get3A_1258] : memref<32x256xbf16, #tpu.memory_space<vmem>>, vector<32x256xbf16>
      %dot_general3A_1260 = arith.constant dense<0.000000e+00> : vector<256x256xf32>
      %dot_general3A_1261 = tpu.matmul %concatenate3A_1256, %get3A_1259, %dot_general3A_1260 {dimension_numbers = #tpu.dot_dimension_numbers<[0], [0], [1], [1], [0, 1, 1, 1], [], []>, transpose_lhs_hint = false} : vector<32x256xbf16>, vector<32x256xbf16>, vector<256x256xf32> -> vector<256x256xf32>
      %max3A_1262 = arith.constant 0.000000e+00 : f32
      %max3A_1263 = vector.broadcast %max3A_1262 : f32 to vector<256x256xf32>
      %max3A_1264 = arith.maximumf %dot_general3A_1261, %max3A_1263 : vector<256x256xf32>
      %reshape3A_1265 = vector.shape_cast %max3A_1264 : vector<256x256xf32> to vector<32x8x256xf32>
      %reduce_sum3A_1266 = arith.constant dense<0.000000e+00> : vector<8x256xf32>
      %reduce_sum3A_1267 = vector.multi_reduction <add>, %reshape3A_1265, %reduce_sum3A_1266 [0] : vector<32x8x256xf32> to vector<8x256xf32>
      %add3A_1268 = arith.addf %add3A_1245, %reduce_sum3A_1267 : vector<8x256xf32>
      %slice3A_1269 = vector.extract_strided_slice %get3A_24 {offsets = [52, 0], sizes = [3, 256], strides = [1, 1]} : vector<64x256xbf16> to vector<3x256xbf16>
      %slice3A_1270 = vector.extract_strided_slice %get3A_30 {offsets = [52, 0], sizes = [3, 256], strides = [1, 1]} : vector<64x256xbf16> to vector<3x256xbf16>
      %slice3A_1271 = vector.extract_strided_slice %get3A_36 {offsets = [52, 0], sizes = [3, 256], strides = [1, 1]} : vector<64x256xbf16> to vector<3x256xbf16>
      %slice3A_1272 = vector.extract_strided_slice %get3A_42 {offsets = [52, 0], sizes = [3, 256], strides = [1, 1]} : vector<64x256xbf16> to vector<3x256xbf16>
      %slice3A_1273 = vector.extract_strided_slice %get3A_48 {offsets = [52, 0], sizes = [3, 256], strides = [1, 1]} : vector<64x256xbf16> to vector<3x256xbf16>
      %slice3A_1274 = vector.extract_strided_slice %get3A_54 {offsets = [52, 0], sizes = [3, 256], strides = [1, 1]} : vector<64x256xbf16> to vector<3x256xbf16>
      %slice3A_1275 = vector.extract_strided_slice %get3A_60 {offsets = [52, 0], sizes = [3, 256], strides = [1, 1]} : vector<64x256xbf16> to vector<3x256xbf16>
      %slice3A_1276 = vector.extract_strided_slice %get3A_66 {offsets = [52, 0], sizes = [3, 256], strides = [1, 1]} : vector<64x256xbf16> to vector<3x256xbf16>
      %slice3A_1277 = vector.extract_strided_slice %get3A_72 {offsets = [52, 0], sizes = [3, 256], strides = [1, 1]} : vector<64x256xbf16> to vector<3x256xbf16>
      %slice3A_1278 = vector.extract_strided_slice %get3A_78 {offsets = [52, 0], sizes = [3, 256], strides = [1, 1]} : vector<64x256xbf16> to vector<3x256xbf16>
      %concatenate3A_1279 = tpu.concatenate %slice3A_1269, %slice3A_1270, %slice3A_1271, %slice3A_1272, %slice3A_1273, %slice3A_1274, %slice3A_1275, %slice3A_1276, %slice3A_1277, %slice3A_1278, %broadcast_in_dim3A_0 in 0 : vector<3x256xbf16>, vector<3x256xbf16>, vector<3x256xbf16>, vector<3x256xbf16>, vector<3x256xbf16>, vector<3x256xbf16>, vector<3x256xbf16>, vector<3x256xbf16>, vector<3x256xbf16>, vector<3x256xbf16>, vector<2x256xbf16> -> vector<32x256xbf16>
      %get3A_1280 = arith.constant 0 : index
      %get3A_1281 = arith.constant 0 : index
      %get3A_1282 = vector.load %arg2[%get3A_1280, %get3A_1281] : memref<32x256xbf16, #tpu.memory_space<vmem>>, vector<32x256xbf16>
      %dot_general3A_1283 = arith.constant dense<0.000000e+00> : vector<256x256xf32>
      %dot_general3A_1284 = tpu.matmul %concatenate3A_1279, %get3A_1282, %dot_general3A_1283 {dimension_numbers = #tpu.dot_dimension_numbers<[0], [0], [1], [1], [0, 1, 1, 1], [], []>, transpose_lhs_hint = false} : vector<32x256xbf16>, vector<32x256xbf16>, vector<256x256xf32> -> vector<256x256xf32>
      %max3A_1285 = arith.constant 0.000000e+00 : f32
      %max3A_1286 = vector.broadcast %max3A_1285 : f32 to vector<256x256xf32>
      %max3A_1287 = arith.maximumf %dot_general3A_1284, %max3A_1286 : vector<256x256xf32>
      %reshape3A_1288 = vector.shape_cast %max3A_1287 : vector<256x256xf32> to vector<32x8x256xf32>
      %reduce_sum3A_1289 = arith.constant dense<0.000000e+00> : vector<8x256xf32>
      %reduce_sum3A_1290 = vector.multi_reduction <add>, %reshape3A_1288, %reduce_sum3A_1289 [0] : vector<32x8x256xf32> to vector<8x256xf32>
      %add3A_1291 = arith.addf %add3A_1268, %reduce_sum3A_1290 : vector<8x256xf32>
      %slice3A_1292 = vector.extract_strided_slice %get3A_24 {offsets = [53, 0], sizes = [3, 256], strides = [1, 1]} : vector<64x256xbf16> to vector<3x256xbf16>
      %slice3A_1293 = vector.extract_strided_slice %get3A_30 {offsets = [53, 0], sizes = [3, 256], strides = [1, 1]} : vector<64x256xbf16> to vector<3x256xbf16>
      %slice3A_1294 = vector.extract_strided_slice %get3A_36 {offsets = [53, 0], sizes = [3, 256], strides = [1, 1]} : vector<64x256xbf16> to vector<3x256xbf16>
      %slice3A_1295 = vector.extract_strided_slice %get3A_42 {offsets = [53, 0], sizes = [3, 256], strides = [1, 1]} : vector<64x256xbf16> to vector<3x256xbf16>
      %slice3A_1296 = vector.extract_strided_slice %get3A_48 {offsets = [53, 0], sizes = [3, 256], strides = [1, 1]} : vector<64x256xbf16> to vector<3x256xbf16>
      %slice3A_1297 = vector.extract_strided_slice %get3A_54 {offsets = [53, 0], sizes = [3, 256], strides = [1, 1]} : vector<64x256xbf16> to vector<3x256xbf16>
      %slice3A_1298 = vector.extract_strided_slice %get3A_60 {offsets = [53, 0], sizes = [3, 256], strides = [1, 1]} : vector<64x256xbf16> to vector<3x256xbf16>
      %slice3A_1299 = vector.extract_strided_slice %get3A_66 {offsets = [53, 0], sizes = [3, 256], strides = [1, 1]} : vector<64x256xbf16> to vector<3x256xbf16>
      %slice3A_1300 = vector.extract_strided_slice %get3A_72 {offsets = [53, 0], sizes = [3, 256], strides = [1, 1]} : vector<64x256xbf16> to vector<3x256xbf16>
      %slice3A_1301 = vector.extract_strided_slice %get3A_78 {offsets = [53, 0], sizes = [3, 256], strides = [1, 1]} : vector<64x256xbf16> to vector<3x256xbf16>
      %concatenate3A_1302 = tpu.concatenate %slice3A_1292, %slice3A_1293, %slice3A_1294, %slice3A_1295, %slice3A_1296, %slice3A_1297, %slice3A_1298, %slice3A_1299, %slice3A_1300, %slice3A_1301, %broadcast_in_dim3A_0 in 0 : vector<3x256xbf16>, vector<3x256xbf16>, vector<3x256xbf16>, vector<3x256xbf16>, vector<3x256xbf16>, vector<3x256xbf16>, vector<3x256xbf16>, vector<3x256xbf16>, vector<3x256xbf16>, vector<3x256xbf16>, vector<2x256xbf16> -> vector<32x256xbf16>
      %get3A_1303 = arith.constant 0 : index
      %get3A_1304 = arith.constant 0 : index
      %get3A_1305 = vector.load %arg2[%get3A_1303, %get3A_1304] : memref<32x256xbf16, #tpu.memory_space<vmem>>, vector<32x256xbf16>
      %dot_general3A_1306 = arith.constant dense<0.000000e+00> : vector<256x256xf32>
      %dot_general3A_1307 = tpu.matmul %concatenate3A_1302, %get3A_1305, %dot_general3A_1306 {dimension_numbers = #tpu.dot_dimension_numbers<[0], [0], [1], [1], [0, 1, 1, 1], [], []>, transpose_lhs_hint = false} : vector<32x256xbf16>, vector<32x256xbf16>, vector<256x256xf32> -> vector<256x256xf32>
      %max3A_1308 = arith.constant 0.000000e+00 : f32
      %max3A_1309 = vector.broadcast %max3A_1308 : f32 to vector<256x256xf32>
      %max3A_1310 = arith.maximumf %dot_general3A_1307, %max3A_1309 : vector<256x256xf32>
      %reshape3A_1311 = vector.shape_cast %max3A_1310 : vector<256x256xf32> to vector<32x8x256xf32>
      %reduce_sum3A_1312 = arith.constant dense<0.000000e+00> : vector<8x256xf32>
      %reduce_sum3A_1313 = vector.multi_reduction <add>, %reshape3A_1311, %reduce_sum3A_1312 [0] : vector<32x8x256xf32> to vector<8x256xf32>
      %add3A_1314 = arith.addf %add3A_1291, %reduce_sum3A_1313 : vector<8x256xf32>
      %slice3A_1315 = vector.extract_strided_slice %get3A_24 {offsets = [54, 0], sizes = [3, 256], strides = [1, 1]} : vector<64x256xbf16> to vector<3x256xbf16>
      %slice3A_1316 = vector.extract_strided_slice %get3A_30 {offsets = [54, 0], sizes = [3, 256], strides = [1, 1]} : vector<64x256xbf16> to vector<3x256xbf16>
      %slice3A_1317 = vector.extract_strided_slice %get3A_36 {offsets = [54, 0], sizes = [3, 256], strides = [1, 1]} : vector<64x256xbf16> to vector<3x256xbf16>
      %slice3A_1318 = vector.extract_strided_slice %get3A_42 {offsets = [54, 0], sizes = [3, 256], strides = [1, 1]} : vector<64x256xbf16> to vector<3x256xbf16>
      %slice3A_1319 = vector.extract_strided_slice %get3A_48 {offsets = [54, 0], sizes = [3, 256], strides = [1, 1]} : vector<64x256xbf16> to vector<3x256xbf16>
      %slice3A_1320 = vector.extract_strided_slice %get3A_54 {offsets = [54, 0], sizes = [3, 256], strides = [1, 1]} : vector<64x256xbf16> to vector<3x256xbf16>
      %slice3A_1321 = vector.extract_strided_slice %get3A_60 {offsets = [54, 0], sizes = [3, 256], strides = [1, 1]} : vector<64x256xbf16> to vector<3x256xbf16>
      %slice3A_1322 = vector.extract_strided_slice %get3A_66 {offsets = [54, 0], sizes = [3, 256], strides = [1, 1]} : vector<64x256xbf16> to vector<3x256xbf16>
      %slice3A_1323 = vector.extract_strided_slice %get3A_72 {offsets = [54, 0], sizes = [3, 256], strides = [1, 1]} : vector<64x256xbf16> to vector<3x256xbf16>
      %slice3A_1324 = vector.extract_strided_slice %get3A_78 {offsets = [54, 0], sizes = [3, 256], strides = [1, 1]} : vector<64x256xbf16> to vector<3x256xbf16>
      %concatenate3A_1325 = tpu.concatenate %slice3A_1315, %slice3A_1316, %slice3A_1317, %slice3A_1318, %slice3A_1319, %slice3A_1320, %slice3A_1321, %slice3A_1322, %slice3A_1323, %slice3A_1324, %broadcast_in_dim3A_0 in 0 : vector<3x256xbf16>, vector<3x256xbf16>, vector<3x256xbf16>, vector<3x256xbf16>, vector<3x256xbf16>, vector<3x256xbf16>, vector<3x256xbf16>, vector<3x256xbf16>, vector<3x256xbf16>, vector<3x256xbf16>, vector<2x256xbf16> -> vector<32x256xbf16>
      %get3A_1326 = arith.constant 0 : index
      %get3A_1327 = arith.constant 0 : index
      %get3A_1328 = vector.load %arg2[%get3A_1326, %get3A_1327] : memref<32x256xbf16, #tpu.memory_space<vmem>>, vector<32x256xbf16>
      %dot_general3A_1329 = arith.constant dense<0.000000e+00> : vector<256x256xf32>
      %dot_general3A_1330 = tpu.matmul %concatenate3A_1325, %get3A_1328, %dot_general3A_1329 {dimension_numbers = #tpu.dot_dimension_numbers<[0], [0], [1], [1], [0, 1, 1, 1], [], []>, transpose_lhs_hint = false} : vector<32x256xbf16>, vector<32x256xbf16>, vector<256x256xf32> -> vector<256x256xf32>
      %max3A_1331 = arith.constant 0.000000e+00 : f32
      %max3A_1332 = vector.broadcast %max3A_1331 : f32 to vector<256x256xf32>
      %max3A_1333 = arith.maximumf %dot_general3A_1330, %max3A_1332 : vector<256x256xf32>
      %reshape3A_1334 = vector.shape_cast %max3A_1333 : vector<256x256xf32> to vector<32x8x256xf32>
      %reduce_sum3A_1335 = arith.constant dense<0.000000e+00> : vector<8x256xf32>
      %reduce_sum3A_1336 = vector.multi_reduction <add>, %reshape3A_1334, %reduce_sum3A_1335 [0] : vector<32x8x256xf32> to vector<8x256xf32>
      %add3A_1337 = arith.addf %add3A_1314, %reduce_sum3A_1336 : vector<8x256xf32>
      %slice3A_1338 = vector.extract_strided_slice %get3A_24 {offsets = [55, 0], sizes = [3, 256], strides = [1, 1]} : vector<64x256xbf16> to vector<3x256xbf16>
      %slice3A_1339 = vector.extract_strided_slice %get3A_30 {offsets = [55, 0], sizes = [3, 256], strides = [1, 1]} : vector<64x256xbf16> to vector<3x256xbf16>
      %slice3A_1340 = vector.extract_strided_slice %get3A_36 {offsets = [55, 0], sizes = [3, 256], strides = [1, 1]} : vector<64x256xbf16> to vector<3x256xbf16>
      %slice3A_1341 = vector.extract_strided_slice %get3A_42 {offsets = [55, 0], sizes = [3, 256], strides = [1, 1]} : vector<64x256xbf16> to vector<3x256xbf16>
      %slice3A_1342 = vector.extract_strided_slice %get3A_48 {offsets = [55, 0], sizes = [3, 256], strides = [1, 1]} : vector<64x256xbf16> to vector<3x256xbf16>
      %slice3A_1343 = vector.extract_strided_slice %get3A_54 {offsets = [55, 0], sizes = [3, 256], strides = [1, 1]} : vector<64x256xbf16> to vector<3x256xbf16>
      %slice3A_1344 = vector.extract_strided_slice %get3A_60 {offsets = [55, 0], sizes = [3, 256], strides = [1, 1]} : vector<64x256xbf16> to vector<3x256xbf16>
      %slice3A_1345 = vector.extract_strided_slice %get3A_66 {offsets = [55, 0], sizes = [3, 256], strides = [1, 1]} : vector<64x256xbf16> to vector<3x256xbf16>
      %slice3A_1346 = vector.extract_strided_slice %get3A_72 {offsets = [55, 0], sizes = [3, 256], strides = [1, 1]} : vector<64x256xbf16> to vector<3x256xbf16>
      %slice3A_1347 = vector.extract_strided_slice %get3A_78 {offsets = [55, 0], sizes = [3, 256], strides = [1, 1]} : vector<64x256xbf16> to vector<3x256xbf16>
      %concatenate3A_1348 = tpu.concatenate %slice3A_1338, %slice3A_1339, %slice3A_1340, %slice3A_1341, %slice3A_1342, %slice3A_1343, %slice3A_1344, %slice3A_1345, %slice3A_1346, %slice3A_1347, %broadcast_in_dim3A_0 in 0 : vector<3x256xbf16>, vector<3x256xbf16>, vector<3x256xbf16>, vector<3x256xbf16>, vector<3x256xbf16>, vector<3x256xbf16>, vector<3x256xbf16>, vector<3x256xbf16>, vector<3x256xbf16>, vector<3x256xbf16>, vector<2x256xbf16> -> vector<32x256xbf16>
      %get3A_1349 = arith.constant 0 : index
      %get3A_1350 = arith.constant 0 : index
      %get3A_1351 = vector.load %arg2[%get3A_1349, %get3A_1350] : memref<32x256xbf16, #tpu.memory_space<vmem>>, vector<32x256xbf16>
      %dot_general3A_1352 = arith.constant dense<0.000000e+00> : vector<256x256xf32>
      %dot_general3A_1353 = tpu.matmul %concatenate3A_1348, %get3A_1351, %dot_general3A_1352 {dimension_numbers = #tpu.dot_dimension_numbers<[0], [0], [1], [1], [0, 1, 1, 1], [], []>, transpose_lhs_hint = false} : vector<32x256xbf16>, vector<32x256xbf16>, vector<256x256xf32> -> vector<256x256xf32>
      %max3A_1354 = arith.constant 0.000000e+00 : f32
      %max3A_1355 = vector.broadcast %max3A_1354 : f32 to vector<256x256xf32>
      %max3A_1356 = arith.maximumf %dot_general3A_1353, %max3A_1355 : vector<256x256xf32>
      %reshape3A_1357 = vector.shape_cast %max3A_1356 : vector<256x256xf32> to vector<32x8x256xf32>
      %reduce_sum3A_1358 = arith.constant dense<0.000000e+00> : vector<8x256xf32>
      %reduce_sum3A_1359 = vector.multi_reduction <add>, %reshape3A_1357, %reduce_sum3A_1358 [0] : vector<32x8x256xf32> to vector<8x256xf32>
      %add3A_1360 = arith.addf %add3A_1337, %reduce_sum3A_1359 : vector<8x256xf32>
      scf.yield %add3A_1360 : vector<8x256xf32>
    }
    %scan3A_7 = arith.constant 4 : i32
    %reduce_sum3A = arith.constant dense<0.000000e+00> : vector<256xf32>
    %reduce_sum3A_8 = vector.multi_reduction <add>, %scan3A_6, %reduce_sum3A [0] : vector<8x256xf32> to vector<256xf32>
    %mul3A = arith.constant 1.99298465E-5 : f32
    %mul3A_9 = vector.broadcast %mul3A : f32 to vector<256xf32>
    %mul3A_10 = arith.mulf %reduce_sum3A_8, %mul3A_9 : vector<256xf32>
    %swap3A = arith.constant 0 : index
    %swap3A_11 = arith.constant 0 : index
    %swap3A_12 = arith.constant 0 : index
    %swap3A_13 = vector.load %arg3[%swap3A, %swap3A_11, %swap3A_12] : memref<1x1x256xf32, #tpu.memory_space<vmem>>, vector<1x1x256xf32>
    %swap3A_14 = vector.shape_cast %swap3A_13 : vector<1x1x256xf32> to vector<256xf32>
    %swap3A_15 = vector.shape_cast %mul3A_10 : vector<256xf32> to vector<1x1x256xf32>
    tpu.vector_store %arg3[%swap3A, %swap3A_11, %swap3A_12], %swap3A_15 {strides = array<i32>} : memref<1x1x256xf32, #tpu.memory_space<vmem>>, vector<1x1x256xf32>,
    return
  }
  func.func @transform_0(%arg0: i32) -> (i32, i32, i32, i32) {
    %c0_i32 = arith.constant 0 : i32
    %c0_i32_0 = arith.constant 0 : i32
    %c0_i32_1 = arith.constant 0 : i32
    %c0_i32_2 = arith.constant 0 : i32
    return %arg0, %c0_i32, %c0_i32_0, %c0_i32_1 : i32, i32, i32, i32
  }
  func.func @transform_1(%arg0: i32) -> (i32, i32) {
    %c0_i32 = arith.constant 0 : i32
    %c0_i32_0 = arith.constant 0 : i32
    %c0_i32_1 = arith.constant 0 : i32
    return %c0_i32, %c0_i32_0 : i32, i32
  }
  func.func @transform_2(%arg0: i32) -> (i32, i32, i32) {
    %c0_i32 = arith.constant 0 : i32
    %c0_i32_0 = arith.constant 0 : i32
    %c0_i32_1 = arith.constant 0 : i32
    return %arg0, %c0_i32, %c0_i32_0 : i32, i32, i32
  }
}

module attributes {stable_mosaic.version = 14 : i64} {
  func.func @_gcn_layer1_body(%arg0: memref<128x16xf32, #tpu.memory_space<vmem>>, %arg1: memref<128x1xf32, #tpu.memory_space<vmem>>, %arg2: memref<16x512xf32, #tpu.memory_space<vmem>>, %arg3: memref<1x512xf32, #tpu.memory_space<vmem>>, %arg4: memref<128x512xf32, #tpu.memory_space<vmem>>) attributes {dimension_semantics = [], scalar_prefetch = 0 : i64, scratch_operands = 0 : i64, tpu.core_type = #tpu.core_type<tc>} {
    %get3A = arith.constant 0 : index
    %get3A_0 = arith.constant 0 : index
    %get3A_1 = vector.load %arg0[%get3A, %get3A_0] : memref<128x16xf32, #tpu.memory_space<vmem>>, vector<128x16xf32>
    %get3A_2 = arith.constant 0 : index
    %get3A_3 = arith.constant 0 : index
    %get3A_4 = vector.load %arg1[%get3A_2, %get3A_3] : memref<128x1xf32, #tpu.memory_space<vmem>>, vector<128x1xf32>
    %mul3A = vector.broadcast %get3A_4 : vector<128x1xf32> to vector<128x16xf32>
    %mul3A_5 = arith.mulf %get3A_1, %mul3A : vector<128x16xf32>
    %get3A_6 = arith.constant 0 : index
    %get3A_7 = arith.constant 0 : index
    %get3A_8 = vector.load %arg2[%get3A_6, %get3A_7] : memref<16x512xf32, #tpu.memory_space<vmem>>, vector<16x512xf32>
    %dot_general3A = arith.constant dense<0.000000e+00> : vector<128x512xf32>
    %dot_general3A_9 = tpu.matmul %mul3A_5, %get3A_8, %dot_general3A {dimension_numbers = #tpu.dot_dimension_numbers<[1], [0], [0], [1], [0, 0, 1, 1], [], []>, transpose_lhs_hint = false} : vector<128x16xf32>, vector<16x512xf32>, vector<128x512xf32> -> vector<128x512xf32>
    %get3A_10 = arith.constant 0 : index
    %get3A_11 = arith.constant 0 : index
    %get3A_12 = vector.load %arg3[%get3A_10, %get3A_11] : memref<1x512xf32, #tpu.memory_space<vmem>>, vector<1x512xf32>
    %add3A = vector.broadcast %get3A_12 : vector<1x512xf32> to vector<128x512xf32>
    %add3A_13 = arith.addf %dot_general3A_9, %add3A : vector<128x512xf32>
    %max3A = arith.constant 0.000000e+00 : f32
    %max3A_14 = vector.broadcast %max3A : f32 to vector<128x512xf32>
    %max3A_15 = arith.maximumf %add3A_13, %max3A_14 : vector<128x512xf32>
    %swap3A = arith.constant 0 : index
    %swap3A_16 = arith.constant 0 : index
    %swap3A_17 = vector.load %arg4[%swap3A, %swap3A_16] : memref<128x512xf32, #tpu.memory_space<vmem>>, vector<128x512xf32>
    tpu.vector_store %arg4[%swap3A, %swap3A_16], %max3A_15 {strides = array<i32>} : memref<128x512xf32, #tpu.memory_space<vmem>>, vector<128x512xf32>,
    return
  }
}

module attributes {stable_mosaic.version = 14 : i64} {
  func.func @_gcn_layer2_body(%arg0: memref<128x512xf32, #tpu.memory_space<vmem>>, %arg1: memref<128x1xf32, #tpu.memory_space<vmem>>, %arg2: memref<8x128xf32, #tpu.memory_space<vmem>>, %arg3: memref<512x512xf32, #tpu.memory_space<vmem>>, %arg4: memref<1x512xf32, #tpu.memory_space<vmem>>, %arg5: memref<512x1000xf32, #tpu.memory_space<vmem>>, %arg6: memref<1x1000xf32, #tpu.memory_space<vmem>>, %arg7: memref<8x1000xf32, #tpu.memory_space<vmem>>) attributes {dimension_semantics = [], scalar_prefetch = 0 : i64, scratch_operands = 0 : i64, tpu.core_type = #tpu.core_type<tc>} {
    %get3A = arith.constant 0 : index
    %get3A_0 = arith.constant 0 : index
    %get3A_1 = vector.load %arg0[%get3A, %get3A_0] : memref<128x512xf32, #tpu.memory_space<vmem>>, vector<128x512xf32>
    %get3A_2 = arith.constant 0 : index
    %get3A_3 = arith.constant 0 : index
    %get3A_4 = vector.load %arg1[%get3A_2, %get3A_3] : memref<128x1xf32, #tpu.memory_space<vmem>>, vector<128x1xf32>
    %mul3A = vector.broadcast %get3A_4 : vector<128x1xf32> to vector<128x512xf32>
    %mul3A_5 = arith.mulf %get3A_1, %mul3A : vector<128x512xf32>
    %get3A_6 = arith.constant 0 : index
    %get3A_7 = arith.constant 0 : index
    %get3A_8 = vector.load %arg3[%get3A_6, %get3A_7] : memref<512x512xf32, #tpu.memory_space<vmem>>, vector<512x512xf32>
    %dot_general3A = arith.constant dense<0.000000e+00> : vector<128x512xf32>
    %dot_general3A_9 = tpu.matmul %mul3A_5, %get3A_8, %dot_general3A {dimension_numbers = #tpu.dot_dimension_numbers<[1], [0], [0], [1], [0, 0, 1, 1], [], []>, transpose_lhs_hint = false} : vector<128x512xf32>, vector<512x512xf32>, vector<128x512xf32> -> vector<128x512xf32>
    %get3A_10 = arith.constant 0 : index
    %get3A_11 = arith.constant 0 : index
    %get3A_12 = vector.load %arg4[%get3A_10, %get3A_11] : memref<1x512xf32, #tpu.memory_space<vmem>>, vector<1x512xf32>
    %add3A = vector.broadcast %get3A_12 : vector<1x512xf32> to vector<128x512xf32>
    %add3A_13 = arith.addf %dot_general3A_9, %add3A : vector<128x512xf32>
    %max3A = arith.constant 0.000000e+00 : f32
    %max3A_14 = vector.broadcast %max3A : f32 to vector<128x512xf32>
    %max3A_15 = arith.maximumf %add3A_13, %max3A_14 : vector<128x512xf32>
    %get3A_16 = arith.constant 0 : index
    %get3A_17 = arith.constant 0 : index
    %get3A_18 = vector.load %arg2[%get3A_16, %get3A_17] : memref<8x128xf32, #tpu.memory_space<vmem>>, vector<8x128xf32>
    %dot_general3A_19 = arith.constant dense<0.000000e+00> : vector<8x512xf32>
    %dot_general3A_20 = tpu.matmul %get3A_18, %max3A_15, %dot_general3A_19 {dimension_numbers = #tpu.dot_dimension_numbers<[1], [0], [0], [1], [0, 0, 1, 1], [], []>, transpose_lhs_hint = false} : vector<8x128xf32>, vector<128x512xf32>, vector<8x512xf32> -> vector<8x512xf32>
    %get3A_21 = arith.constant 0 : index
    %get3A_22 = arith.constant 0 : index
    %get3A_23 = vector.load %arg5[%get3A_21, %get3A_22] : memref<512x1000xf32, #tpu.memory_space<vmem>>, vector<512x1000xf32>
    %dot_general3A_24 = arith.constant dense<0.000000e+00> : vector<8x1000xf32>
    %dot_general3A_25 = tpu.matmul %dot_general3A_20, %get3A_23, %dot_general3A_24 {dimension_numbers = #tpu.dot_dimension_numbers<[1], [0], [0], [1], [0, 0, 1, 1], [], []>, transpose_lhs_hint = false} : vector<8x512xf32>, vector<512x1000xf32>, vector<8x1000xf32> -> vector<8x1000xf32>
    %get3A_26 = arith.constant 0 : index
    %get3A_27 = arith.constant 0 : index
    %get3A_28 = vector.load %arg6[%get3A_26, %get3A_27] : memref<1x1000xf32, #tpu.memory_space<vmem>>, vector<1x1000xf32>
    %add3A_29 = vector.broadcast %get3A_28 : vector<1x1000xf32> to vector<8x1000xf32>
    %add3A_30 = arith.addf %dot_general3A_25, %add3A_29 : vector<8x1000xf32>
    %swap3A = arith.constant 0 : index
    %swap3A_31 = arith.constant 0 : index
    %swap3A_32 = vector.load %arg7[%swap3A, %swap3A_31] : memref<8x1000xf32, #tpu.memory_space<vmem>>, vector<8x1000xf32>
    tpu.vector_store %arg7[%swap3A, %swap3A_31], %add3A_30 {strides = array<i32>} : memref<8x1000xf32, #tpu.memory_space<vmem>>, vector<8x1000xf32>,
    return
  }
}

</mosaic_0001>

<sc_bundles>
// kernel: kernel.10.cloned.1.call-start
scs
__scs_entry_jumppad:
0x0: {  	(pc) =	sbr.rel $0x88, $3  }
0x1: {  	(tag) =	ssettag $0x0;
	lr =	simm.s32 $0x1  }
0x2: {  	[smem:$0x3F98] =	sst lr;
	_ =	strace $0xD0000000  }
0x3: {  	_ = 	snop  }
0x4: {  	_ = 	snop  }
0x5: {  	_ = 	snop  }
0x6: {  	_ = 	snop  }
0x7: {  	_ = 	snop  }
__scs_overlays_trampoline_lowered:
0x8: {  	[smem:$0x3FA7] =	sst s0  }
0x9: {  	[smem:$0x3FA8] =	sst s1  }
0xa: {  	[smem:$0x3FA9] =	sst s2  }
0xb: {  	[smem:$0x3FAA] =	sst s3  }
0xc: {  	[smem:$0x3FAB] =	sst s4  }
0xd: {  	[smem:$0x3FAC] =	sst s5  }
0xe: {  	[smem:$0x3FAD] =	sst s6  }
0xf: {  	[smem:$0x3FAE] =	sst s7  }
0x10: {  	[smem:$0x3FAF] =	sst s8  }
0x11: {  	[smem:$0x3FB0] =	sst s9;
	s0 =	simm.s32 @!p0 $0x0  }
0x12: {  	s1 =	sld [smem:$0x3F96];
	s0 =	simm.s32 @p0 $0x1  }
0x13: {  	[smem:$0x3FB1] =	sst s0;
	s0 =	simm.s32 @!p1 $0x0  }
0x14: {  	s2 =	sld [smem:$0x3F95];
	s0 =	simm.s32 @p1 $0x1  }
0x15: {  	[smem:$0x3FB2] =	sst s0;
	s0 =	simm.s32 @!p2 $0x0  }
0x16: {  	s3 =	sld [smem:$0x3FDB];
	s0 =	simm.s32 @p2 $0x1  }
0x17: {  	s4 =	simm.s32 $0x1BF5;
	[smem:$0x3FB4] =	sst s0  }
0x18: {  	s0 =	sld [smem:$0x3F97];
	_ =	swait.ge [sflag:s4], $0x0  }
0x19: {  	s7 =	sld [smem:$0x3F98]  }
0x1a: {  	s8 =	sadd.s32 $0xFFFFE003, lr  }
0x1b: {  	s9 =	sadd.s32 $0xFFFFFEF7, lr;
	s5 =	simm.s32 $0xFFFFFFFF;
	p2 =	slt.u32 s8, $0xFFFFF086  }
0x1c: {  	p1 =	slt.u32 s9, $0xF7A;
	s5 =	simm.s32 @!p2 $0x0  }
0x1d: {  	s5 =	simm.s32 @p1 $0x1;
	p0 =	seq.s32 s7, s2  }
0x1e: {  	s7 =	smul.u32 @!p0 $0xF7A, s2;
	p2 =	seq.s32 @!p0 s5, $0x0  }
0x1f: {  	s9 =	smul.u32 $0xF7A, s1;
	s8 =	simm.s32 @!p0 $0x1BF5;
	p2 =	por !p2, p0  }
0x20: {  	[sflag:s8] =	ssyncset.s32 @!p0 $0xFFFFF086;
	s6 =	sadd.s32 @!p0 s3, s7;
	s7 =	simm.s32 @!p0 $0x108  }
0x21: {  	s3 =	sadd.s32 s3, s9;
	s6 =	sadd.s32 @!p0 $0x88, s6;
	s7 =	simm.s32 @p2 $0x1082  }
0x22: {  	[simem:s7], [sflag:s8] =	dma.local @!p0 [hbm:s6], $0xF7A  }
0x23: {  	s9 =	sor.u32 $0xD0000000, s2;
	s6 =	simm.s32 $0x108;
	_ =	swait.ge @!p0 [sflag:s8], $0x0  }
0x24: {  	s3 =	sadd.s32 $0x88, s3;
	s6 =	simm.s32 @!p1 $0x1082;
	[sflag:s4] =	ssyncset.s32 $0xFFFFF086  }
0x25: {  	[simem:s6], [sflag:s4] =	dma.local [hbm:s3], $0xF7A  }
0x26: {  	[smem:$0x3F98] =	sst s1;
	(tag) =	ssettag s2;
	_ =	strace s9  }
0x27: {  	s1 =	sld [smem:$0x3FA8]  }
0x28: {  	s2 =	sld [smem:$0x3FA9]  }
0x29: {  	s4 =	sld [smem:$0x3FAB]  }
0x2a: {  	p0 =	seq.s32 s5, $0x0;
	s5 =	sld [smem:$0x3FAC]  }
0x2b: {  	s6 =	sld [smem:$0x3FAD]  }
0x2c: {  	s7 =	sld [smem:$0x3FAE]  }
0x2d: {  	s3 =	simm.s32 $0x108;
	s8 =	sld [smem:$0x3FAF]  }
0x2e: {  	s3 =	simm.s32 @!p0 $0x1082;
	s9 =	sld [smem:$0x3FB0]  }
0x2f: {  	lr =	sadd.s32 s0, s3;
	s0 =	sld [smem:$0x3FA7]  }
0x30: {  	s3 =	sld [smem:$0x3FAA]  }
0x31: {  	[smem:$0x3FB3] =	sst s10  }
0x32: {  	s10 =	sld [smem:$0x3FB1];
	_ =	sdelay $0x3  }
0x33: {  	p0 =	seq.s32 s10, $0x1;
	s10 =	sld [smem:$0x3FB3];
	_ =	sdelay $0x3  }
0x34: {  	[smem:$0x3FB3] =	sst s10  }
0x35: {  	s10 =	sld [smem:$0x3FB2];
	_ =	sdelay $0x3  }
0x36: {  	p1 =	seq.s32 s10, $0x1;
	s10 =	sld [smem:$0x3FB3];
	_ =	sdelay $0x3  }
0x37: {  	[smem:$0x3FB3] =	sst s10  }
0x38: {  	s10 =	sld [smem:$0x3FB4]  }
0x39: {  	_ = 	snop;
	(pc) =	sbr.ind lr, $3  }
0x3a: {  	_ = 	snop  }
0x3b: {  	_ = 	snop  }
0x3c: {  	p2 =	seq.s32 s10, $0x1;
	s10 =	sld [smem:$0x3FB3]  }
0x3d: {  	_ =	shalt  }
0x3e: {  	_ =	shalt  }
0x3f: {  	_ =	shalt  }
0x40: {  	_ =	shalt  }
0x41: {  	_ =	shalt  }
0x42: {  	_ =	shalt  }
0x43: {  	_ =	shalt  }
0x44: {  	_ =	shalt  }
0x45: {  	_ =	shalt  }
0x46: {  	_ =	shalt  }
0x47: {  	_ =	shalt  }
0x48: {  	_ =	shalt  }
0x49: {  	_ =	shalt  }
0x4a: {  	_ =	shalt  }
0x4b: {  	_ =	shalt  }
0x4c: {  	_ =	shalt  }
0x4d: {  	_ =	shalt  }
0x4e: {  	_ =	shalt  }
0x4f: {  	_ =	shalt  }
0x50: {  	_ =	shalt  }
0x51: {  	_ =	shalt  }
0x52: {  	_ =	shalt  }
0x53: {  	_ =	shalt  }
0x54: {  	_ =	shalt  }
0x55: {  	_ =	shalt  }
0x56: {  	_ =	shalt  }
0x57: {  	_ =	shalt  }
0x58: {  	_ =	shalt  }
0x59: {  	_ =	shalt  }
0x5a: {  	_ =	shalt  }
0x5b: {  	_ =	shalt  }
0x5c: {  	_ =	shalt  }
0x5d: {  	_ =	shalt  }
0x5e: {  	_ =	shalt  }
0x5f: {  	_ =	shalt  }
0x60: {  	_ =	shalt  }
0x61: {  	_ =	shalt  }
0x62: {  	_ =	shalt  }
0x63: {  	_ =	shalt  }
0x64: {  	_ =	shalt  }
0x65: {  	_ =	shalt  }
0x66: {  	_ =	shalt  }
0x67: {  	_ =	shalt  }
0x68: {  	_ =	shalt  }
0x69: {  	_ =	shalt  }
0x6a: {  	_ =	shalt  }
0x6b: {  	_ =	shalt  }
0x6c: {  	_ =	shalt  }
0x6d: {  	_ =	shalt  }
0x6e: {  	_ =	shalt  }
0x6f: {  	_ =	shalt  }
0x70: {  	_ =	shalt  }
0x71: {  	_ =	shalt  }
0x72: {  	_ =	shalt  }
0x73: {  	_ =	shalt  }
0x74: {  	_ =	shalt  }
0x75: {  	_ =	shalt  }
0x76: {  	_ =	shalt  }
0x77: {  	_ =	shalt  }
0x78: {  	_ =	shalt  }
0x79: {  	_ =	shalt  }
0x7a: {  	_ =	shalt  }
0x7b: {  	_ =	shalt  }
0x7c: {  	_ =	shalt  }
0x7d: {  	_ =	shalt  }
0x7e: {  	_ =	shalt  }
0x7f: {  	_ =	shalt  }
0x80: {  	_ =	shalt  }
0x81: {  	_ =	shalt  }
0x82: {  	_ =	shalt  }
0x83: {  	_ =	shalt  }
0x84: {  	_ =	shalt  }
0x85: {  	_ =	shalt  }
0x86: {  	_ =	shalt  }
0x87: {  	_ =	shalt  }
.Lfunc_end0:
.L_simem_size_0:
called_computation.1_lowered:
.L_overlay_start_0:
0x88: {  	s2 =	sld [smem:$0x3FD9]  }
0x89: {  	s3 =	sld [smem:$0x3FFE];
	_ =	sdelay $0x1  }
0x8a: {  	s1 =	srdreg.scid  }
0x8b: {  	s0 =	sand.u32 $0x1, s1  }
0x8c: {  	s16 =	sshll.u32 s0, $0xA;
	s2 =	sadd.s32 s3, s2  }
0x8d: {  	s2 =	sadd.s32 s2, s16  }
0x8e: {  	[smem:$0x3FBF] =	sst s2  }
0x8f: {  	_ = 	snop  }
0x90: {  	(tm) =	ssettm $0x1  }
0x91: {  	s17 =	sld [smem:$0x3FFB];
	_ =	sdelay $0x3  }
0x92: {  	_ =	strace s17  }
0x93: {  	s2 =	sld [smem:$0x3FFC];
	_ =	sdelay $0x3  }
0x94: {  	_ =	strace s2  }
0x95: {  	s2 =	sld [smem:$0x3FFD];
	_ =	sdelay $0x3  }
0x96: {  	_ =	strace s2  }
0x97: {  	_ =	strace $0x8FFFFFFF  }
0x98: {  	s18 =	sld [smem:$0x3FDB];
	_ =	sdelay $0x1  }
0x99: {  	s19 =	simm.s32 $_scs_section_size  }
0x9a: {  	s4 =	simm.s32 $_size__tile_overlayer_lowered;
	s5 =	simm.s32 $_tile_overlayer_lowered  }
0x9b: {  	s22 =	simm.s32 $0x1BFF;
	s21 =	sshll.u32 s5, $0x1;
	s2 =	sadd.s32 s19, s18  }
0x9c: {  	s6 =	simm.s32 $0x0;
	s20 =	sshll.u32 s4, $0x1;
	s4 =	sadd.s32 s21, s2  }
0x9d: {  	[timem:s6], [sflag:s22] =	dma.local [hbm:s4], s20  }
0x9e: {  	_ =	swait.ge [sflag:s22], s20  }
0x9f: {  	s3 =	ssub.s32 $0x0, s20;
	[sflag:s22] =	ssyncset.done $0x0  }
0xa0: {  	[sflag:s22] =	ssyncadd.s32 s3;
	_ =	sdelay $0x1  }
0xa1: {  	s23 =	simm.s32 $0x1B8B  }
0xa2: {  	_ =	swait.ge [sflag:s23], $0x1  }
0xa3: {  	[sflag:s23] =	ssyncset.done $0x0  }
0xa4: {  	s25 =	simm.s32 $0x1B8E;
	s24 =	sld [smem:$0x3FFE];
	[sflag:s23] =	ssyncadd.s32 $0xFFFFFFFF  }
0xa5: {  	s26 =	simm.s32 $execute0_lowered;
	[smem:$0x3FD2] =	sst s25  }
0xa6: {  	s4 =	sshll.u32 s26, $0x1;
	_ =	strace $0x80000049;
	[dreg:$0x1] =	wrdreg $0xFFFFFFFF  }
0xa7: {  	s28 =	simm.s32 $_size_execute0_lowered;
	s2 =	sadd.s32 s2, s4;
	[dreg:$0x0] =	wrdreg $0x0  }
0xa8: {  	s4 =	sshll.u32 s28, $0x1;
	[dreg:$0x2] =	wrdreg s2  }
0xa9: {  	[dreg:$0x3] =	wrdreg s4  }
0xaa: {  	[dreg:$0x4] =	wrdreg $0xC0  }
0xab: {  	_ =	task [dreg:s6], $0x5FFFF  }
0xac: {  	[dreg:$0x1] =	wrdreg $0xFFFFFFFF  }
0xad: {  	[dreg:$0x0] =	wrdreg $0x60  }
0xae: {  	[dreg:$0x2] =	wrdreg s24  }
0xaf: {  	[dreg:$0x3] =	wrdreg $0x9  }
0xb0: {  	_ =	task.clear_ibuf [dreg:s6], $0x4FFFF;
	_ =	strace $0x90000049  }
0xb1: {  	s29 =	simm.s32 $0x9;
	_ =	strace $0x8000004B  }
0xb2: {  	_ =	swait.ge [sflag:s29], $0x1  }
0xb3: {  	[sflag:s29] =	ssyncadd.s32 $0xFFFFFFFF  }
0xb4: {  	_ =	strace $0x9000004B  }
0xb5: {  	_ =	sfence  }
0xb6: {  	s30 =	sld [smem:$0x0];
	_ =	sdelay $0x2  }
0xb7: {  	s31 =	sshll.u32 s1, $0xD;
	s1 =	sshrl.u32 s1, $0x2  }
0xb8: {  	s3 =	sand.u32 $0x4000, s31;
	s1 =	sadd.s32 s1, s30  }
0xb9: {  	s0 =	sor.u32 s3, s0;
	s1 =	sshll.u32 s1, $0x11  }
0xba: {  	s0 =	sor.u32 s1, s0  }
0xbb: {  	s0 =	sadd.s32 $0x8F2B, s0  }
0xbc: {  	[sflag:s0] =	ssyncadd.remote.s32 $0x1  }
0xbd: {  	_ =	sfence.sel $0xFFFF  }
0xbe: {  	[dreg:$0x0] =	wrdreg $0xFFFFFFFF;
	(pc) =	sbr.abs _section_cstart, $3  }
0xbf: {  	[dreg:$0x1] =	wrdreg $0xFFFFFFFF  }
0xc0: {  	_ =	task.clear_ibuf [dreg:s6], $0x2FFFF;
	_ =	strace $0x9FFFFFFF  }
0xc1: {  	(tm) =	ssettm $0x7FFFFFFF  }
tec
execute0_lowered:
.L_overlay_start_1:
0x0: {  	(tag) =	ssettag $0x1  }
0x1: {  	s0 =	srdreg.scid  }
0x2: {  	s3 =	sand.u32 $0x1, s0  }
0x3: {  	s0 =	stileid.u32;
	s1 =	sshll.u32 s3, $0x4  }
0x4: {  	s2 =	sand.u32 $0x3, s0;
	s1 =	sor.u32 s0, s1  }
0x5: {  	p1 =	sne.s32 s2, $0x0;
	p0 =	seq.s32 s1, $0x0  }
0x6: {  	p0 =	por !p1, !p0  }
0x7: {  	s4 =	simm.s32 $0x1;
	s5 =	rddreg [dreg:$0x0];
	p0 =	por !p0, !p0  }
0x8: {  	s9 =	simm.s32 $0x400;
	s1 =	sshrl.u32 s1, $0x2;
	s4 =	simm.s32 @!p0 $0x0  }
0x9: {  	s10 =	simm.s32 $0x1000;
	s3 =	ssub.s32 $0x2, s3;
	s4 =	ssub.s32 s1, s4  }
0xa: {  	s6 =	sshll.u32 s2, $0xA;
	s2 =	simm.s32 $0x0;
	s4 =	sshll.u32 s4, $0xD  }
0xb: {  	s31 =	sshrl.u32 s3, $0x1;
	[smem:$0x7FF] =	sst s2;
	s4 =	sor.u32 s6, s4  }
0xc: {  	s8 =	ssub.s32 s3, s31;
	s3 =	sadd.s32 $0x1, s0;
	s4 =	sshrl.u32 s4, $0x3  }
0xd: {  	s8 =	smax.u32 s8, $0x1;
	s7 =	sadd.s32 s4, s5;
	s4 =	sshll.u32 s0, $0xB  }
0xe: {  	s1 =	rddreg [dreg:$0x1];
	_ =	strace $0x8000004A;
	s11 =	sor.u32 $0x8780, s4  }
0xf: {  	v0 =	vimm.f32 $0.0e+00;
	s5 =	sadd.s32 $0x1E00, s7;
	s6 =	sor.u32 $0x8000, s4;
	s7 =	sadd.s32 $0x3E00, s7;
	v1 =	vmov s11  }
.LBB2_1:
0x10: {  	[tilespmem:s4], [sflag:s3] =	stream.strided.gather [hbm4b:s5+s9], $0x800, s10, s9, $0x38;
	[tilespmem:$0x10000] =	vst v63  }
0x11: {  	_ =	swait.ge [sflag:s3], $0x800  }
0x12: {  	s11 =	smov.u32 s6;
	[sflag:s3] =	ssyncset.done $0x0  }
0x13: {  	s12 =	smov.u32 s4;
	s13 =	simm.s32 $0x0;
	[sflag:s3] =	ssyncadd.s32 $0xFFFFF800  }
.LBB2_2:
0x14: {  	v2 =	vmov s12;
	_ =	sdelay $0x2  }
0x15: {  	s14 =	sshll.u32 s13, $0x4  }
0x16: {  	v3 =	vmov s11;
	s15 =	simm.s32 $0x1A00;
	[tilespmem:v1+s14+$0x0 ss:$0x1] =	vst.idx.msk $0xffff, v0;
	s14 =	simm.s32 $0x700  }
.LBB2_3:
0x17: {  	p0 =	sne.s32 s15, $0x0;
	v4 =	vld.idx.msk [tilespmem:v2+s14+$0x80 ss:$0x1], $0xffff;
	_ =	sdelay $0x5  }
0x18: {  	[tilespmem:v3+s14+$0x0 ss:$0x1] =	vst.idx.msk $0xffff, v4  }
0x19: {  	v5 =	vld.idx.msk [tilespmem:v2+s14+$0x0 ss:$0x1], $0xffff;
	_ =	sdelay $0x3  }
.Ltmp0:
0x1a: {  	(pc) =	sbr.rel @p0 .LBB2_3-.Ltmp0, $3  }
0x1b: {  	_ = 	snop  }
0x1c: {  	v4 =	vadd.f32 v5, v4;
	_ =	sdelay $0x1  }
0x1d: {  	[tilespmem:v2+s14+$0x0 ss:$0x1] =	vst.idx.msk $0xffff, v4;
	s14 =	sshra.s32 s15, $0x2;
	s15 =	sadd.s32 $0xFFFFFE00, s15  }
0x1e: {  	_ =	sdelay $0x3  }
0x1f: {  	v4 =	vld.idx.msk [tilespmem:v2+s14+$0x80 ss:$0x1], $0xffff;
	_ =	sdelay $0x4  }
0x20: {  	[tilespmem:v3+s14+$0x0 ss:$0x1] =	vst.idx.msk $0xffff, v4  }
0x21: {  	v3 =	vld.idx.msk [tilespmem:v2+s14+$0x0 ss:$0x1], $0xffff  }
0x22: {  	s13 =	sadd.s32 $0x1, s13  }
0x23: {  	p0 =	sne.s32 s13, $0x8  }
.Ltmp1:
0x24: {  	_ = 	snop;
	(pc) =	sbr.rel @p0 .LBB2_2-.Ltmp1, $3  }
0x25: {  	_ = 	snop  }
0x26: {  	v3 =	vadd.f32 v3, v4;
	_ =	sdelay $0x1  }
0x27: {  	s12 =	sadd.s32 $0x10, s12;
	s11 =	sadd.s32 $0x10, s11;
	[tilespmem:v2+s14+$0x0 ss:$0x1] =	vst.idx.msk $0xffff, v3  }
0x28: {  	s2 =	sadd.s32 $0x1, s2  }
0x29: {  	p0 =	sne.s32 s2, s8  }
.Ltmp2:
0x2a: {  	_ = 	snop;
	(pc) =	sbr.rel @p0 .LBB2_1-.Ltmp2, $4  }
0x2b: {  	[hbm4b:s7+s9] =	stream.strided.scatter [tilespmem:s6], [sflag:s3], $0x800, s10, s9, $0x38;
	[tilespmem:$0x10000] =	vst v63  }
0x2c: {  	_ =	swait.ge [sflag:s3], $0x800  }
0x2d: {  	[sflag:s3] =	ssyncset.done $0x0  }
0x2e: {  	[sflag:s3] =	ssyncadd.s32 $0xFFFFF800  }
0x2f: {  	_ =	sfence.sel $0x180000  }
0x30: {  	[bflag:$0x0] =	sbarrier.arrive $0xFFFF  }
0x31: {  	p0 =	sne.s32 s0, $0x0;
	_ =	strace $0x9000004A  }
0x32: {  	s0 =	sadd.s32 @!p0 $0x100000, s1;
	[bflag:$0x2] =	sbarrier.arrive $0xFFFF  }
0x33: {  	[sflag:s0] =	ssyncadd.tile.s32 @!p0 $0x1;
	_ =	shalt  }
.Lfunc_end2:
_tile_overlayer_lowered:
.L_overlay_start_2:
0x34: {  	(tag) =	ssettag $0x2  }
0x35: {  	s0 =	rddreg [dreg:$0x0];
	s2 =	stileid.u32  }
0x36: {  	s1 =	rddreg [dreg:$0x1];
	p0 =	sne.s32 s2, $0x0  }
0x37: {  	s3 =	rddreg [dreg:$0x2];
	[bflag:$0x3] =	sbarrier.arrive $0xFFFF;
	s2 =	simm.s32 @!p0 $0x1C11  }
0x38: {  	[timem:s3], [sflag:s2] =	dma.local @!p0 [hbm:s0], s1  }
0x39: {  	s0 =	simm.s32 @!p0 $0x11  }
0x3a: {  	_ =	swait.ge @!p0 [sflag:s0], s1  }
0x3b: {  	s1 =	ssub.s32 @!p0 $0x0, s1;
	[sflag:s0] =	ssyncset.done @!p0 $0x0  }
0x3c: {  	[sflag:s0] =	ssyncadd.s32 @!p0 s1  }
0x3d: {  	[bflag:$0x3] =	sbarrier.arrive $0xFFFF  }
0x3e: {  	_ =	shalt  }

// kernel: kernel.7.cloned.1.call-start
scs
__scs_entry_jumppad:
0x0: {  	(pc) =	sbr.rel $0x88, $3  }
0x1: {  	(tag) =	ssettag $0x0;
	lr =	simm.s32 $0x1  }
0x2: {  	[smem:$0x3F98] =	sst lr;
	_ =	strace $0xD0000000  }
0x3: {  	_ = 	snop  }
0x4: {  	_ = 	snop  }
0x5: {  	_ = 	snop  }
0x6: {  	_ = 	snop  }
0x7: {  	_ = 	snop  }
__scs_overlays_trampoline_lowered:
0x8: {  	[smem:$0x3FA7] =	sst s0  }
0x9: {  	[smem:$0x3FA8] =	sst s1  }
0xa: {  	[smem:$0x3FA9] =	sst s2  }
0xb: {  	[smem:$0x3FAA] =	sst s3  }
0xc: {  	[smem:$0x3FAB] =	sst s4  }
0xd: {  	[smem:$0x3FAC] =	sst s5  }
0xe: {  	[smem:$0x3FAD] =	sst s6  }
0xf: {  	[smem:$0x3FAE] =	sst s7  }
0x10: {  	[smem:$0x3FAF] =	sst s8  }
0x11: {  	[smem:$0x3FB0] =	sst s9;
	s0 =	simm.s32 @!p0 $0x0  }
0x12: {  	s1 =	sld [smem:$0x3F96];
	s0 =	simm.s32 @p0 $0x1  }
0x13: {  	[smem:$0x3FB1] =	sst s0;
	s0 =	simm.s32 @!p1 $0x0  }
0x14: {  	s2 =	sld [smem:$0x3F95];
	s0 =	simm.s32 @p1 $0x1  }
0x15: {  	[smem:$0x3FB2] =	sst s0;
	s0 =	simm.s32 @!p2 $0x0  }
0x16: {  	s3 =	sld [smem:$0x3FDB];
	s0 =	simm.s32 @p2 $0x1  }
0x17: {  	s4 =	simm.s32 $0x1BF5;
	[smem:$0x3FB4] =	sst s0  }
0x18: {  	s0 =	sld [smem:$0x3F97];
	_ =	swait.ge [sflag:s4], $0x0  }
0x19: {  	s7 =	sld [smem:$0x3F98]  }
0x1a: {  	s8 =	sadd.s32 $0xFFFFE003, lr  }
0x1b: {  	s9 =	sadd.s32 $0xFFFFFEF7, lr;
	s5 =	simm.s32 $0xFFFFFFFF;
	p2 =	slt.u32 s8, $0xFFFFF086  }
0x1c: {  	p1 =	slt.u32 s9, $0xF7A;
	s5 =	simm.s32 @!p2 $0x0  }
0x1d: {  	s5 =	simm.s32 @p1 $0x1;
	p0 =	seq.s32 s7, s2  }
0x1e: {  	s7 =	smul.u32 @!p0 $0xF7A, s2;
	p2 =	seq.s32 @!p0 s5, $0x0  }
0x1f: {  	s9 =	smul.u32 $0xF7A, s1;
	s8 =	simm.s32 @!p0 $0x1BF5;
	p2 =	por !p2, p0  }
0x20: {  	[sflag:s8] =	ssyncset.s32 @!p0 $0xFFFFF086;
	s6 =	sadd.s32 @!p0 s3, s7;
	s7 =	simm.s32 @!p0 $0x108  }
0x21: {  	s3 =	sadd.s32 s3, s9;
	s6 =	sadd.s32 @!p0 $0x88, s6;
	s7 =	simm.s32 @p2 $0x1082  }
0x22: {  	[simem:s7], [sflag:s8] =	dma.local @!p0 [hbm:s6], $0xF7A  }
0x23: {  	s9 =	sor.u32 $0xD0000000, s2;
	s6 =	simm.s32 $0x108;
	_ =	swait.ge @!p0 [sflag:s8], $0x0  }
0x24: {  	s3 =	sadd.s32 $0x88, s3;
	s6 =	simm.s32 @!p1 $0x1082;
	[sflag:s4] =	ssyncset.s32 $0xFFFFF086  }
0x25: {  	[simem:s6], [sflag:s4] =	dma.local [hbm:s3], $0xF7A  }
0x26: {  	[smem:$0x3F98] =	sst s1;
	(tag) =	ssettag s2;
	_ =	strace s9  }
0x27: {  	s1 =	sld [smem:$0x3FA8]  }
0x28: {  	s2 =	sld [smem:$0x3FA9]  }
0x29: {  	s4 =	sld [smem:$0x3FAB]  }
0x2a: {  	p0 =	seq.s32 s5, $0x0;
	s5 =	sld [smem:$0x3FAC]  }
0x2b: {  	s6 =	sld [smem:$0x3FAD]  }
0x2c: {  	s7 =	sld [smem:$0x3FAE]  }
0x2d: {  	s3 =	simm.s32 $0x108;
	s8 =	sld [smem:$0x3FAF]  }
0x2e: {  	s3 =	simm.s32 @!p0 $0x1082;
	s9 =	sld [smem:$0x3FB0]  }
0x2f: {  	lr =	sadd.s32 s0, s3;
	s0 =	sld [smem:$0x3FA7]  }
0x30: {  	s3 =	sld [smem:$0x3FAA]  }
0x31: {  	[smem:$0x3FB3] =	sst s10  }
0x32: {  	s10 =	sld [smem:$0x3FB1];
	_ =	sdelay $0x3  }
0x33: {  	p0 =	seq.s32 s10, $0x1;
	s10 =	sld [smem:$0x3FB3];
	_ =	sdelay $0x3  }
0x34: {  	[smem:$0x3FB3] =	sst s10  }
0x35: {  	s10 =	sld [smem:$0x3FB2];
	_ =	sdelay $0x3  }
0x36: {  	p1 =	seq.s32 s10, $0x1;
	s10 =	sld [smem:$0x3FB3];
	_ =	sdelay $0x3  }
0x37: {  	[smem:$0x3FB3] =	sst s10  }
0x38: {  	s10 =	sld [smem:$0x3FB4]  }
0x39: {  	_ = 	snop;
	(pc) =	sbr.ind lr, $3  }
0x3a: {  	_ = 	snop  }
0x3b: {  	_ = 	snop  }
0x3c: {  	p2 =	seq.s32 s10, $0x1;
	s10 =	sld [smem:$0x3FB3]  }
0x3d: {  	_ =	shalt  }
0x3e: {  	_ =	shalt  }
0x3f: {  	_ =	shalt  }
0x40: {  	_ =	shalt  }
0x41: {  	_ =	shalt  }
0x42: {  	_ =	shalt  }
0x43: {  	_ =	shalt  }
0x44: {  	_ =	shalt  }
0x45: {  	_ =	shalt  }
0x46: {  	_ =	shalt  }
0x47: {  	_ =	shalt  }
0x48: {  	_ =	shalt  }
0x49: {  	_ =	shalt  }
0x4a: {  	_ =	shalt  }
0x4b: {  	_ =	shalt  }
0x4c: {  	_ =	shalt  }
0x4d: {  	_ =	shalt  }
0x4e: {  	_ =	shalt  }
0x4f: {  	_ =	shalt  }
0x50: {  	_ =	shalt  }
0x51: {  	_ =	shalt  }
0x52: {  	_ =	shalt  }
0x53: {  	_ =	shalt  }
0x54: {  	_ =	shalt  }
0x55: {  	_ =	shalt  }
0x56: {  	_ =	shalt  }
0x57: {  	_ =	shalt  }
0x58: {  	_ =	shalt  }
0x59: {  	_ =	shalt  }
0x5a: {  	_ =	shalt  }
0x5b: {  	_ =	shalt  }
0x5c: {  	_ =	shalt  }
0x5d: {  	_ =	shalt  }
0x5e: {  	_ =	shalt  }
0x5f: {  	_ =	shalt  }
0x60: {  	_ =	shalt  }
0x61: {  	_ =	shalt  }
0x62: {  	_ =	shalt  }
0x63: {  	_ =	shalt  }
0x64: {  	_ =	shalt  }
0x65: {  	_ =	shalt  }
0x66: {  	_ =	shalt  }
0x67: {  	_ =	shalt  }
0x68: {  	_ =	shalt  }
0x69: {  	_ =	shalt  }
0x6a: {  	_ =	shalt  }
0x6b: {  	_ =	shalt  }
0x6c: {  	_ =	shalt  }
0x6d: {  	_ =	shalt  }
0x6e: {  	_ =	shalt  }
0x6f: {  	_ =	shalt  }
0x70: {  	_ =	shalt  }
0x71: {  	_ =	shalt  }
0x72: {  	_ =	shalt  }
0x73: {  	_ =	shalt  }
0x74: {  	_ =	shalt  }
0x75: {  	_ =	shalt  }
0x76: {  	_ =	shalt  }
0x77: {  	_ =	shalt  }
0x78: {  	_ =	shalt  }
0x79: {  	_ =	shalt  }
0x7a: {  	_ =	shalt  }
0x7b: {  	_ =	shalt  }
0x7c: {  	_ =	shalt  }
0x7d: {  	_ =	shalt  }
0x7e: {  	_ =	shalt  }
0x7f: {  	_ =	shalt  }
0x80: {  	_ =	shalt  }
0x81: {  	_ =	shalt  }
0x82: {  	_ =	shalt  }
0x83: {  	_ =	shalt  }
0x84: {  	_ =	shalt  }
0x85: {  	_ =	shalt  }
0x86: {  	_ =	shalt  }
0x87: {  	_ =	shalt  }
.Lfunc_end0:
.L_simem_size_0:
called_computation_lowered:
.L_overlay_start_0:
0x88: {  	s2 =	sld [smem:$0x3FD9]  }
0x89: {  	s3 =	sld [smem:$0x3FFE];
	_ =	sdelay $0x1  }
0x8a: {  	s1 =	srdreg.scid  }
0x8b: {  	s0 =	sand.u32 $0x1, s1  }
0x8c: {  	s16 =	sshll.u32 s0, $0xA;
	s2 =	sadd.s32 s3, s2  }
0x8d: {  	s2 =	sadd.s32 s2, s16  }
0x8e: {  	[smem:$0x3FBF] =	sst s2  }
0x8f: {  	_ = 	snop  }
0x90: {  	(tm) =	ssettm $0x1  }
0x91: {  	s17 =	sld [smem:$0x3FFB];
	_ =	sdelay $0x3  }
0x92: {  	_ =	strace s17  }
0x93: {  	s2 =	sld [smem:$0x3FFC];
	_ =	sdelay $0x3  }
0x94: {  	_ =	strace s2  }
0x95: {  	s2 =	sld [smem:$0x3FFD];
	_ =	sdelay $0x3  }
0x96: {  	_ =	strace s2  }
0x97: {  	_ =	strace $0x8FFFFFFF  }
0x98: {  	s18 =	sld [smem:$0x3FDB];
	_ =	sdelay $0x1  }
0x99: {  	s19 =	simm.s32 $_scs_section_size  }
0x9a: {  	s4 =	simm.s32 $_size__tile_overlayer_lowered;
	s5 =	simm.s32 $_tile_overlayer_lowered  }
0x9b: {  	s22 =	simm.s32 $0x1BFF;
	s21 =	sshll.u32 s5, $0x1;
	s2 =	sadd.s32 s19, s18  }
0x9c: {  	s6 =	simm.s32 $0x0;
	s20 =	sshll.u32 s4, $0x1;
	s4 =	sadd.s32 s21, s2  }
0x9d: {  	[timem:s6], [sflag:s22] =	dma.local [hbm:s4], s20  }
0x9e: {  	_ =	swait.ge [sflag:s22], s20  }
0x9f: {  	s3 =	ssub.s32 $0x0, s20;
	[sflag:s22] =	ssyncset.done $0x0  }
0xa0: {  	[sflag:s22] =	ssyncadd.s32 s3;
	_ =	sdelay $0x1  }
0xa1: {  	s23 =	simm.s32 $0x1B8B  }
0xa2: {  	_ =	swait.ge [sflag:s23], $0x1  }
0xa3: {  	[sflag:s23] =	ssyncset.done $0x0  }
0xa4: {  	s25 =	simm.s32 $0x1B8E;
	s24 =	sld [smem:$0x3FFE];
	[sflag:s23] =	ssyncadd.s32 $0xFFFFFFFF  }
0xa5: {  	s26 =	simm.s32 $execute0_lowered;
	[smem:$0x3FD2] =	sst s25  }
0xa6: {  	s4 =	sshll.u32 s26, $0x1;
	_ =	strace $0x80000046;
	[dreg:$0x1] =	wrdreg $0xFFFFFFFF  }
0xa7: {  	s28 =	simm.s32 $_size_execute0_lowered;
	s2 =	sadd.s32 s2, s4;
	[dreg:$0x0] =	wrdreg $0x0  }
0xa8: {  	s4 =	sshll.u32 s28, $0x1;
	[dreg:$0x2] =	wrdreg s2  }
0xa9: {  	[dreg:$0x3] =	wrdreg s4  }
0xaa: {  	[dreg:$0x4] =	wrdreg $0xC0  }
0xab: {  	_ =	task [dreg:s6], $0x5FFFF  }
0xac: {  	[dreg:$0x1] =	wrdreg $0xFFFFFFFF  }
0xad: {  	[dreg:$0x0] =	wrdreg $0x60  }
0xae: {  	[dreg:$0x2] =	wrdreg s24  }
0xaf: {  	[dreg:$0x3] =	wrdreg $0x9  }
0xb0: {  	_ =	task.clear_ibuf [dreg:s6], $0x4FFFF;
	_ =	strace $0x90000046  }
0xb1: {  	s29 =	simm.s32 $0x9;
	_ =	strace $0x80000048  }
0xb2: {  	_ =	swait.ge [sflag:s29], $0x1  }
0xb3: {  	[sflag:s29] =	ssyncadd.s32 $0xFFFFFFFF  }
0xb4: {  	_ =	strace $0x90000048  }
0xb5: {  	_ =	sfence  }
0xb6: {  	s30 =	sld [smem:$0x0];
	_ =	sdelay $0x2  }
0xb7: {  	s31 =	sshll.u32 s1, $0xD;
	s1 =	sshrl.u32 s1, $0x2  }
0xb8: {  	s3 =	sand.u32 $0x4000, s31;
	s1 =	sadd.s32 s1, s30  }
0xb9: {  	s0 =	sor.u32 s3, s0;
	s1 =	sshll.u32 s1, $0x11  }
0xba: {  	s0 =	sor.u32 s1, s0  }
0xbb: {  	s0 =	sadd.s32 $0x8F2B, s0  }
0xbc: {  	[sflag:s0] =	ssyncadd.remote.s32 $0x1  }
0xbd: {  	_ =	sfence.sel $0xFFFF  }
0xbe: {  	[dreg:$0x0] =	wrdreg $0xFFFFFFFF;
	(pc) =	sbr.abs _section_cstart, $3  }
0xbf: {  	[dreg:$0x1] =	wrdreg $0xFFFFFFFF  }
0xc0: {  	_ =	task.clear_ibuf [dreg:s6], $0x2FFFF;
	_ =	strace $0x9FFFFFFF  }
0xc1: {  	(tm) =	ssettm $0x7FFFFFFF  }
tec
execute0_lowered:
.L_overlay_start_1:
0x0: {  	(tag) =	ssettag $0x1  }
0x1: {  	s0 =	srdreg.scid  }
0x2: {  	s4 =	sand.u32 $0x1, s0  }
0x3: {  	s1 =	stileid.u32;
	s5 =	sshll.u32 s4, $0x4  }
0x4: {  	s5 =	sor.u32 s1, s5  }
0x5: {  	p0 =	sgt.u32 s5, $0x7  }
.Ltmp0:
0x6: {  	_ = 	snop;
	(pc) =	sbr.rel @p0 .LBB2_5-.Ltmp0, $4  }
0x7: {  	_ = 	snop  }
0x8: {  	s3 =	rddreg [dreg:$0x0];
	s2 =	simm.s32 $0x0  }
0x9: {  	[smem:$0x7FF] =	sst s2  }
0xa: {  	s0 =	rddreg [dreg:$0x1];
	_ =	strace $0x80000047  }
0xb: {  	s8 =	sshll.u32 s1, $0x8  }
0xc: {  	s7 =	sadd.s32 $0x1E00, s3;
	s6 =	sadd.s32 s8, s3;
	s3 =	sshll.u32 s1, $0xB  }
0xd: {  	v1 =	vmov s3  }
0xe: {  	s9 =	ssub.s32 $0x2, s4  }
0xf: {  	s4 =	sadd.s32 $0x1, s1;
	s10 =	sshrl.u32 s9, $0x1;
	s7 =	sadd.s32 s7, s8  }
0x10: {  	s5 =	sor.u32 $0x8000, s3;
	s9 =	ssub.s32 s9, s10;
	s31 =	sor.u32 $0x8700, s3  }
0x11: {  	v0 =	vimm.f32 $0.0e+00;
	s6 =	sadd.s32 $0x2600, s6;
	s8 =	smax.u32 s9, $0x1;
	v2 =	vmov s31;
	s9 =	simm.s32 $0x0  }
.LBB2_2:
0x12: {  	s10 =	simm.s32 $0x0  }
0x13: {  	[tilespmem:s3], [sflag:s4] =	stream.linear.gather [hbm4b:s7+s10], $0x800, $0x38;
	[tilespmem:$0x10000] =	vst v63  }
0x14: {  	_ =	swait.ge [sflag:s4], $0x800  }
0x15: {  	[sflag:s4] =	ssyncset.done $0x0  }
0x16: {  	[sflag:s4] =	ssyncadd.s32 $0xFFFFF800  }
0x17: {  	s11 =	simm.s32 $0xFFFFFE00;
	s10 =	simm.s32 $0x0;
	[tilespmem:s3+$0x8780] =	vst v0  }
.LBB2_3:
0x18: {  	p0 =	sne.s32 s11, $0xFFFFE400;
	v3 =	vld.idx.msk [tilespmem:v1+s10+$0x780 ss:$0x1], $0xffff;
	_ =	sdelay $0x5  }
0x19: {  	[tilespmem:v2+s10+$0x0 ss:$0x1] =	vst.idx.msk $0xffff, v3  }
0x1a: {  	v4 =	vld.idx.msk [tilespmem:v1+s10+$0x700 ss:$0x1], $0xffff;
	_ =	sdelay $0x3  }
.Ltmp1:
0x1b: {  	(pc) =	sbr.rel @p0 .LBB2_3-.Ltmp1, $3  }
0x1c: {  	_ = 	snop  }
0x1d: {  	v3 =	vadd.f32 v4, v3;
	_ =	sdelay $0x1  }
0x1e: {  	[tilespmem:v1+s10+$0x700 ss:$0x1] =	vst.idx.msk $0xffff, v3;
	s10 =	sshra.s32 s11, $0x2;
	s11 =	sadd.s32 $0xFFFFFE00, s11  }
0x1f: {  	_ =	sdelay $0x3  }
0x20: {  	v3 =	vld.idx.msk [tilespmem:v1+s10+$0x780 ss:$0x1], $0xffff;
	_ =	sdelay $0x4  }
0x21: {  	[tilespmem:v2+s10+$0x0 ss:$0x1] =	vst.idx.msk $0xffff, v3  }
0x22: {  	v4 =	vld.idx.msk [tilespmem:v1+s10+$0x700 ss:$0x1], $0xffff;
	_ =	sdelay $0x4  }
0x23: {  	s9 =	sadd.s32 $0x1, s9;
	v3 =	vadd.f32 v4, v3  }
0x24: {  	p0 =	sne.s32 s9, s8  }
.Ltmp2:
0x25: {  	[tilespmem:v1+s10+$0x700 ss:$0x1] =	vst.idx.msk $0xffff, v3;
	(pc) =	sbr.rel @p0 .LBB2_2-.Ltmp2, $4  }
0x26: {  	[hbm4b:s6+s2] =	stream.linear.scatter [tilespmem:s5], [sflag:s4], $0x800, $0x38;
	[tilespmem:$0x10000] =	vst v63  }
0x27: {  	_ =	swait.ge [sflag:s4], $0x800  }
0x28: {  	[sflag:s4] =	ssyncset.done $0x0  }
0x29: {  	[sflag:s4] =	ssyncadd.s32 $0xFFFFF800  }
.LBB2_5:
0x2a: {  	_ =	sfence.sel $0x180000  }
0x2b: {  	[bflag:$0x0] =	sbarrier.arrive $0xFFFF  }
0x2c: {  	p0 =	sne.s32 s1, $0x0;
	_ =	strace $0x90000047  }
0x2d: {  	s0 =	sadd.s32 @!p0 $0x100000, s0;
	[bflag:$0x2] =	sbarrier.arrive $0xFFFF  }
0x2e: {  	[sflag:s0] =	ssyncadd.tile.s32 @!p0 $0x1;
	_ =	shalt  }
.Lfunc_end2:
_tile_overlayer_lowered:
.L_overlay_start_2:
0x2f: {  	(tag) =	ssettag $0x2  }
0x30: {  	s0 =	rddreg [dreg:$0x0];
	s2 =	stileid.u32  }
0x31: {  	s1 =	rddreg [dreg:$0x1];
	p0 =	sne.s32 s2, $0x0  }
0x32: {  	s3 =	rddreg [dreg:$0x2];
	[bflag:$0x3] =	sbarrier.arrive $0xFFFF;
	s2 =	simm.s32 @!p0 $0x1C11  }
0x33: {  	[timem:s3], [sflag:s2] =	dma.local @!p0 [hbm:s0], s1  }
0x34: {  	s0 =	simm.s32 @!p0 $0x11  }
0x35: {  	_ =	swait.ge @!p0 [sflag:s0], s1  }
0x36: {  	s1 =	ssub.s32 @!p0 $0x0, s1;
	[sflag:s0] =	ssyncset.done @!p0 $0x0  }
0x37: {  	[sflag:s0] =	ssyncadd.s32 @!p0 s1  }
0x38: {  	[bflag:$0x3] =	sbarrier.arrive $0xFFFF  }
0x39: {  	_ =	shalt  }

</sc_bundles>
